<compile_context>
chip_gen: v7x
topology: tpu7x:2x2x1
jax: 0.10.2.dev20260603
libtpu: 0.0.44.dev20260713+nightly
codegen_flags: <defaults>
</compile_context>

<pallas_src>
import functools

import jax
import jax.numpy as jnp
from jax import lax
from jax.experimental import pallas as pl
from jax.experimental.pallas import tpu as pltpu
from jax.experimental.pallas import tpu_sc as plsc

NC = 2
NS = 16
L = 16
NW = NC * NS
CH = 128


def _sc_mesh():
    return plsc.VectorSubcoreMesh(
        core_axis_name="c", subcore_axis_name="s",
        num_cores=NC, num_subcores=NS)


_SC_PARAMS = pltpu.CompilerParams(needs_layout_passes=False)


def _deg_kernel(n_pad, nch):
    rps = n_pad // NS

    @functools.partial(
        pl.kernel,
        out_type=jax.ShapeDtypeStruct((NC, n_pad), jnp.float32),
        mesh=_sc_mesh(),
        compiler_params=_SC_PARAMS,
        scratch_types=[
            pltpu.VMEM((nch, CH), jnp.int32),
            pltpu.VMEM((nch, CH), jnp.float32),
            pltpu.VMEM((rps,), jnp.float32),
            pltpu.VMEM_SHARED((n_pad,), jnp.float32),
        ],
    )
    def k(row_hbm, ew_hbm, out_hbm, row_t, ew_t, zb, acc):
        c = lax.axis_index("c")
        s = lax.axis_index("s")
        wid = c * NS + s
        pltpu.sync_copy(row_hbm.at[wid], row_t)
        pltpu.sync_copy(ew_hbm.at[wid], ew_t)

        zf = jnp.zeros((L,), jnp.float32)

        @pl.loop(0, rps // L)
        def _(i):
            zb[pl.ds(i * L, L)] = zf

        pltpu.sync_copy(zb, acc.at[pl.ds(s * rps, rps)])
        plsc.subcore_barrier()

        @pl.loop(0, nch)
        def _(g):
            pltpu.sync_copy(ew_t.at[g], acc.at[row_t.at[g]], add=True)

        plsc.subcore_barrier()
        sl = pl.ds(s * rps, rps)
        pltpu.sync_copy(acc.at[sl], out_hbm.at[c, sl])

    return k


GB = 8


def _spmm_kernel(n_pad, f, nch):
    rps = n_pad // NS
    zr = CH
    assert rps % zr == 0 and nch % GB == 0

    @functools.partial(
        pl.kernel,
        out_type=jax.ShapeDtypeStruct((NC, n_pad, f), jnp.float32),
        mesh=_sc_mesh(),
        compiler_params=_SC_PARAMS,
        scratch_types=[
            pltpu.VMEM((n_pad,), jnp.float32),
            pltpu.VMEM((GB, CH), jnp.int32),
            pltpu.VMEM((GB, CH), jnp.int32),
            pltpu.VMEM((GB, CH), jnp.float32),
            pltpu.VMEM((CH, f), jnp.float32),
            pltpu.VMEM((CH,), jnp.float32),
            pltpu.VMEM_SHARED((n_pad, f), jnp.float32),
            pltpu.SemaphoreType.DMA,
        ],
    )
    def k(z_hbm, dis_hbm, src_hbm, dst_hbm, ew_hbm, out_hbm,
          dis_t, src_g, dst_g, ew_g, rows, wbuf, acc, sem):
        c = lax.axis_index("c")
        s = lax.axis_index("s")
        wid = c * NS + s
        pltpu.sync_copy(dis_hbm, dis_t)

        zf = jnp.zeros((L,), jnp.float32)

        @pl.loop(0, zr)
        def _(i):
            for q in range(f // L):
                rows[i, pl.ds(q * L, L)] = zf

        for j in range(rps // zr):
            pltpu.sync_copy(rows, acc.at[pl.ds(s * rps + j * zr, zr)])
        plsc.subcore_barrier()

        zero16 = jnp.zeros((L,), jnp.int32)

        @pl.loop(0, nch // GB)
        def _(t):
            gsl = pl.ds(t * GB, GB)
            pltpu.sync_copy(src_hbm.at[wid, gsl], src_g)
            pltpu.sync_copy(dst_hbm.at[wid, gsl], dst_g)
            pltpu.sync_copy(ew_hbm.at[wid, gsl], ew_g)

            @pl.loop(0, GB)
            def _(g):
                gather = pltpu.async_copy(z_hbm.at[src_g.at[g]], rows, sem)
                for j in range(CH // L):
                    sv = src_g[g, pl.ds(j * L, L)]
                    dv = dst_g[g, pl.ds(j * L, L)]
                    wv = ew_g[g, pl.ds(j * L, L)]
                    a = plsc.load_gather(dis_t, [sv])
                    b = plsc.load_gather(dis_t, [dv])
                    wbuf[pl.ds(j * L, L)] = -(a * wv * b)
                gather.wait()

                @pl.loop(0, CH)
                def _(i):
                    wspl = plsc.load_gather(wbuf, [zero16 + i])
                    for q in range(f // L):
                        rows[i, pl.ds(q * L, L)] = rows[i, pl.ds(q * L, L)] * wspl

                pltpu.sync_copy(rows, acc.at[dst_g.at[g]], add=True)

        plsc.subcore_barrier()
        for j in range(rps // zr):
            sl = pl.ds(s * rps + j * zr, zr)
            pltpu.sync_copy(acc.at[sl], out_hbm.at[c, sl])

    return k


def _dis_tc(deg_p):
    def body(dp_ref, o_ref):
        d = dp_ref[0] + dp_ref[1]
        o_ref[...] = jnp.where(d > 0, lax.rsqrt(d), 0.0)

    shape = deg_p.shape[1:]
    return pl.pallas_call(
        body, out_shape=jax.ShapeDtypeStruct(shape, jnp.float32))(deg_p)


def _combine1_tc(x_pad, p, w0, w1):
    n_pad, f = x_pad.shape
    bn = 640
    nb = n_pad // bn

    def body(x_ref, p_ref, w0_ref, w1_ref, t1_ref, acc_ref):
        t1 = p_ref[0] + p_ref[1]
        t1_ref[...] = t1
        acc_ref[...] = (
            jnp.dot(x_ref[...], w0_ref[...], preferred_element_type=jnp.float32)
            + jnp.dot(t1, w1_ref[...], preferred_element_type=jnp.float32))

    return pl.pallas_call(
        body,
        grid=(nb,),
        in_specs=[
            pl.BlockSpec((bn, f), lambda i: (i, 0)),
            pl.BlockSpec((NC, bn, f), lambda i: (0, i, 0)),
            pl.BlockSpec((f, f), lambda i: (0, 0)),
            pl.BlockSpec((f, f), lambda i: (0, 0)),
        ],
        out_specs=[pl.BlockSpec((bn, f), lambda i: (i, 0))] * 2,
        out_shape=[jax.ShapeDtypeStruct((n_pad, f), jnp.float32)] * 2,
    )(x_pad, p, w0, w1)


def _combine2_tc(n, x_pad, q, acc, w2, bias):
    n_pad, f = x_pad.shape
    bn = 400
    nb = n // bn
    assert nb * bn == n

    def body(x_ref, q_ref, a_ref, w2_ref, b_ref, o_ref):
        t2 = 2.0 * (q_ref[0] + q_ref[1]) - x_ref[...]
        o_ref[...] = (
            a_ref[...]
            + jnp.dot(t2, w2_ref[...], preferred_element_type=jnp.float32)
            + b_ref[...])

    return pl.pallas_call(
        body,
        grid=(nb,),
        in_specs=[
            pl.BlockSpec((bn, f), lambda i: (i, 0)),
            pl.BlockSpec((NC, bn, f), lambda i: (0, i, 0)),
            pl.BlockSpec((bn, f), lambda i: (i, 0)),
            pl.BlockSpec((f, f), lambda i: (0, 0)),
            pl.BlockSpec((1, f), lambda i: (0, 0)),
        ],
        out_specs=pl.BlockSpec((bn, f), lambda i: (i, 0)),
        out_shape=jax.ShapeDtypeStruct((n, f), jnp.float32),
    )(x_pad, q, acc, w2, bias)


def kernel(x, edge_index, edge_weight, W, bias):
    n, f = x.shape
    e = edge_weight.shape[0]
    assert W.shape[0] == 3 and f % L == 0

    n_pad = ((n + NW * L - 1) // (NW * L)) * (NW * L)
    nch = -(-e // (NW * CH * GB)) * GB
    e_pad = NW * nch * CH
    pad_e = e_pad - e

    row = jnp.pad(edge_index[0], (0, pad_e)).reshape(NW, nch, CH)
    col = jnp.pad(edge_index[1], (0, pad_e)).reshape(NW, nch, CH)
    ew = jnp.pad(edge_weight, (0, pad_e)).reshape(NW, nch, CH)
    x_pad = jnp.pad(x, ((0, n_pad - n), (0, 0)))

    deg_p = _deg_kernel(n_pad, nch)(row, ew)
    dis = _dis_tc(deg_p.reshape(NC, n_pad // f, f)).reshape(n_pad)

    spmm = _spmm_kernel(n_pad, f, nch)
    p = spmm(x_pad, dis, row, col, ew)
    tx1, acc = _combine1_tc(x_pad, p, W[0], W[1])
    q = spmm(tx1, dis, row, col, ew)
    return _combine2_tc(n, x_pad, q, acc, W[2], bias.reshape(1, f))

# --- scband reference (transcript-rebuilt; emitter-appended) ---
"""Pipeline reference for scband-net-24584392802821 (READ-ONLY COPY).

The authoritative reference and input builder live on the scoring server;
editing this copy changes nothing except your own understanding.
"""

import math
import jax, jax.numpy as jnp
import numpy as np

N = 10000
E = 320000
F_IN = 128
F_OUT = 128
K = 3
LAMBDA_MAX = 2.0  # default for sym-normalized Laplacian


def setup_inputs(seed: int = 0) -> dict:
    key = jax.random.key(seed)
    k1, k2, k3, k4 = jax.random.split(key, 4)
    x = jax.random.normal(k1, (N, F_IN), dtype=jnp.float32)
    edge_index = jax.random.randint(k2, (2, E), 0, N, dtype=jnp.int32)
    edge_weight = jax.random.uniform(k3, (E,), dtype=jnp.float32)
    stdv = math.sqrt(6.0 / (F_IN + F_OUT))
    W = jax.random.uniform(k4, (K, F_IN, F_OUT), dtype=jnp.float32, minval=-stdv, maxval=stdv)
    bias = jnp.zeros((F_OUT,), dtype=jnp.float32)
    return {"x": x, "edge_index": edge_index, "edge_weight": edge_weight, "W": W, "bias": bias}


def reference(x, edge_index, edge_weight, W, bias):
    # ChebConv2 forward: scaled/normalized Laplacian L_hat = 2L/lambda_max - I,
    # Chebyshev recursion Z_k, out = sum_k Z_k @ W[k] + bias.
    row = edge_index[0]
    col = edge_index[1]
    # sym-normalized Laplacian: L = I - D^{-1/2} A D^{-1/2}
    deg = jax.ops.segment_sum(edge_weight, row, num_segments=N)
    deg_inv_sqrt = jnp.where(deg > 0, deg ** -0.5, 0.0)
    w_norm = -deg_inv_sqrt[row] * edge_weight * deg_inv_sqrt[col]
    loop = jnp.arange(N, dtype=row.dtype)
    # edges of L scaled by 2/lambda_max, diagonal (I of L) scaled likewise,
    # then extra self-loops with weight -1 for the "- I" term of L_hat.
    src = jnp.concatenate([row, loop, loop])
    dst = jnp.concatenate([col, loop, loop])
    w_full = jnp.concatenate([
        (2.0 / LAMBDA_MAX) * w_norm,
        (2.0 / LAMBDA_MAX) * jnp.ones((N,), dtype=x.dtype),
        -jnp.ones((N,), dtype=x.dtype),
    ])

    def spmm(z):
        # out[i] = sum_{e: dst[e]==i} w_full[e] * z[src[e]]
        msg = w_full[:, None] * z[src]
        return jax.ops.segment_sum(msg, dst, num_segments=N)

    Tx0 = x
    out = Tx0 @ W[0]
    Tx1 = spmm(x)
    out = out + Tx1 @ W[1]
    for k in range(2, K):
        Tx2 = 2.0 * spmm(Tx1) - Tx0
        out = out + Tx2 @ W[k]
        Tx0, Tx1 = Tx1, Tx2
    return out + bias

if __name__ == "__main__":
    import jax
    _d = setup_inputs()
    print(jax.jit(kernel)(*tuple(_d.values())))

</pallas_src>

<mosaic_0001>
#map = affine_map<(d0, d1) -> (0, 0, 0)>
#map1 = affine_map<(d0, d1) -> (0, 0)>
module attributes {stable_mosaic.version = 14 : i64} {
  func.func @k(%arg0: i32, %arg1: i32, %arg2: memref<32x80x128xi32, #tpu.memory_space<hbm>>, %arg3: memref<32x80x128xf32, #tpu.memory_space<hbm>>, %arg4: memref<2x10240xf32, #tpu.memory_space<hbm>>, %arg5: memref<80x128xi32, #tpu.memory_space<vmem>>, %arg6: memref<80x128xf32, #tpu.memory_space<vmem>>, %arg7: memref<640xf32, #tpu.memory_space<vmem>>, %arg8: memref<10240xf32, #tpu.memory_space<vmem_shared>>) attributes {dimension_semantics = [#tpu.dimension_semantics<core_parallel>, #tpu.dimension_semantics<subcore_parallel>], iteration_bounds = array<i64: 2, 16>, scalar_prefetch = 0 : i64, scratch_operands = 4 : i64, tpu.core_type = #tpu.core_type<sc_vector_subcore>, window_params = [{transform_indices = #map}, {transform_indices = #map}, {transform_indices = #map1}]} {
    %mul3A = arith.constant 16 : i32
    %mul3A_0 = arith.muli %arg0, %mul3A : i32
    %add3A = arith.addi %mul3A_0, %arg1 : i32
    "tpu.region"() ({
      %run_scoped3A = tpu.sem_alloc : memref<!tpu.dma_semaphore, #tpu.memory_space<semaphore_mem>>
      %dma_start3A = arith.constant 0 : i32
      %dma_start3A_16 = arith.constant 0 : i32
      %dma_start3A_17 = tpu.memref_slice %arg2[%add3A, %dma_start3A, %dma_start3A_16] : memref<32x80x128xi32, #tpu.memory_space<hbm>> -> memref<1x80x128xi32, #tpu.memory_space<hbm>>
      %dma_start3A_18 = tpu.memref_squeeze %dma_start3A_17 : memref<1x80x128xi32, #tpu.memory_space<hbm>> -> memref<80x128xi32, #tpu.memory_space<hbm>>
      %dma_start3A_19 = arith.constant 0 : i32
      %dma_start3A_20 = arith.constant 0 : i32
      %dma_start3A_21 = tpu.memref_slice %arg2[%add3A, %dma_start3A_19, %dma_start3A_20] : memref<32x80x128xi32, #tpu.memory_space<hbm>> -> memref<1x80x128xi32, #tpu.memory_space<hbm>>
      %dma_start3A_22 = tpu.memref_squeeze %dma_start3A_21 : memref<1x80x128xi32, #tpu.memory_space<hbm>> -> memref<80x128xi32, #tpu.memory_space<hbm>>
      tpu.enqueue_dma source(%dma_start3A_22 : memref<80x128xi32, #tpu.memory_space<hbm>>) target(%arg5 : memref<80x128xi32, #tpu.memory_space<vmem>>) target_semaphore(%run_scoped3A : memref<!tpu.dma_semaphore, #tpu.memory_space<semaphore_mem>>)
      %dma_wait3A = arith.constant 0 : i32
      %dma_wait3A_23 = arith.constant 0 : i32
      %dma_wait3A_24 = tpu.memref_slice %arg2[%add3A, %dma_wait3A, %dma_wait3A_23] : memref<32x80x128xi32, #tpu.memory_space<hbm>> -> memref<1x80x128xi32, #tpu.memory_space<hbm>>
      %dma_wait3A_25 = tpu.memref_squeeze %dma_wait3A_24 : memref<1x80x128xi32, #tpu.memory_space<hbm>> -> memref<80x128xi32, #tpu.memory_space<hbm>>
      %dma_wait3A_26 = arith.constant 0 : i32
      %dma_wait3A_27 = arith.constant 0 : i32
      %dma_wait3A_28 = tpu.memref_slice %arg2[%add3A, %dma_wait3A_26, %dma_wait3A_27] : memref<32x80x128xi32, #tpu.memory_space<hbm>> -> memref<1x80x128xi32, #tpu.memory_space<hbm>>
      %dma_wait3A_29 = tpu.memref_squeeze %dma_wait3A_28 : memref<1x80x128xi32, #tpu.memory_space<hbm>> -> memref<80x128xi32, #tpu.memory_space<hbm>>
      tpu.wait_dma2 semaphore(%run_scoped3A : memref<!tpu.dma_semaphore, #tpu.memory_space<semaphore_mem>>) src(%dma_wait3A_29 : memref<80x128xi32, #tpu.memory_space<hbm>>) dst(%arg5 : memref<80x128xi32, #tpu.memory_space<vmem>>)
      tpu.yield
    }) : () -> ()
    "tpu.region"() ({
      %run_scoped3A = tpu.sem_alloc : memref<!tpu.dma_semaphore, #tpu.memory_space<semaphore_mem>>
      %dma_start3A = arith.constant 0 : i32
      %dma_start3A_16 = arith.constant 0 : i32
      %dma_start3A_17 = tpu.memref_slice %arg3[%add3A, %dma_start3A, %dma_start3A_16] : memref<32x80x128xf32, #tpu.memory_space<hbm>> -> memref<1x80x128xf32, #tpu.memory_space<hbm>>
      %dma_start3A_18 = tpu.memref_squeeze %dma_start3A_17 : memref<1x80x128xf32, #tpu.memory_space<hbm>> -> memref<80x128xf32, #tpu.memory_space<hbm>>
      %dma_start3A_19 = arith.constant 0 : i32
      %dma_start3A_20 = arith.constant 0 : i32
      %dma_start3A_21 = tpu.memref_slice %arg3[%add3A, %dma_start3A_19, %dma_start3A_20] : memref<32x80x128xf32, #tpu.memory_space<hbm>> -> memref<1x80x128xf32, #tpu.memory_space<hbm>>
      %dma_start3A_22 = tpu.memref_squeeze %dma_start3A_21 : memref<1x80x128xf32, #tpu.memory_space<hbm>> -> memref<80x128xf32, #tpu.memory_space<hbm>>
      tpu.enqueue_dma source(%dma_start3A_22 : memref<80x128xf32, #tpu.memory_space<hbm>>) target(%arg6 : memref<80x128xf32, #tpu.memory_space<vmem>>) target_semaphore(%run_scoped3A : memref<!tpu.dma_semaphore, #tpu.memory_space<semaphore_mem>>)
      %dma_wait3A = arith.constant 0 : i32
      %dma_wait3A_23 = arith.constant 0 : i32
      %dma_wait3A_24 = tpu.memref_slice %arg3[%add3A, %dma_wait3A, %dma_wait3A_23] : memref<32x80x128xf32, #tpu.memory_space<hbm>> -> memref<1x80x128xf32, #tpu.memory_space<hbm>>
      %dma_wait3A_25 = tpu.memref_squeeze %dma_wait3A_24 : memref<1x80x128xf32, #tpu.memory_space<hbm>> -> memref<80x128xf32, #tpu.memory_space<hbm>>
      %dma_wait3A_26 = arith.constant 0 : i32
      %dma_wait3A_27 = arith.constant 0 : i32
      %dma_wait3A_28 = tpu.memref_slice %arg3[%add3A, %dma_wait3A_26, %dma_wait3A_27] : memref<32x80x128xf32, #tpu.memory_space<hbm>> -> memref<1x80x128xf32, #tpu.memory_space<hbm>>
      %dma_wait3A_29 = tpu.memref_squeeze %dma_wait3A_28 : memref<1x80x128xf32, #tpu.memory_space<hbm>> -> memref<80x128xf32, #tpu.memory_space<hbm>>
      tpu.wait_dma2 semaphore(%run_scoped3A : memref<!tpu.dma_semaphore, #tpu.memory_space<semaphore_mem>>) src(%dma_wait3A_29 : memref<80x128xf32, #tpu.memory_space<hbm>>) dst(%arg6 : memref<80x128xf32, #tpu.memory_space<vmem>>)
      tpu.yield
    }) : () -> ()
    %broadcast_in_dim3A = arith.constant 0.000000e+00 : f32
    %broadcast_in_dim3A_1 = vector.broadcast %broadcast_in_dim3A : f32 to vector<16xf32>
    %scan3A = arith.constant 0 : i32
    %scan3A_2 = arith.constant 40 : i32
    %scan3A_3 = arith.addi %scan3A, %scan3A_2 : i32
    %scan3A_4 = arith.constant 1 : i32
    scf.for %scan3A_16 = %scan3A to %scan3A_3 step %scan3A_4  : i32 {
      %mul3A_17 = arith.constant 1 : i32
      %mul3A_18 = arith.muli %scan3A_16, %mul3A_17 : i32
      %add3A_19 = arith.constant 0 : i32
      %add3A_20 = arith.addi %add3A_19, %mul3A_18 : i32
      %mul3A_21 = arith.constant 16 : i32
      %mul3A_22 = arith.muli %add3A_20, %mul3A_21 : i32
      %swap3A = arith.index_cast %mul3A_22 : i32 to index
      %swap3A_23 = tpu.vector_load %arg7[%swap3A] {strides = array<i32>} : memref<640xf32, #tpu.memory_space<vmem>>, vector<16xf32>,
      tpu.vector_store %arg7[%swap3A], %broadcast_in_dim3A_1 {strides = array<i32>} : memref<640xf32, #tpu.memory_space<vmem>>, vector<16xf32>,
    }
    %scan3A_5 = arith.constant 40 : i32
    %mul3A_6 = arith.constant 640 : i32
    %mul3A_7 = arith.muli %arg1, %mul3A_6 : i32
    "tpu.region"() ({
      %run_scoped3A = tpu.sem_alloc : memref<!tpu.dma_semaphore, #tpu.memory_space<semaphore_mem>>
      %dma_start3A = tpu.memref_slice %arg8[%mul3A_7] : memref<10240xf32, #tpu.memory_space<vmem_shared>> -> memref<640xf32, #tpu.memory_space<vmem_shared>>
      %dma_start3A_16 = tpu.memref_slice %arg8[%mul3A_7] : memref<10240xf32, #tpu.memory_space<vmem_shared>> -> memref<640xf32, #tpu.memory_space<vmem_shared>>
      tpu.enqueue_dma source(%arg7 : memref<640xf32, #tpu.memory_space<vmem>>) target(%dma_start3A_16 : memref<640xf32, #tpu.memory_space<vmem_shared>>) target_semaphore(%run_scoped3A : memref<!tpu.dma_semaphore, #tpu.memory_space<semaphore_mem>>)
      %dma_wait3A = tpu.memref_slice %arg8[%mul3A_7] : memref<10240xf32, #tpu.memory_space<vmem_shared>> -> memref<640xf32, #tpu.memory_space<vmem_shared>>
      %dma_wait3A_17 = tpu.memref_slice %arg8[%mul3A_7] : memref<10240xf32, #tpu.memory_space<vmem_shared>> -> memref<640xf32, #tpu.memory_space<vmem_shared>>
      tpu.wait_dma2 semaphore(%run_scoped3A : memref<!tpu.dma_semaphore, #tpu.memory_space<semaphore_mem>>) src(%arg7 : memref<640xf32, #tpu.memory_space<vmem>>) dst(%dma_wait3A_17 : memref<640xf32, #tpu.memory_space<vmem_shared>>)
      tpu.yield
    }) : () -> ()
    %barrier3A = arith.constant 0 : index
    tpu.barrier barrier_id(%barrier3A)
    %scan3A_8 = arith.constant 0 : i32
    %scan3A_9 = arith.constant 80 : i32
    %scan3A_10 = arith.addi %scan3A_8, %scan3A_9 : i32
    %scan3A_11 = arith.constant 1 : i32
    scf.for %scan3A_16 = %scan3A_8 to %scan3A_10 step %scan3A_11  : i32 {
      %mul3A_17 = arith.constant 1 : i32
      %mul3A_18 = arith.muli %scan3A_16, %mul3A_17 : i32
      %add3A_19 = arith.constant 0 : i32
      %add3A_20 = arith.addi %add3A_19, %mul3A_18 : i32
      "tpu.region"() ({
        %run_scoped3A = tpu.sem_alloc : memref<!tpu.dma_semaphore, #tpu.memory_space<semaphore_mem>>
        %dma_start3A = arith.constant 0 : i32
        %dma_start3A_21 = tpu.memref_slice %arg6[%add3A_20, %dma_start3A] : memref<80x128xf32, #tpu.memory_space<vmem>> -> memref<1x128xf32, #tpu.memory_space<vmem>>
        %dma_start3A_22 = tpu.memref_squeeze %dma_start3A_21 : memref<1x128xf32, #tpu.memory_space<vmem>> -> memref<128xf32, #tpu.memory_space<vmem>>
        %dma_start3A_23 = arith.constant 0 : i32
        %dma_start3A_24 = tpu.memref_slice %arg5[%add3A_20, %dma_start3A_23] : memref<80x128xi32, #tpu.memory_space<vmem>> -> memref<1x128xi32, #tpu.memory_space<vmem>>
        %dma_start3A_25 = tpu.memref_squeeze %dma_start3A_24 : memref<1x128xi32, #tpu.memory_space<vmem>> -> memref<128xi32, #tpu.memory_space<vmem>>
        %dma_start3A_26 = arith.constant 0 : i32
        %dma_start3A_27 = tpu.memref_slice %arg8[%dma_start3A_26] : memref<10240xf32, #tpu.memory_space<vmem_shared>> -> memref<10240xf32, #tpu.memory_space<vmem_shared>>
        tpu.enqueue_indirect_dma source(%dma_start3A_22 : memref<128xf32, #tpu.memory_space<vmem>>) target(%dma_start3A_27 : memref<10240xf32, #tpu.memory_space<vmem_shared>>) offsets(%dma_start3A_25 : memref<128xi32, #tpu.memory_space<vmem>>) semaphore(%run_scoped3A : memref<!tpu.dma_semaphore, #tpu.memory_space<semaphore_mem>>) {add = true}
        %dma_wait3A = arith.constant 0 : i32
        %dma_wait3A_28 = tpu.memref_slice %arg6[%add3A_20, %dma_wait3A] : memref<80x128xf32, #tpu.memory_space<vmem>> -> memref<1x128xf32, #tpu.memory_space<vmem>>
        %dma_wait3A_29 = tpu.memref_squeeze %dma_wait3A_28 : memref<1x128xf32, #tpu.memory_space<vmem>> -> memref<128xf32, #tpu.memory_space<vmem>>
        %dma_wait3A_30 = arith.constant 0 : i32
        %dma_wait3A_31 = tpu.memref_slice %arg5[%add3A_20, %dma_wait3A_30] : memref<80x128xi32, #tpu.memory_space<vmem>> -> memref<1x128xi32, #tpu.memory_space<vmem>>
        %dma_wait3A_32 = tpu.memref_squeeze %dma_wait3A_31 : memref<1x128xi32, #tpu.memory_space<vmem>> -> memref<128xi32, #tpu.memory_space<vmem>>
        %dma_wait3A_33 = arith.constant 0 : i32
        %dma_wait3A_34 = tpu.memref_slice %arg8[%dma_wait3A_33] : memref<10240xf32, #tpu.memory_space<vmem_shared>> -> memref<10240xf32, #tpu.memory_space<vmem_shared>>
        tpu.wait_indirect_dma semaphore(%run_scoped3A : memref<!tpu.dma_semaphore, #tpu.memory_space<semaphore_mem>>) src(%dma_wait3A_29 : memref<128xf32, #tpu.memory_space<vmem>>) dst(%dma_wait3A_34 : memref<10240xf32, #tpu.memory_space<vmem_shared>>)
        tpu.yield
      }) : () -> ()
    }
    %scan3A_12 = arith.constant 80 : i32
    %barrier3A_13 = arith.constant 0 : index
    tpu.barrier barrier_id(%barrier3A_13)
    %mul3A_14 = arith.constant 640 : i32
    %mul3A_15 = arith.muli %arg1, %mul3A_14 : i32
    "tpu.region"() ({
      %run_scoped3A = tpu.sem_alloc : memref<!tpu.dma_semaphore, #tpu.memory_space<semaphore_mem>>
      %dma_start3A = tpu.memref_slice %arg4[%arg0, %mul3A_15] : memref<2x10240xf32, #tpu.memory_space<hbm>> -> memref<1x640xf32, #tpu.memory_space<hbm>>
      %dma_start3A_16 = tpu.memref_squeeze %dma_start3A : memref<1x640xf32, #tpu.memory_space<hbm>> -> memref<640xf32, #tpu.memory_space<hbm>>
      %dma_start3A_17 = tpu.memref_slice %arg8[%mul3A_15] : memref<10240xf32, #tpu.memory_space<vmem_shared>> -> memref<640xf32, #tpu.memory_space<vmem_shared>>
      tpu.enqueue_dma source(%dma_start3A_17 : memref<640xf32, #tpu.memory_space<vmem_shared>>) target(%dma_start3A_16 : memref<640xf32, #tpu.memory_space<hbm>>) target_semaphore(%run_scoped3A : memref<!tpu.dma_semaphore, #tpu.memory_space<semaphore_mem>>)
      %dma_wait3A = tpu.memref_slice %arg4[%arg0, %mul3A_15] : memref<2x10240xf32, #tpu.memory_space<hbm>> -> memref<1x640xf32, #tpu.memory_space<hbm>>
      %dma_wait3A_18 = tpu.memref_squeeze %dma_wait3A : memref<1x640xf32, #tpu.memory_space<hbm>> -> memref<640xf32, #tpu.memory_space<hbm>>
      %dma_wait3A_19 = tpu.memref_slice %arg8[%mul3A_15] : memref<10240xf32, #tpu.memory_space<vmem_shared>> -> memref<640xf32, #tpu.memory_space<vmem_shared>>
      tpu.wait_dma2 semaphore(%run_scoped3A : memref<!tpu.dma_semaphore, #tpu.memory_space<semaphore_mem>>) src(%dma_wait3A_19 : memref<640xf32, #tpu.memory_space<vmem_shared>>) dst(%dma_wait3A_18 : memref<640xf32, #tpu.memory_space<hbm>>)
      tpu.yield
    }) : () -> ()
    return
  }
}

#map = affine_map<(d0, d1) -> (0, 0)>
#map1 = affine_map<(d0, d1) -> (0)>
#map2 = affine_map<(d0, d1) -> (0, 0, 0)>
module attributes {stable_mosaic.version = 14 : i64} {
  func.func @k(%arg0: i32, %arg1: i32, %arg2: memref<10240x128xf32, #tpu.memory_space<hbm>>, %arg3: memref<10240xf32, #tpu.memory_space<hbm>>, %arg4: memref<32x80x128xi32, #tpu.memory_space<hbm>>, %arg5: memref<32x80x128xi32, #tpu.memory_space<hbm>>, %arg6: memref<32x80x128xf32, #tpu.memory_space<hbm>>, %arg7: memref<2x10240x128xf32, #tpu.memory_space<hbm>>, %arg8: memref<10240xf32, #tpu.memory_space<vmem>>, %arg9: memref<8x128xi32, #tpu.memory_space<vmem>>, %arg10: memref<8x128xi32, #tpu.memory_space<vmem>>, %arg11: memref<8x128xf32, #tpu.memory_space<vmem>>, %arg12: memref<128x128xf32, #tpu.memory_space<vmem>>, %arg13: memref<128xf32, #tpu.memory_space<vmem>>, %arg14: memref<10240x128xf32, #tpu.memory_space<vmem_shared>>, %arg15: memref<!tpu.dma_semaphore, #tpu.memory_space<semaphore_mem>>) attributes {dimension_semantics = [#tpu.dimension_semantics<core_parallel>, #tpu.dimension_semantics<subcore_parallel>], iteration_bounds = array<i64: 2, 16>, scalar_prefetch = 0 : i64, scratch_operands = 8 : i64, tpu.core_type = #tpu.core_type<sc_vector_subcore>, window_params = [{transform_indices = #map}, {transform_indices = #map1}, {transform_indices = #map2}, {transform_indices = #map2}, {transform_indices = #map2}, {transform_indices = #map2}]} {
    %mul3A = arith.constant 16 : i32
    %mul3A_0 = arith.muli %arg0, %mul3A : i32
    %add3A = arith.addi %mul3A_0, %arg1 : i32
    "tpu.region"() ({
      %run_scoped3A = tpu.sem_alloc : memref<!tpu.dma_semaphore, #tpu.memory_space<semaphore_mem>>
      tpu.enqueue_dma source(%arg3 : memref<10240xf32, #tpu.memory_space<hbm>>) target(%arg8 : memref<10240xf32, #tpu.memory_space<vmem>>) target_semaphore(%run_scoped3A : memref<!tpu.dma_semaphore, #tpu.memory_space<semaphore_mem>>)
      tpu.wait_dma2 semaphore(%run_scoped3A : memref<!tpu.dma_semaphore, #tpu.memory_space<semaphore_mem>>) src(%arg3 : memref<10240xf32, #tpu.memory_space<hbm>>) dst(%arg8 : memref<10240xf32, #tpu.memory_space<vmem>>)
      tpu.yield
    }) : () -> ()
    %broadcast_in_dim3A = arith.constant 0.000000e+00 : f32
    %broadcast_in_dim3A_1 = vector.broadcast %broadcast_in_dim3A : f32 to vector<16xf32>
    %scan3A = arith.constant 0 : i32
    %scan3A_2 = arith.constant 128 : i32
    %scan3A_3 = arith.addi %scan3A, %scan3A_2 : i32
    %scan3A_4 = arith.constant 1 : i32
    scf.for %scan3A_54 = %scan3A to %scan3A_3 step %scan3A_4  : i32 {
      %mul3A_55 = arith.constant 1 : i32
      %mul3A_56 = arith.muli %scan3A_54, %mul3A_55 : i32
      %add3A_57 = arith.constant 0 : i32
      %add3A_58 = arith.addi %add3A_57, %mul3A_56 : i32
      %swap3A = arith.index_cast %add3A_58 : i32 to index
      %swap3A_59 = arith.constant 0 : index
      %swap3A_60 = tpu.vector_load %arg12[%swap3A, %swap3A_59] {strides = array<i32>} : memref<128x128xf32, #tpu.memory_space<vmem>>, vector<16xf32>,
      tpu.vector_store %arg12[%swap3A, %swap3A_59], %broadcast_in_dim3A_1 {strides = array<i32>} : memref<128x128xf32, #tpu.memory_space<vmem>>, vector<16xf32>,
      %swap3A_61 = arith.index_cast %add3A_58 : i32 to index
      %swap3A_62 = arith.constant 16 : index
      %swap3A_63 = tpu.vector_load %arg12[%swap3A_61, %swap3A_62] {strides = array<i32>} : memref<128x128xf32, #tpu.memory_space<vmem>>, vector<16xf32>,
      tpu.vector_store %arg12[%swap3A_61, %swap3A_62], %broadcast_in_dim3A_1 {strides = array<i32>} : memref<128x128xf32, #tpu.memory_space<vmem>>, vector<16xf32>,
      %swap3A_64 = arith.index_cast %add3A_58 : i32 to index
      %swap3A_65 = arith.constant 32 : index
      %swap3A_66 = tpu.vector_load %arg12[%swap3A_64, %swap3A_65] {strides = array<i32>} : memref<128x128xf32, #tpu.memory_space<vmem>>, vector<16xf32>,
      tpu.vector_store %arg12[%swap3A_64, %swap3A_65], %broadcast_in_dim3A_1 {strides = array<i32>} : memref<128x128xf32, #tpu.memory_space<vmem>>, vector<16xf32>,
      %swap3A_67 = arith.index_cast %add3A_58 : i32 to index
      %swap3A_68 = arith.constant 48 : index
      %swap3A_69 = tpu.vector_load %arg12[%swap3A_67, %swap3A_68] {strides = array<i32>} : memref<128x128xf32, #tpu.memory_space<vmem>>, vector<16xf32>,
      tpu.vector_store %arg12[%swap3A_67, %swap3A_68], %broadcast_in_dim3A_1 {strides = array<i32>} : memref<128x128xf32, #tpu.memory_space<vmem>>, vector<16xf32>,
      %swap3A_70 = arith.index_cast %add3A_58 : i32 to index
      %swap3A_71 = arith.constant 64 : index
      %swap3A_72 = tpu.vector_load %arg12[%swap3A_70, %swap3A_71] {strides = array<i32>} : memref<128x128xf32, #tpu.memory_space<vmem>>, vector<16xf32>,
      tpu.vector_store %arg12[%swap3A_70, %swap3A_71], %broadcast_in_dim3A_1 {strides = array<i32>} : memref<128x128xf32, #tpu.memory_space<vmem>>, vector<16xf32>,
      %swap3A_73 = arith.index_cast %add3A_58 : i32 to index
      %swap3A_74 = arith.constant 80 : index
      %swap3A_75 = tpu.vector_load %arg12[%swap3A_73, %swap3A_74] {strides = array<i32>} : memref<128x128xf32, #tpu.memory_space<vmem>>, vector<16xf32>,
      tpu.vector_store %arg12[%swap3A_73, %swap3A_74], %broadcast_in_dim3A_1 {strides = array<i32>} : memref<128x128xf32, #tpu.memory_space<vmem>>, vector<16xf32>,
      %swap3A_76 = arith.index_cast %add3A_58 : i32 to index
      %swap3A_77 = arith.constant 96 : index
      %swap3A_78 = tpu.vector_load %arg12[%swap3A_76, %swap3A_77] {strides = array<i32>} : memref<128x128xf32, #tpu.memory_space<vmem>>, vector<16xf32>,
      tpu.vector_store %arg12[%swap3A_76, %swap3A_77], %broadcast_in_dim3A_1 {strides = array<i32>} : memref<128x128xf32, #tpu.memory_space<vmem>>, vector<16xf32>,
      %swap3A_79 = arith.index_cast %add3A_58 : i32 to index
      %swap3A_80 = arith.constant 112 : index
      %swap3A_81 = tpu.vector_load %arg12[%swap3A_79, %swap3A_80] {strides = array<i32>} : memref<128x128xf32, #tpu.memory_space<vmem>>, vector<16xf32>,
      tpu.vector_store %arg12[%swap3A_79, %swap3A_80], %broadcast_in_dim3A_1 {strides = array<i32>} : memref<128x128xf32, #tpu.memory_space<vmem>>, vector<16xf32>,
    }
    %scan3A_5 = arith.constant 128 : i32
    %mul3A_6 = arith.constant 640 : i32
    %mul3A_7 = arith.muli %arg1, %mul3A_6 : i32
    %add3A_8 = arith.constant 0 : i32
    %add3A_9 = arith.addi %mul3A_7, %add3A_8 : i32
    "tpu.region"() ({
      %run_scoped3A = tpu.sem_alloc : memref<!tpu.dma_semaphore, #tpu.memory_space<semaphore_mem>>
      %dma_start3A = arith.constant 0 : i32
      %dma_start3A_54 = tpu.memref_slice %arg14[%add3A_9, %dma_start3A] : memref<10240x128xf32, #tpu.memory_space<vmem_shared>> -> memref<128x128xf32, #tpu.memory_space<vmem_shared>>
      %dma_start3A_55 = arith.constant 0 : i32
      %dma_start3A_56 = tpu.memref_slice %arg14[%add3A_9, %dma_start3A_55] : memref<10240x128xf32, #tpu.memory_space<vmem_shared>> -> memref<128x128xf32, #tpu.memory_space<vmem_shared>>
      tpu.enqueue_dma source(%arg12 : memref<128x128xf32, #tpu.memory_space<vmem>>) target(%dma_start3A_56 : memref<128x128xf32, #tpu.memory_space<vmem_shared>>) target_semaphore(%run_scoped3A : memref<!tpu.dma_semaphore, #tpu.memory_space<semaphore_mem>>)
      %dma_wait3A = arith.constant 0 : i32
      %dma_wait3A_57 = tpu.memref_slice %arg14[%add3A_9, %dma_wait3A] : memref<10240x128xf32, #tpu.memory_space<vmem_shared>> -> memref<128x128xf32, #tpu.memory_space<vmem_shared>>
      %dma_wait3A_58 = arith.constant 0 : i32
      %dma_wait3A_59 = tpu.memref_slice %arg14[%add3A_9, %dma_wait3A_58] : memref<10240x128xf32, #tpu.memory_space<vmem_shared>> -> memref<128x128xf32, #tpu.memory_space<vmem_shared>>
      tpu.wait_dma2 semaphore(%run_scoped3A : memref<!tpu.dma_semaphore, #tpu.memory_space<semaphore_mem>>) src(%arg12 : memref<128x128xf32, #tpu.memory_space<vmem>>) dst(%dma_wait3A_59 : memref<128x128xf32, #tpu.memory_space<vmem_shared>>)
      tpu.yield
    }) : () -> ()
    %mul3A_10 = arith.constant 640 : i32
    %mul3A_11 = arith.muli %arg1, %mul3A_10 : i32
    %add3A_12 = arith.constant 128 : i32
    %add3A_13 = arith.addi %mul3A_11, %add3A_12 : i32
    "tpu.region"() ({
      %run_scoped3A = tpu.sem_alloc : memref<!tpu.dma_semaphore, #tpu.memory_space<semaphore_mem>>
      %dma_start3A = arith.constant 0 : i32
      %dma_start3A_54 = tpu.memref_slice %arg14[%add3A_13, %dma_start3A] : memref<10240x128xf32, #tpu.memory_space<vmem_shared>> -> memref<128x128xf32, #tpu.memory_space<vmem_shared>>
      %dma_start3A_55 = arith.constant 0 : i32
      %dma_start3A_56 = tpu.memref_slice %arg14[%add3A_13, %dma_start3A_55] : memref<10240x128xf32, #tpu.memory_space<vmem_shared>> -> memref<128x128xf32, #tpu.memory_space<vmem_shared>>
      tpu.enqueue_dma source(%arg12 : memref<128x128xf32, #tpu.memory_space<vmem>>) target(%dma_start3A_56 : memref<128x128xf32, #tpu.memory_space<vmem_shared>>) target_semaphore(%run_scoped3A : memref<!tpu.dma_semaphore, #tpu.memory_space<semaphore_mem>>)
      %dma_wait3A = arith.constant 0 : i32
      %dma_wait3A_57 = tpu.memref_slice %arg14[%add3A_13, %dma_wait3A] : memref<10240x128xf32, #tpu.memory_space<vmem_shared>> -> memref<128x128xf32, #tpu.memory_space<vmem_shared>>
      %dma_wait3A_58 = arith.constant 0 : i32
      %dma_wait3A_59 = tpu.memref_slice %arg14[%add3A_13, %dma_wait3A_58] : memref<10240x128xf32, #tpu.memory_space<vmem_shared>> -> memref<128x128xf32, #tpu.memory_space<vmem_shared>>
      tpu.wait_dma2 semaphore(%run_scoped3A : memref<!tpu.dma_semaphore, #tpu.memory_space<semaphore_mem>>) src(%arg12 : memref<128x128xf32, #tpu.memory_space<vmem>>) dst(%dma_wait3A_59 : memref<128x128xf32, #tpu.memory_space<vmem_shared>>)
      tpu.yield
    }) : () -> ()
    %mul3A_14 = arith.constant 640 : i32
    %mul3A_15 = arith.muli %arg1, %mul3A_14 : i32
    %add3A_16 = arith.constant 256 : i32
    %add3A_17 = arith.addi %mul3A_15, %add3A_16 : i32
    "tpu.region"() ({
      %run_scoped3A = tpu.sem_alloc : memref<!tpu.dma_semaphore, #tpu.memory_space<semaphore_mem>>
      %dma_start3A = arith.constant 0 : i32
      %dma_start3A_54 = tpu.memref_slice %arg14[%add3A_17, %dma_start3A] : memref<10240x128xf32, #tpu.memory_space<vmem_shared>> -> memref<128x128xf32, #tpu.memory_space<vmem_shared>>
      %dma_start3A_55 = arith.constant 0 : i32
      %dma_start3A_56 = tpu.memref_slice %arg14[%add3A_17, %dma_start3A_55] : memref<10240x128xf32, #tpu.memory_space<vmem_shared>> -> memref<128x128xf32, #tpu.memory_space<vmem_shared>>
      tpu.enqueue_dma source(%arg12 : memref<128x128xf32, #tpu.memory_space<vmem>>) target(%dma_start3A_56 : memref<128x128xf32, #tpu.memory_space<vmem_shared>>) target_semaphore(%run_scoped3A : memref<!tpu.dma_semaphore, #tpu.memory_space<semaphore_mem>>)
      %dma_wait3A = arith.constant 0 : i32
      %dma_wait3A_57 = tpu.memref_slice %arg14[%add3A_17, %dma_wait3A] : memref<10240x128xf32, #tpu.memory_space<vmem_shared>> -> memref<128x128xf32, #tpu.memory_space<vmem_shared>>
      %dma_wait3A_58 = arith.constant 0 : i32
      %dma_wait3A_59 = tpu.memref_slice %arg14[%add3A_17, %dma_wait3A_58] : memref<10240x128xf32, #tpu.memory_space<vmem_shared>> -> memref<128x128xf32, #tpu.memory_space<vmem_shared>>
      tpu.wait_dma2 semaphore(%run_scoped3A : memref<!tpu.dma_semaphore, #tpu.memory_space<semaphore_mem>>) src(%arg12 : memref<128x128xf32, #tpu.memory_space<vmem>>) dst(%dma_wait3A_59 : memref<128x128xf32, #tpu.memory_space<vmem_shared>>)
      tpu.yield
    }) : () -> ()
    %mul3A_18 = arith.constant 640 : i32
    %mul3A_19 = arith.muli %arg1, %mul3A_18 : i32
    %add3A_20 = arith.constant 384 : i32
    %add3A_21 = arith.addi %mul3A_19, %add3A_20 : i32
    "tpu.region"() ({
      %run_scoped3A = tpu.sem_alloc : memref<!tpu.dma_semaphore, #tpu.memory_space<semaphore_mem>>
      %dma_start3A = arith.constant 0 : i32
      %dma_start3A_54 = tpu.memref_slice %arg14[%add3A_21, %dma_start3A] : memref<10240x128xf32, #tpu.memory_space<vmem_shared>> -> memref<128x128xf32, #tpu.memory_space<vmem_shared>>
      %dma_start3A_55 = arith.constant 0 : i32
      %dma_start3A_56 = tpu.memref_slice %arg14[%add3A_21, %dma_start3A_55] : memref<10240x128xf32, #tpu.memory_space<vmem_shared>> -> memref<128x128xf32, #tpu.memory_space<vmem_shared>>
      tpu.enqueue_dma source(%arg12 : memref<128x128xf32, #tpu.memory_space<vmem>>) target(%dma_start3A_56 : memref<128x128xf32, #tpu.memory_space<vmem_shared>>) target_semaphore(%run_scoped3A : memref<!tpu.dma_semaphore, #tpu.memory_space<semaphore_mem>>)
      %dma_wait3A = arith.constant 0 : i32
      %dma_wait3A_57 = tpu.memref_slice %arg14[%add3A_21, %dma_wait3A] : memref<10240x128xf32, #tpu.memory_space<vmem_shared>> -> memref<128x128xf32, #tpu.memory_space<vmem_shared>>
      %dma_wait3A_58 = arith.constant 0 : i32
      %dma_wait3A_59 = tpu.memref_slice %arg14[%add3A_21, %dma_wait3A_58] : memref<10240x128xf32, #tpu.memory_space<vmem_shared>> -> memref<128x128xf32, #tpu.memory_space<vmem_shared>>
      tpu.wait_dma2 semaphore(%run_scoped3A : memref<!tpu.dma_semaphore, #tpu.memory_space<semaphore_mem>>) src(%arg12 : memref<128x128xf32, #tpu.memory_space<vmem>>) dst(%dma_wait3A_59 : memref<128x128xf32, #tpu.memory_space<vmem_shared>>)
      tpu.yield
    }) : () -> ()
    %mul3A_22 = arith.constant 640 : i32
    %mul3A_23 = arith.muli %arg1, %mul3A_22 : i32
    %add3A_24 = arith.constant 512 : i32
    %add3A_25 = arith.addi %mul3A_23, %add3A_24 : i32
    "tpu.region"() ({
      %run_scoped3A = tpu.sem_alloc : memref<!tpu.dma_semaphore, #tpu.memory_space<semaphore_mem>>
      %dma_start3A = arith.constant 0 : i32
      %dma_start3A_54 = tpu.memref_slice %arg14[%add3A_25, %dma_start3A] : memref<10240x128xf32, #tpu.memory_space<vmem_shared>> -> memref<128x128xf32, #tpu.memory_space<vmem_shared>>
      %dma_start3A_55 = arith.constant 0 : i32
      %dma_start3A_56 = tpu.memref_slice %arg14[%add3A_25, %dma_start3A_55] : memref<10240x128xf32, #tpu.memory_space<vmem_shared>> -> memref<128x128xf32, #tpu.memory_space<vmem_shared>>
      tpu.enqueue_dma source(%arg12 : memref<128x128xf32, #tpu.memory_space<vmem>>) target(%dma_start3A_56 : memref<128x128xf32, #tpu.memory_space<vmem_shared>>) target_semaphore(%run_scoped3A : memref<!tpu.dma_semaphore, #tpu.memory_space<semaphore_mem>>)
      %dma_wait3A = arith.constant 0 : i32
      %dma_wait3A_57 = tpu.memref_slice %arg14[%add3A_25, %dma_wait3A] : memref<10240x128xf32, #tpu.memory_space<vmem_shared>> -> memref<128x128xf32, #tpu.memory_space<vmem_shared>>
      %dma_wait3A_58 = arith.constant 0 : i32
      %dma_wait3A_59 = tpu.memref_slice %arg14[%add3A_25, %dma_wait3A_58] : memref<10240x128xf32, #tpu.memory_space<vmem_shared>> -> memref<128x128xf32, #tpu.memory_space<vmem_shared>>
      tpu.wait_dma2 semaphore(%run_scoped3A : memref<!tpu.dma_semaphore, #tpu.memory_space<semaphore_mem>>) src(%arg12 : memref<128x128xf32, #tpu.memory_space<vmem>>) dst(%dma_wait3A_59 : memref<128x128xf32, #tpu.memory_space<vmem_shared>>)
      tpu.yield
    }) : () -> ()
    %barrier3A = arith.constant 0 : index
    tpu.barrier barrier_id(%barrier3A)
    %broadcast_in_dim3A_26 = arith.constant 0 : i32
    %broadcast_in_dim3A_27 = vector.broadcast %broadcast_in_dim3A_26 : i32 to vector<16xi32>
    %scan3A_28 = arith.constant 0 : i32
    %scan3A_29 = arith.constant 10 : i32
    %scan3A_30 = arith.addi %scan3A_28, %scan3A_29 : i32
    %scan3A_31 = arith.constant 1 : i32
    scf.for %scan3A_54 = %scan3A_28 to %scan3A_30 step %scan3A_31  : i32 {
      %mul3A_55 = arith.constant 1 : i32
      %mul3A_56 = arith.muli %scan3A_54, %mul3A_55 : i32
      %add3A_57 = arith.constant 0 : i32
      %add3A_58 = arith.addi %add3A_57, %mul3A_56 : i32
      %mul3A_59 = arith.constant 8 : i32
      %mul3A_60 = arith.muli %add3A_58, %mul3A_59 : i32
      "tpu.region"() ({
        %run_scoped3A = tpu.sem_alloc : memref<!tpu.dma_semaphore, #tpu.memory_space<semaphore_mem>>
        %dma_start3A = arith.constant 0 : i32
        %dma_start3A_66 = tpu.memref_slice %arg4[%add3A, %mul3A_60, %dma_start3A] : memref<32x80x128xi32, #tpu.memory_space<hbm>> -> memref<1x8x128xi32, #tpu.memory_space<hbm>>
        %dma_start3A_67 = tpu.memref_squeeze %dma_start3A_66 : memref<1x8x128xi32, #tpu.memory_space<hbm>> -> memref<8x128xi32, #tpu.memory_space<hbm>>
        %dma_start3A_68 = arith.constant 0 : i32
        %dma_start3A_69 = tpu.memref_slice %arg4[%add3A, %mul3A_60, %dma_start3A_68] : memref<32x80x128xi32, #tpu.memory_space<hbm>> -> memref<1x8x128xi32, #tpu.memory_space<hbm>>
        %dma_start3A_70 = tpu.memref_squeeze %dma_start3A_69 : memref<1x8x128xi32, #tpu.memory_space<hbm>> -> memref<8x128xi32, #tpu.memory_space<hbm>>
        tpu.enqueue_dma source(%dma_start3A_70 : memref<8x128xi32, #tpu.memory_space<hbm>>) target(%arg9 : memref<8x128xi32, #tpu.memory_space<vmem>>) target_semaphore(%run_scoped3A : memref<!tpu.dma_semaphore, #tpu.memory_space<semaphore_mem>>)
        %dma_wait3A = arith.constant 0 : i32
        %dma_wait3A_71 = tpu.memref_slice %arg4[%add3A, %mul3A_60, %dma_wait3A] : memref<32x80x128xi32, #tpu.memory_space<hbm>> -> memref<1x8x128xi32, #tpu.memory_space<hbm>>
        %dma_wait3A_72 = tpu.memref_squeeze %dma_wait3A_71 : memref<1x8x128xi32, #tpu.memory_space<hbm>> -> memref<8x128xi32, #tpu.memory_space<hbm>>
        %dma_wait3A_73 = arith.constant 0 : i32
        %dma_wait3A_74 = tpu.memref_slice %arg4[%add3A, %mul3A_60, %dma_wait3A_73] : memref<32x80x128xi32, #tpu.memory_space<hbm>> -> memref<1x8x128xi32, #tpu.memory_space<hbm>>
        %dma_wait3A_75 = tpu.memref_squeeze %dma_wait3A_74 : memref<1x8x128xi32, #tpu.memory_space<hbm>> -> memref<8x128xi32, #tpu.memory_space<hbm>>
        tpu.wait_dma2 semaphore(%run_scoped3A : memref<!tpu.dma_semaphore, #tpu.memory_space<semaphore_mem>>) src(%dma_wait3A_75 : memref<8x128xi32, #tpu.memory_space<hbm>>) dst(%arg9 : memref<8x128xi32, #tpu.memory_space<vmem>>)
        tpu.yield
      }) : () -> ()
      "tpu.region"() ({
        %run_scoped3A = tpu.sem_alloc : memref<!tpu.dma_semaphore, #tpu.memory_space<semaphore_mem>>
        %dma_start3A = arith.constant 0 : i32
        %dma_start3A_66 = tpu.memref_slice %arg5[%add3A, %mul3A_60, %dma_start3A] : memref<32x80x128xi32, #tpu.memory_space<hbm>> -> memref<1x8x128xi32, #tpu.memory_space<hbm>>
        %dma_start3A_67 = tpu.memref_squeeze %dma_start3A_66 : memref<1x8x128xi32, #tpu.memory_space<hbm>> -> memref<8x128xi32, #tpu.memory_space<hbm>>
        %dma_start3A_68 = arith.constant 0 : i32
        %dma_start3A_69 = tpu.memref_slice %arg5[%add3A, %mul3A_60, %dma_start3A_68] : memref<32x80x128xi32, #tpu.memory_space<hbm>> -> memref<1x8x128xi32, #tpu.memory_space<hbm>>
        %dma_start3A_70 = tpu.memref_squeeze %dma_start3A_69 : memref<1x8x128xi32, #tpu.memory_space<hbm>> -> memref<8x128xi32, #tpu.memory_space<hbm>>
        tpu.enqueue_dma source(%dma_start3A_70 : memref<8x128xi32, #tpu.memory_space<hbm>>) target(%arg10 : memref<8x128xi32, #tpu.memory_space<vmem>>) target_semaphore(%run_scoped3A : memref<!tpu.dma_semaphore, #tpu.memory_space<semaphore_mem>>)
        %dma_wait3A = arith.constant 0 : i32
        %dma_wait3A_71 = tpu.memref_slice %arg5[%add3A, %mul3A_60, %dma_wait3A] : memref<32x80x128xi32, #tpu.memory_space<hbm>> -> memref<1x8x128xi32, #tpu.memory_space<hbm>>
        %dma_wait3A_72 = tpu.memref_squeeze %dma_wait3A_71 : memref<1x8x128xi32, #tpu.memory_space<hbm>> -> memref<8x128xi32, #tpu.memory_space<hbm>>
        %dma_wait3A_73 = arith.constant 0 : i32
        %dma_wait3A_74 = tpu.memref_slice %arg5[%add3A, %mul3A_60, %dma_wait3A_73] : memref<32x80x128xi32, #tpu.memory_space<hbm>> -> memref<1x8x128xi32, #tpu.memory_space<hbm>>
        %dma_wait3A_75 = tpu.memref_squeeze %dma_wait3A_74 : memref<1x8x128xi32, #tpu.memory_space<hbm>> -> memref<8x128xi32, #tpu.memory_space<hbm>>
        tpu.wait_dma2 semaphore(%run_scoped3A : memref<!tpu.dma_semaphore, #tpu.memory_space<semaphore_mem>>) src(%dma_wait3A_75 : memref<8x128xi32, #tpu.memory_space<hbm>>) dst(%arg10 : memref<8x128xi32, #tpu.memory_space<vmem>>)
        tpu.yield
      }) : () -> ()
      "tpu.region"() ({
        %run_scoped3A = tpu.sem_alloc : memref<!tpu.dma_semaphore, #tpu.memory_space<semaphore_mem>>
        %dma_start3A = arith.constant 0 : i32
        %dma_start3A_66 = tpu.memref_slice %arg6[%add3A, %mul3A_60, %dma_start3A] : memref<32x80x128xf32, #tpu.memory_space<hbm>> -> memref<1x8x128xf32, #tpu.memory_space<hbm>>
        %dma_start3A_67 = tpu.memref_squeeze %dma_start3A_66 : memref<1x8x128xf32, #tpu.memory_space<hbm>> -> memref<8x128xf32, #tpu.memory_space<hbm>>
        %dma_start3A_68 = arith.constant 0 : i32
        %dma_start3A_69 = tpu.memref_slice %arg6[%add3A, %mul3A_60, %dma_start3A_68] : memref<32x80x128xf32, #tpu.memory_space<hbm>> -> memref<1x8x128xf32, #tpu.memory_space<hbm>>
        %dma_start3A_70 = tpu.memref_squeeze %dma_start3A_69 : memref<1x8x128xf32, #tpu.memory_space<hbm>> -> memref<8x128xf32, #tpu.memory_space<hbm>>
        tpu.enqueue_dma source(%dma_start3A_70 : memref<8x128xf32, #tpu.memory_space<hbm>>) target(%arg11 : memref<8x128xf32, #tpu.memory_space<vmem>>) target_semaphore(%run_scoped3A : memref<!tpu.dma_semaphore, #tpu.memory_space<semaphore_mem>>)
        %dma_wait3A = arith.constant 0 : i32
        %dma_wait3A_71 = tpu.memref_slice %arg6[%add3A, %mul3A_60, %dma_wait3A] : memref<32x80x128xf32, #tpu.memory_space<hbm>> -> memref<1x8x128xf32, #tpu.memory_space<hbm>>
        %dma_wait3A_72 = tpu.memref_squeeze %dma_wait3A_71 : memref<1x8x128xf32, #tpu.memory_space<hbm>> -> memref<8x128xf32, #tpu.memory_space<hbm>>
        %dma_wait3A_73 = arith.constant 0 : i32
        %dma_wait3A_74 = tpu.memref_slice %arg6[%add3A, %mul3A_60, %dma_wait3A_73] : memref<32x80x128xf32, #tpu.memory_space<hbm>> -> memref<1x8x128xf32, #tpu.memory_space<hbm>>
        %dma_wait3A_75 = tpu.memref_squeeze %dma_wait3A_74 : memref<1x8x128xf32, #tpu.memory_space<hbm>> -> memref<8x128xf32, #tpu.memory_space<hbm>>
        tpu.wait_dma2 semaphore(%run_scoped3A : memref<!tpu.dma_semaphore, #tpu.memory_space<semaphore_mem>>) src(%dma_wait3A_75 : memref<8x128xf32, #tpu.memory_space<hbm>>) dst(%arg11 : memref<8x128xf32, #tpu.memory_space<vmem>>)
        tpu.yield
      }) : () -> ()
      %scan3A_61 = arith.constant 0 : i32
      %scan3A_62 = arith.constant 8 : i32
      %scan3A_63 = arith.addi %scan3A_61, %scan3A_62 : i32
      %scan3A_64 = arith.constant 1 : i32
      scf.for %scan3A_66 = %scan3A_61 to %scan3A_63 step %scan3A_64  : i32 {
        %mul3A_67 = arith.constant 1 : i32
        %mul3A_68 = arith.muli %scan3A_66, %mul3A_67 : i32
        %add3A_69 = arith.constant 0 : i32
        %add3A_70 = arith.addi %add3A_69, %mul3A_68 : i32
        %dma_start3A = arith.constant 0 : i32
        %dma_start3A_71 = tpu.memref_slice %arg9[%add3A_70, %dma_start3A] : memref<8x128xi32, #tpu.memory_space<vmem>> -> memref<1x128xi32, #tpu.memory_space<vmem>>
        %dma_start3A_72 = tpu.memref_squeeze %dma_start3A_71 : memref<1x128xi32, #tpu.memory_space<vmem>> -> memref<128xi32, #tpu.memory_space<vmem>>
        %dma_start3A_73 = arith.constant 0 : i32
        %dma_start3A_74 = arith.constant 0 : i32
        %dma_start3A_75 = tpu.memref_slice %arg2[%dma_start3A_73, %dma_start3A_74] : memref<10240x128xf32, #tpu.memory_space<hbm>> -> memref<10240x128xf32, #tpu.memory_space<hbm>>
        tpu.enqueue_indirect_dma source(%dma_start3A_75 : memref<10240x128xf32, #tpu.memory_space<hbm>>) target(%arg12 : memref<128x128xf32, #tpu.memory_space<vmem>>) offsets(%dma_start3A_72 : memref<128xi32, #tpu.memory_space<vmem>>) semaphore(%arg15 : memref<!tpu.dma_semaphore, #tpu.memory_space<semaphore_mem>>)
        %get3A = arith.index_cast %add3A_70 : i32 to index
        %get3A_76 = arith.constant 0 : index
        %get3A_77 = tpu.vector_load %arg9[%get3A, %get3A_76] {strides = array<i32>} : memref<8x128xi32, #tpu.memory_space<vmem>>, vector<16xi32>,
        %get3A_78 = arith.index_cast %add3A_70 : i32 to index
        %get3A_79 = arith.constant 0 : index
        %get3A_80 = tpu.vector_load %arg10[%get3A_78, %get3A_79] {strides = array<i32>} : memref<8x128xi32, #tpu.memory_space<vmem>>, vector<16xi32>,
        %get3A_81 = arith.index_cast %add3A_70 : i32 to index
        %get3A_82 = arith.constant 0 : index
        %get3A_83 = tpu.vector_load %arg11[%get3A_81, %get3A_82] {strides = array<i32>} : memref<8x128xf32, #tpu.memory_space<vmem>>, vector<16xf32>,
        %gather3A = tpu.vector_load_idx %arg8[%get3A_77] : memref<10240xf32, #tpu.memory_space<vmem>>[vector<16xi32>], vector<16xf32>,
        %gather3A_84 = tpu.vector_load_idx %arg8[%get3A_80] : memref<10240xf32, #tpu.memory_space<vmem>>[vector<16xi32>], vector<16xf32>,
        %mul3A_85 = arith.mulf %gather3A, %get3A_83 : vector<16xf32>
        %mul3A_86 = arith.mulf %mul3A_85, %gather3A_84 : vector<16xf32>
        %neg3A = arith.constant 0.000000e+00 : f32
        %neg3A_87 = vector.broadcast %neg3A : f32 to vector<16xf32>
        %neg3A_88 = arith.subf %neg3A_87, %mul3A_86 : vector<16xf32>
        %swap3A = arith.constant 0 : index
        %swap3A_89 = tpu.vector_load %arg13[%swap3A] {strides = array<i32>} : memref<128xf32, #tpu.memory_space<vmem>>, vector<16xf32>,
        tpu.vector_store %arg13[%swap3A], %neg3A_88 {strides = array<i32>} : memref<128xf32, #tpu.memory_space<vmem>>, vector<16xf32>,
        %get3A_90 = arith.index_cast %add3A_70 : i32 to index
        %get3A_91 = arith.constant 16 : index
        %get3A_92 = tpu.vector_load %arg9[%get3A_90, %get3A_91] {strides = array<i32>} : memref<8x128xi32, #tpu.memory_space<vmem>>, vector<16xi32>,
        %get3A_93 = arith.index_cast %add3A_70 : i32 to index
        %get3A_94 = arith.constant 16 : index
        %get3A_95 = tpu.vector_load %arg10[%get3A_93, %get3A_94] {strides = array<i32>} : memref<8x128xi32, #tpu.memory_space<vmem>>, vector<16xi32>,
        %get3A_96 = arith.index_cast %add3A_70 : i32 to index
        %get3A_97 = arith.constant 16 : index
        %get3A_98 = tpu.vector_load %arg11[%get3A_96, %get3A_97] {strides = array<i32>} : memref<8x128xf32, #tpu.memory_space<vmem>>, vector<16xf32>,
        %gather3A_99 = tpu.vector_load_idx %arg8[%get3A_92] : memref<10240xf32, #tpu.memory_space<vmem>>[vector<16xi32>], vector<16xf32>,
        %gather3A_100 = tpu.vector_load_idx %arg8[%get3A_95] : memref<10240xf32, #tpu.memory_space<vmem>>[vector<16xi32>], vector<16xf32>,
        %mul3A_101 = arith.mulf %gather3A_99, %get3A_98 : vector<16xf32>
        %mul3A_102 = arith.mulf %mul3A_101, %gather3A_100 : vector<16xf32>
        %neg3A_103 = arith.constant 0.000000e+00 : f32
        %neg3A_104 = vector.broadcast %neg3A_103 : f32 to vector<16xf32>
        %neg3A_105 = arith.subf %neg3A_104, %mul3A_102 : vector<16xf32>
        %swap3A_106 = arith.constant 16 : index
        %swap3A_107 = tpu.vector_load %arg13[%swap3A_106] {strides = array<i32>} : memref<128xf32, #tpu.memory_space<vmem>>, vector<16xf32>,
        tpu.vector_store %arg13[%swap3A_106], %neg3A_105 {strides = array<i32>} : memref<128xf32, #tpu.memory_space<vmem>>, vector<16xf32>,
        %get3A_108 = arith.index_cast %add3A_70 : i32 to index
        %get3A_109 = arith.constant 32 : index
        %get3A_110 = tpu.vector_load %arg9[%get3A_108, %get3A_109] {strides = array<i32>} : memref<8x128xi32, #tpu.memory_space<vmem>>, vector<16xi32>,
        %get3A_111 = arith.index_cast %add3A_70 : i32 to index
        %get3A_112 = arith.constant 32 : index
        %get3A_113 = tpu.vector_load %arg10[%get3A_111, %get3A_112] {strides = array<i32>} : memref<8x128xi32, #tpu.memory_space<vmem>>, vector<16xi32>,
        %get3A_114 = arith.index_cast %add3A_70 : i32 to index
        %get3A_115 = arith.constant 32 : index
        %get3A_116 = tpu.vector_load %arg11[%get3A_114, %get3A_115] {strides = array<i32>} : memref<8x128xf32, #tpu.memory_space<vmem>>, vector<16xf32>,
        %gather3A_117 = tpu.vector_load_idx %arg8[%get3A_110] : memref<10240xf32, #tpu.memory_space<vmem>>[vector<16xi32>], vector<16xf32>,
        %gather3A_118 = tpu.vector_load_idx %arg8[%get3A_113] : memref<10240xf32, #tpu.memory_space<vmem>>[vector<16xi32>], vector<16xf32>,
        %mul3A_119 = arith.mulf %gather3A_117, %get3A_116 : vector<16xf32>
        %mul3A_120 = arith.mulf %mul3A_119, %gather3A_118 : vector<16xf32>
        %neg3A_121 = arith.constant 0.000000e+00 : f32
        %neg3A_122 = vector.broadcast %neg3A_121 : f32 to vector<16xf32>
        %neg3A_123 = arith.subf %neg3A_122, %mul3A_120 : vector<16xf32>
        %swap3A_124 = arith.constant 32 : index
        %swap3A_125 = tpu.vector_load %arg13[%swap3A_124] {strides = array<i32>} : memref<128xf32, #tpu.memory_space<vmem>>, vector<16xf32>,
        tpu.vector_store %arg13[%swap3A_124], %neg3A_123 {strides = array<i32>} : memref<128xf32, #tpu.memory_space<vmem>>, vector<16xf32>,
        %get3A_126 = arith.index_cast %add3A_70 : i32 to index
        %get3A_127 = arith.constant 48 : index
        %get3A_128 = tpu.vector_load %arg9[%get3A_126, %get3A_127] {strides = array<i32>} : memref<8x128xi32, #tpu.memory_space<vmem>>, vector<16xi32>,
        %get3A_129 = arith.index_cast %add3A_70 : i32 to index
        %get3A_130 = arith.constant 48 : index
        %get3A_131 = tpu.vector_load %arg10[%get3A_129, %get3A_130] {strides = array<i32>} : memref<8x128xi32, #tpu.memory_space<vmem>>, vector<16xi32>,
        %get3A_132 = arith.index_cast %add3A_70 : i32 to index
        %get3A_133 = arith.constant 48 : index
        %get3A_134 = tpu.vector_load %arg11[%get3A_132, %get3A_133] {strides = array<i32>} : memref<8x128xf32, #tpu.memory_space<vmem>>, vector<16xf32>,
        %gather3A_135 = tpu.vector_load_idx %arg8[%get3A_128] : memref<10240xf32, #tpu.memory_space<vmem>>[vector<16xi32>], vector<16xf32>,
        %gather3A_136 = tpu.vector_load_idx %arg8[%get3A_131] : memref<10240xf32, #tpu.memory_space<vmem>>[vector<16xi32>], vector<16xf32>,
        %mul3A_137 = arith.mulf %gather3A_135, %get3A_134 : vector<16xf32>
        %mul3A_138 = arith.mulf %mul3A_137, %gather3A_136 : vector<16xf32>
        %neg3A_139 = arith.constant 0.000000e+00 : f32
        %neg3A_140 = vector.broadcast %neg3A_139 : f32 to vector<16xf32>
        %neg3A_141 = arith.subf %neg3A_140, %mul3A_138 : vector<16xf32>
        %swap3A_142 = arith.constant 48 : index
        %swap3A_143 = tpu.vector_load %arg13[%swap3A_142] {strides = array<i32>} : memref<128xf32, #tpu.memory_space<vmem>>, vector<16xf32>,
        tpu.vector_store %arg13[%swap3A_142], %neg3A_141 {strides = array<i32>} : memref<128xf32, #tpu.memory_space<vmem>>, vector<16xf32>,
        %get3A_144 = arith.index_cast %add3A_70 : i32 to index
        %get3A_145 = arith.constant 64 : index
        %get3A_146 = tpu.vector_load %arg9[%get3A_144, %get3A_145] {strides = array<i32>} : memref<8x128xi32, #tpu.memory_space<vmem>>, vector<16xi32>,
        %get3A_147 = arith.index_cast %add3A_70 : i32 to index
        %get3A_148 = arith.constant 64 : index
        %get3A_149 = tpu.vector_load %arg10[%get3A_147, %get3A_148] {strides = array<i32>} : memref<8x128xi32, #tpu.memory_space<vmem>>, vector<16xi32>,
        %get3A_150 = arith.index_cast %add3A_70 : i32 to index
        %get3A_151 = arith.constant 64 : index
        %get3A_152 = tpu.vector_load %arg11[%get3A_150, %get3A_151] {strides = array<i32>} : memref<8x128xf32, #tpu.memory_space<vmem>>, vector<16xf32>,
        %gather3A_153 = tpu.vector_load_idx %arg8[%get3A_146] : memref<10240xf32, #tpu.memory_space<vmem>>[vector<16xi32>], vector<16xf32>,
        %gather3A_154 = tpu.vector_load_idx %arg8[%get3A_149] : memref<10240xf32, #tpu.memory_space<vmem>>[vector<16xi32>], vector<16xf32>,
        %mul3A_155 = arith.mulf %gather3A_153, %get3A_152 : vector<16xf32>
        %mul3A_156 = arith.mulf %mul3A_155, %gather3A_154 : vector<16xf32>
        %neg3A_157 = arith.constant 0.000000e+00 : f32
        %neg3A_158 = vector.broadcast %neg3A_157 : f32 to vector<16xf32>
        %neg3A_159 = arith.subf %neg3A_158, %mul3A_156 : vector<16xf32>
        %swap3A_160 = arith.constant 64 : index
        %swap3A_161 = tpu.vector_load %arg13[%swap3A_160] {strides = array<i32>} : memref<128xf32, #tpu.memory_space<vmem>>, vector<16xf32>,
        tpu.vector_store %arg13[%swap3A_160], %neg3A_159 {strides = array<i32>} : memref<128xf32, #tpu.memory_space<vmem>>, vector<16xf32>,
        %get3A_162 = arith.index_cast %add3A_70 : i32 to index
        %get3A_163 = arith.constant 80 : index
        %get3A_164 = tpu.vector_load %arg9[%get3A_162, %get3A_163] {strides = array<i32>} : memref<8x128xi32, #tpu.memory_space<vmem>>, vector<16xi32>,
        %get3A_165 = arith.index_cast %add3A_70 : i32 to index
        %get3A_166 = arith.constant 80 : index
        %get3A_167 = tpu.vector_load %arg10[%get3A_165, %get3A_166] {strides = array<i32>} : memref<8x128xi32, #tpu.memory_space<vmem>>, vector<16xi32>,
        %get3A_168 = arith.index_cast %add3A_70 : i32 to index
        %get3A_169 = arith.constant 80 : index
        %get3A_170 = tpu.vector_load %arg11[%get3A_168, %get3A_169] {strides = array<i32>} : memref<8x128xf32, #tpu.memory_space<vmem>>, vector<16xf32>,
        %gather3A_171 = tpu.vector_load_idx %arg8[%get3A_164] : memref<10240xf32, #tpu.memory_space<vmem>>[vector<16xi32>], vector<16xf32>,
        %gather3A_172 = tpu.vector_load_idx %arg8[%get3A_167] : memref<10240xf32, #tpu.memory_space<vmem>>[vector<16xi32>], vector<16xf32>,
        %mul3A_173 = arith.mulf %gather3A_171, %get3A_170 : vector<16xf32>
        %mul3A_174 = arith.mulf %mul3A_173, %gather3A_172 : vector<16xf32>
        %neg3A_175 = arith.constant 0.000000e+00 : f32
        %neg3A_176 = vector.broadcast %neg3A_175 : f32 to vector<16xf32>
        %neg3A_177 = arith.subf %neg3A_176, %mul3A_174 : vector<16xf32>
        %swap3A_178 = arith.constant 80 : index
        %swap3A_179 = tpu.vector_load %arg13[%swap3A_178] {strides = array<i32>} : memref<128xf32, #tpu.memory_space<vmem>>, vector<16xf32>,
        tpu.vector_store %arg13[%swap3A_178], %neg3A_177 {strides = array<i32>} : memref<128xf32, #tpu.memory_space<vmem>>, vector<16xf32>,
        %get3A_180 = arith.index_cast %add3A_70 : i32 to index
        %get3A_181 = arith.constant 96 : index
        %get3A_182 = tpu.vector_load %arg9[%get3A_180, %get3A_181] {strides = array<i32>} : memref<8x128xi32, #tpu.memory_space<vmem>>, vector<16xi32>,
        %get3A_183 = arith.index_cast %add3A_70 : i32 to index
        %get3A_184 = arith.constant 96 : index
        %get3A_185 = tpu.vector_load %arg10[%get3A_183, %get3A_184] {strides = array<i32>} : memref<8x128xi32, #tpu.memory_space<vmem>>, vector<16xi32>,
        %get3A_186 = arith.index_cast %add3A_70 : i32 to index
        %get3A_187 = arith.constant 96 : index
        %get3A_188 = tpu.vector_load %arg11[%get3A_186, %get3A_187] {strides = array<i32>} : memref<8x128xf32, #tpu.memory_space<vmem>>, vector<16xf32>,
        %gather3A_189 = tpu.vector_load_idx %arg8[%get3A_182] : memref<10240xf32, #tpu.memory_space<vmem>>[vector<16xi32>], vector<16xf32>,
        %gather3A_190 = tpu.vector_load_idx %arg8[%get3A_185] : memref<10240xf32, #tpu.memory_space<vmem>>[vector<16xi32>], vector<16xf32>,
        %mul3A_191 = arith.mulf %gather3A_189, %get3A_188 : vector<16xf32>
        %mul3A_192 = arith.mulf %mul3A_191, %gather3A_190 : vector<16xf32>
        %neg3A_193 = arith.constant 0.000000e+00 : f32
        %neg3A_194 = vector.broadcast %neg3A_193 : f32 to vector<16xf32>
        %neg3A_195 = arith.subf %neg3A_194, %mul3A_192 : vector<16xf32>
        %swap3A_196 = arith.constant 96 : index
        %swap3A_197 = tpu.vector_load %arg13[%swap3A_196] {strides = array<i32>} : memref<128xf32, #tpu.memory_space<vmem>>, vector<16xf32>,
        tpu.vector_store %arg13[%swap3A_196], %neg3A_195 {strides = array<i32>} : memref<128xf32, #tpu.memory_space<vmem>>, vector<16xf32>,
        %get3A_198 = arith.index_cast %add3A_70 : i32 to index
        %get3A_199 = arith.constant 112 : index
        %get3A_200 = tpu.vector_load %arg9[%get3A_198, %get3A_199] {strides = array<i32>} : memref<8x128xi32, #tpu.memory_space<vmem>>, vector<16xi32>,
        %get3A_201 = arith.index_cast %add3A_70 : i32 to index
        %get3A_202 = arith.constant 112 : index
        %get3A_203 = tpu.vector_load %arg10[%get3A_201, %get3A_202] {strides = array<i32>} : memref<8x128xi32, #tpu.memory_space<vmem>>, vector<16xi32>,
        %get3A_204 = arith.index_cast %add3A_70 : i32 to index
        %get3A_205 = arith.constant 112 : index
        %get3A_206 = tpu.vector_load %arg11[%get3A_204, %get3A_205] {strides = array<i32>} : memref<8x128xf32, #tpu.memory_space<vmem>>, vector<16xf32>,
        %gather3A_207 = tpu.vector_load_idx %arg8[%get3A_200] : memref<10240xf32, #tpu.memory_space<vmem>>[vector<16xi32>], vector<16xf32>,
        %gather3A_208 = tpu.vector_load_idx %arg8[%get3A_203] : memref<10240xf32, #tpu.memory_space<vmem>>[vector<16xi32>], vector<16xf32>,
        %mul3A_209 = arith.mulf %gather3A_207, %get3A_206 : vector<16xf32>
        %mul3A_210 = arith.mulf %mul3A_209, %gather3A_208 : vector<16xf32>
        %neg3A_211 = arith.constant 0.000000e+00 : f32
        %neg3A_212 = vector.broadcast %neg3A_211 : f32 to vector<16xf32>
        %neg3A_213 = arith.subf %neg3A_212, %mul3A_210 : vector<16xf32>
        %swap3A_214 = arith.constant 112 : index
        %swap3A_215 = tpu.vector_load %arg13[%swap3A_214] {strides = array<i32>} : memref<128xf32, #tpu.memory_space<vmem>>, vector<16xf32>,
        tpu.vector_store %arg13[%swap3A_214], %neg3A_213 {strides = array<i32>} : memref<128xf32, #tpu.memory_space<vmem>>, vector<16xf32>,
        %dma_wait3A = arith.constant 0 : i32
        %dma_wait3A_216 = tpu.memref_slice %arg9[%add3A_70, %dma_wait3A] : memref<8x128xi32, #tpu.memory_space<vmem>> -> memref<1x128xi32, #tpu.memory_space<vmem>>
        %dma_wait3A_217 = tpu.memref_squeeze %dma_wait3A_216 : memref<1x128xi32, #tpu.memory_space<vmem>> -> memref<128xi32, #tpu.memory_space<vmem>>
        %dma_wait3A_218 = arith.constant 0 : i32
        %dma_wait3A_219 = arith.constant 0 : i32
        %dma_wait3A_220 = tpu.memref_slice %arg2[%dma_wait3A_218, %dma_wait3A_219] : memref<10240x128xf32, #tpu.memory_space<hbm>> -> memref<10240x128xf32, #tpu.memory_space<hbm>>
        tpu.wait_indirect_dma semaphore(%arg15 : memref<!tpu.dma_semaphore, #tpu.memory_space<semaphore_mem>>) src(%dma_wait3A_220 : memref<10240x128xf32, #tpu.memory_space<hbm>>) dst(%arg12 : memref<128x128xf32, #tpu.memory_space<vmem>>)
        %scan3A_221 = arith.constant 0 : i32
        %scan3A_222 = arith.constant 128 : i32
        %scan3A_223 = arith.addi %scan3A_221, %scan3A_222 : i32
        %scan3A_224 = arith.constant 1 : i32
        scf.for %scan3A_226 = %scan3A_221 to %scan3A_223 step %scan3A_224  : i32 {
          %mul3A_227 = arith.constant 1 : i32
          %mul3A_228 = arith.muli %scan3A_226, %mul3A_227 : i32
          %add3A_229 = arith.constant 0 : i32
          %add3A_230 = arith.addi %add3A_229, %mul3A_228 : i32
          %add3A_231 = vector.broadcast %add3A_230 : i32 to vector<16xi32>
          %add3A_232 = arith.addi %broadcast_in_dim3A_27, %add3A_231 : vector<16xi32>
          %gather3A_233 = tpu.vector_load_idx %arg13[%add3A_232] : memref<128xf32, #tpu.memory_space<vmem>>[vector<16xi32>], vector<16xf32>,
          %get3A_234 = arith.index_cast %add3A_230 : i32 to index
          %get3A_235 = arith.constant 0 : index
          %get3A_236 = tpu.vector_load %arg12[%get3A_234, %get3A_235] {strides = array<i32>} : memref<128x128xf32, #tpu.memory_space<vmem>>, vector<16xf32>,
          %mul3A_237 = arith.mulf %get3A_236, %gather3A_233 : vector<16xf32>
          %swap3A_238 = arith.index_cast %add3A_230 : i32 to index
          %swap3A_239 = arith.constant 0 : index
          %swap3A_240 = tpu.vector_load %arg12[%swap3A_238, %swap3A_239] {strides = array<i32>} : memref<128x128xf32, #tpu.memory_space<vmem>>, vector<16xf32>,
          tpu.vector_store %arg12[%swap3A_238, %swap3A_239], %mul3A_237 {strides = array<i32>} : memref<128x128xf32, #tpu.memory_space<vmem>>, vector<16xf32>,
          %get3A_241 = arith.index_cast %add3A_230 : i32 to index
          %get3A_242 = arith.constant 16 : index
          %get3A_243 = tpu.vector_load %arg12[%get3A_241, %get3A_242] {strides = array<i32>} : memref<128x128xf32, #tpu.memory_space<vmem>>, vector<16xf32>,
          %mul3A_244 = arith.mulf %get3A_243, %gather3A_233 : vector<16xf32>
          %swap3A_245 = arith.index_cast %add3A_230 : i32 to index
          %swap3A_246 = arith.constant 16 : index
          %swap3A_247 = tpu.vector_load %arg12[%swap3A_245, %swap3A_246] {strides = array<i32>} : memref<128x128xf32, #tpu.memory_space<vmem>>, vector<16xf32>,
          tpu.vector_store %arg12[%swap3A_245, %swap3A_246], %mul3A_244 {strides = array<i32>} : memref<128x128xf32, #tpu.memory_space<vmem>>, vector<16xf32>,
          %get3A_248 = arith.index_cast %add3A_230 : i32 to index
          %get3A_249 = arith.constant 32 : index
          %get3A_250 = tpu.vector_load %arg12[%get3A_248, %get3A_249] {strides = array<i32>} : memref<128x128xf32, #tpu.memory_space<vmem>>, vector<16xf32>,
          %mul3A_251 = arith.mulf %get3A_250, %gather3A_233 : vector<16xf32>
          %swap3A_252 = arith.index_cast %add3A_230 : i32 to index
          %swap3A_253 = arith.constant 32 : index
          %swap3A_254 = tpu.vector_load %arg12[%swap3A_252, %swap3A_253] {strides = array<i32>} : memref<128x128xf32, #tpu.memory_space<vmem>>, vector<16xf32>,
          tpu.vector_store %arg12[%swap3A_252, %swap3A_253], %mul3A_251 {strides = array<i32>} : memref<128x128xf32, #tpu.memory_space<vmem>>, vector<16xf32>,
          %get3A_255 = arith.index_cast %add3A_230 : i32 to index
          %get3A_256 = arith.constant 48 : index
          %get3A_257 = tpu.vector_load %arg12[%get3A_255, %get3A_256] {strides = array<i32>} : memref<128x128xf32, #tpu.memory_space<vmem>>, vector<16xf32>,
          %mul3A_258 = arith.mulf %get3A_257, %gather3A_233 : vector<16xf32>
          %swap3A_259 = arith.index_cast %add3A_230 : i32 to index
          %swap3A_260 = arith.constant 48 : index
          %swap3A_261 = tpu.vector_load %arg12[%swap3A_259, %swap3A_260] {strides = array<i32>} : memref<128x128xf32, #tpu.memory_space<vmem>>, vector<16xf32>,
          tpu.vector_store %arg12[%swap3A_259, %swap3A_260], %mul3A_258 {strides = array<i32>} : memref<128x128xf32, #tpu.memory_space<vmem>>, vector<16xf32>,
          %get3A_262 = arith.index_cast %add3A_230 : i32 to index
          %get3A_263 = arith.constant 64 : index
          %get3A_264 = tpu.vector_load %arg12[%get3A_262, %get3A_263] {strides = array<i32>} : memref<128x128xf32, #tpu.memory_space<vmem>>, vector<16xf32>,
          %mul3A_265 = arith.mulf %get3A_264, %gather3A_233 : vector<16xf32>
          %swap3A_266 = arith.index_cast %add3A_230 : i32 to index
          %swap3A_267 = arith.constant 64 : index
          %swap3A_268 = tpu.vector_load %arg12[%swap3A_266, %swap3A_267] {strides = array<i32>} : memref<128x128xf32, #tpu.memory_space<vmem>>, vector<16xf32>,
          tpu.vector_store %arg12[%swap3A_266, %swap3A_267], %mul3A_265 {strides = array<i32>} : memref<128x128xf32, #tpu.memory_space<vmem>>, vector<16xf32>,
          %get3A_269 = arith.index_cast %add3A_230 : i32 to index
          %get3A_270 = arith.constant 80 : index
          %get3A_271 = tpu.vector_load %arg12[%get3A_269, %get3A_270] {strides = array<i32>} : memref<128x128xf32, #tpu.memory_space<vmem>>, vector<16xf32>,
          %mul3A_272 = arith.mulf %get3A_271, %gather3A_233 : vector<16xf32>
          %swap3A_273 = arith.index_cast %add3A_230 : i32 to index
          %swap3A_274 = arith.constant 80 : index
          %swap3A_275 = tpu.vector_load %arg12[%swap3A_273, %swap3A_274] {strides = array<i32>} : memref<128x128xf32, #tpu.memory_space<vmem>>, vector<16xf32>,
          tpu.vector_store %arg12[%swap3A_273, %swap3A_274], %mul3A_272 {strides = array<i32>} : memref<128x128xf32, #tpu.memory_space<vmem>>, vector<16xf32>,
          %get3A_276 = arith.index_cast %add3A_230 : i32 to index
          %get3A_277 = arith.constant 96 : index
          %get3A_278 = tpu.vector_load %arg12[%get3A_276, %get3A_277] {strides = array<i32>} : memref<128x128xf32, #tpu.memory_space<vmem>>, vector<16xf32>,
          %mul3A_279 = arith.mulf %get3A_278, %gather3A_233 : vector<16xf32>
          %swap3A_280 = arith.index_cast %add3A_230 : i32 to index
          %swap3A_281 = arith.constant 96 : index
          %swap3A_282 = tpu.vector_load %arg12[%swap3A_280, %swap3A_281] {strides = array<i32>} : memref<128x128xf32, #tpu.memory_space<vmem>>, vector<16xf32>,
          tpu.vector_store %arg12[%swap3A_280, %swap3A_281], %mul3A_279 {strides = array<i32>} : memref<128x128xf32, #tpu.memory_space<vmem>>, vector<16xf32>,
          %get3A_283 = arith.index_cast %add3A_230 : i32 to index
          %get3A_284 = arith.constant 112 : index
          %get3A_285 = tpu.vector_load %arg12[%get3A_283, %get3A_284] {strides = array<i32>} : memref<128x128xf32, #tpu.memory_space<vmem>>, vector<16xf32>,
          %mul3A_286 = arith.mulf %get3A_285, %gather3A_233 : vector<16xf32>
          %swap3A_287 = arith.index_cast %add3A_230 : i32 to index
          %swap3A_288 = arith.constant 112 : index
          %swap3A_289 = tpu.vector_load %arg12[%swap3A_287, %swap3A_288] {strides = array<i32>} : memref<128x128xf32, #tpu.memory_space<vmem>>, vector<16xf32>,
          tpu.vector_store %arg12[%swap3A_287, %swap3A_288], %mul3A_286 {strides = array<i32>} : memref<128x128xf32, #tpu.memory_space<vmem>>, vector<16xf32>,
        }
        %scan3A_225 = arith.constant 128 : i32
        "tpu.region"() ({
          %run_scoped3A = tpu.sem_alloc : memref<!tpu.dma_semaphore, #tpu.memory_space<semaphore_mem>>
          %dma_start3A_226 = arith.constant 0 : i32
          %dma_start3A_227 = tpu.memref_slice %arg10[%add3A_70, %dma_start3A_226] : memref<8x128xi32, #tpu.memory_space<vmem>> -> memref<1x128xi32, #tpu.memory_space<vmem>>
          %dma_start3A_228 = tpu.memref_squeeze %dma_start3A_227 : memref<1x128xi32, #tpu.memory_space<vmem>> -> memref<128xi32, #tpu.memory_space<vmem>>
          %dma_start3A_229 = arith.constant 0 : i32
          %dma_start3A_230 = arith.constant 0 : i32
          %dma_start3A_231 = tpu.memref_slice %arg14[%dma_start3A_229, %dma_start3A_230] : memref<10240x128xf32, #tpu.memory_space<vmem_shared>> -> memref<10240x128xf32, #tpu.memory_space<vmem_shared>>
          tpu.enqueue_indirect_dma source(%arg12 : memref<128x128xf32, #tpu.memory_space<vmem>>) target(%dma_start3A_231 : memref<10240x128xf32, #tpu.memory_space<vmem_shared>>) offsets(%dma_start3A_228 : memref<128xi32, #tpu.memory_space<vmem>>) semaphore(%run_scoped3A : memref<!tpu.dma_semaphore, #tpu.memory_space<semaphore_mem>>) {add = true}
          %dma_wait3A_232 = arith.constant 0 : i32
          %dma_wait3A_233 = tpu.memref_slice %arg10[%add3A_70, %dma_wait3A_232] : memref<8x128xi32, #tpu.memory_space<vmem>> -> memref<1x128xi32, #tpu.memory_space<vmem>>
          %dma_wait3A_234 = tpu.memref_squeeze %dma_wait3A_233 : memref<1x128xi32, #tpu.memory_space<vmem>> -> memref<128xi32, #tpu.memory_space<vmem>>
          %dma_wait3A_235 = arith.constant 0 : i32
          %dma_wait3A_236 = arith.constant 0 : i32
          %dma_wait3A_237 = tpu.memref_slice %arg14[%dma_wait3A_235, %dma_wait3A_236] : memref<10240x128xf32, #tpu.memory_space<vmem_shared>> -> memref<10240x128xf32, #tpu.memory_space<vmem_shared>>
          tpu.wait_indirect_dma semaphore(%run_scoped3A : memref<!tpu.dma_semaphore, #tpu.memory_space<semaphore_mem>>) src(%arg12 : memref<128x128xf32, #tpu.memory_space<vmem>>) dst(%dma_wait3A_237 : memref<10240x128xf32, #tpu.memory_space<vmem_shared>>)
          tpu.yield
        }) : () -> ()
      }
      %scan3A_65 = arith.constant 8 : i32
    }
    %scan3A_32 = arith.constant 10 : i32
    %barrier3A_33 = arith.constant 0 : index
    tpu.barrier barrier_id(%barrier3A_33)
    %mul3A_34 = arith.constant 640 : i32
    %mul3A_35 = arith.muli %arg1, %mul3A_34 : i32
    %add3A_36 = arith.constant 0 : i32
    %add3A_37 = arith.addi %mul3A_35, %add3A_36 : i32
    "tpu.region"() ({
      %run_scoped3A = tpu.sem_alloc : memref<!tpu.dma_semaphore, #tpu.memory_space<semaphore_mem>>
      %dma_start3A = arith.constant 0 : i32
      %dma_start3A_54 = tpu.memref_slice %arg7[%arg0, %add3A_37, %dma_start3A] : memref<2x10240x128xf32, #tpu.memory_space<hbm>> -> memref<1x128x128xf32, #tpu.memory_space<hbm>>
      %dma_start3A_55 = tpu.memref_squeeze %dma_start3A_54 : memref<1x128x128xf32, #tpu.memory_space<hbm>> -> memref<128x128xf32, #tpu.memory_space<hbm>>
      %dma_start3A_56 = arith.constant 0 : i32
      %dma_start3A_57 = tpu.memref_slice %arg14[%add3A_37, %dma_start3A_56] : memref<10240x128xf32, #tpu.memory_space<vmem_shared>> -> memref<128x128xf32, #tpu.memory_space<vmem_shared>>
      tpu.enqueue_dma source(%dma_start3A_57 : memref<128x128xf32, #tpu.memory_space<vmem_shared>>) target(%dma_start3A_55 : memref<128x128xf32, #tpu.memory_space<hbm>>) target_semaphore(%run_scoped3A : memref<!tpu.dma_semaphore, #tpu.memory_space<semaphore_mem>>)
      %dma_wait3A = arith.constant 0 : i32
      %dma_wait3A_58 = tpu.memref_slice %arg7[%arg0, %add3A_37, %dma_wait3A] : memref<2x10240x128xf32, #tpu.memory_space<hbm>> -> memref<1x128x128xf32, #tpu.memory_space<hbm>>
      %dma_wait3A_59 = tpu.memref_squeeze %dma_wait3A_58 : memref<1x128x128xf32, #tpu.memory_space<hbm>> -> memref<128x128xf32, #tpu.memory_space<hbm>>
      %dma_wait3A_60 = arith.constant 0 : i32
      %dma_wait3A_61 = tpu.memref_slice %arg14[%add3A_37, %dma_wait3A_60] : memref<10240x128xf32, #tpu.memory_space<vmem_shared>> -> memref<128x128xf32, #tpu.memory_space<vmem_shared>>
      tpu.wait_dma2 semaphore(%run_scoped3A : memref<!tpu.dma_semaphore, #tpu.memory_space<semaphore_mem>>) src(%dma_wait3A_61 : memref<128x128xf32, #tpu.memory_space<vmem_shared>>) dst(%dma_wait3A_59 : memref<128x128xf32, #tpu.memory_space<hbm>>)
      tpu.yield
    }) : () -> ()
    %mul3A_38 = arith.constant 640 : i32
    %mul3A_39 = arith.muli %arg1, %mul3A_38 : i32
    %add3A_40 = arith.constant 128 : i32
    %add3A_41 = arith.addi %mul3A_39, %add3A_40 : i32
    "tpu.region"() ({
      %run_scoped3A = tpu.sem_alloc : memref<!tpu.dma_semaphore, #tpu.memory_space<semaphore_mem>>
      %dma_start3A = arith.constant 0 : i32
      %dma_start3A_54 = tpu.memref_slice %arg7[%arg0, %add3A_41, %dma_start3A] : memref<2x10240x128xf32, #tpu.memory_space<hbm>> -> memref<1x128x128xf32, #tpu.memory_space<hbm>>
      %dma_start3A_55 = tpu.memref_squeeze %dma_start3A_54 : memref<1x128x128xf32, #tpu.memory_space<hbm>> -> memref<128x128xf32, #tpu.memory_space<hbm>>
      %dma_start3A_56 = arith.constant 0 : i32
      %dma_start3A_57 = tpu.memref_slice %arg14[%add3A_41, %dma_start3A_56] : memref<10240x128xf32, #tpu.memory_space<vmem_shared>> -> memref<128x128xf32, #tpu.memory_space<vmem_shared>>
      tpu.enqueue_dma source(%dma_start3A_57 : memref<128x128xf32, #tpu.memory_space<vmem_shared>>) target(%dma_start3A_55 : memref<128x128xf32, #tpu.memory_space<hbm>>) target_semaphore(%run_scoped3A : memref<!tpu.dma_semaphore, #tpu.memory_space<semaphore_mem>>)
      %dma_wait3A = arith.constant 0 : i32
      %dma_wait3A_58 = tpu.memref_slice %arg7[%arg0, %add3A_41, %dma_wait3A] : memref<2x10240x128xf32, #tpu.memory_space<hbm>> -> memref<1x128x128xf32, #tpu.memory_space<hbm>>
      %dma_wait3A_59 = tpu.memref_squeeze %dma_wait3A_58 : memref<1x128x128xf32, #tpu.memory_space<hbm>> -> memref<128x128xf32, #tpu.memory_space<hbm>>
      %dma_wait3A_60 = arith.constant 0 : i32
      %dma_wait3A_61 = tpu.memref_slice %arg14[%add3A_41, %dma_wait3A_60] : memref<10240x128xf32, #tpu.memory_space<vmem_shared>> -> memref<128x128xf32, #tpu.memory_space<vmem_shared>>
      tpu.wait_dma2 semaphore(%run_scoped3A : memref<!tpu.dma_semaphore, #tpu.memory_space<semaphore_mem>>) src(%dma_wait3A_61 : memref<128x128xf32, #tpu.memory_space<vmem_shared>>) dst(%dma_wait3A_59 : memref<128x128xf32, #tpu.memory_space<hbm>>)
      tpu.yield
    }) : () -> ()
    %mul3A_42 = arith.constant 640 : i32
    %mul3A_43 = arith.muli %arg1, %mul3A_42 : i32
    %add3A_44 = arith.constant 256 : i32
    %add3A_45 = arith.addi %mul3A_43, %add3A_44 : i32
    "tpu.region"() ({
      %run_scoped3A = tpu.sem_alloc : memref<!tpu.dma_semaphore, #tpu.memory_space<semaphore_mem>>
      %dma_start3A = arith.constant 0 : i32
      %dma_start3A_54 = tpu.memref_slice %arg7[%arg0, %add3A_45, %dma_start3A] : memref<2x10240x128xf32, #tpu.memory_space<hbm>> -> memref<1x128x128xf32, #tpu.memory_space<hbm>>
      %dma_start3A_55 = tpu.memref_squeeze %dma_start3A_54 : memref<1x128x128xf32, #tpu.memory_space<hbm>> -> memref<128x128xf32, #tpu.memory_space<hbm>>
      %dma_start3A_56 = arith.constant 0 : i32
      %dma_start3A_57 = tpu.memref_slice %arg14[%add3A_45, %dma_start3A_56] : memref<10240x128xf32, #tpu.memory_space<vmem_shared>> -> memref<128x128xf32, #tpu.memory_space<vmem_shared>>
      tpu.enqueue_dma source(%dma_start3A_57 : memref<128x128xf32, #tpu.memory_space<vmem_shared>>) target(%dma_start3A_55 : memref<128x128xf32, #tpu.memory_space<hbm>>) target_semaphore(%run_scoped3A : memref<!tpu.dma_semaphore, #tpu.memory_space<semaphore_mem>>)
      %dma_wait3A = arith.constant 0 : i32
      %dma_wait3A_58 = tpu.memref_slice %arg7[%arg0, %add3A_45, %dma_wait3A] : memref<2x10240x128xf32, #tpu.memory_space<hbm>> -> memref<1x128x128xf32, #tpu.memory_space<hbm>>
      %dma_wait3A_59 = tpu.memref_squeeze %dma_wait3A_58 : memref<1x128x128xf32, #tpu.memory_space<hbm>> -> memref<128x128xf32, #tpu.memory_space<hbm>>
      %dma_wait3A_60 = arith.constant 0 : i32
      %dma_wait3A_61 = tpu.memref_slice %arg14[%add3A_45, %dma_wait3A_60] : memref<10240x128xf32, #tpu.memory_space<vmem_shared>> -> memref<128x128xf32, #tpu.memory_space<vmem_shared>>
      tpu.wait_dma2 semaphore(%run_scoped3A : memref<!tpu.dma_semaphore, #tpu.memory_space<semaphore_mem>>) src(%dma_wait3A_61 : memref<128x128xf32, #tpu.memory_space<vmem_shared>>) dst(%dma_wait3A_59 : memref<128x128xf32, #tpu.memory_space<hbm>>)
      tpu.yield
    }) : () -> ()
    %mul3A_46 = arith.constant 640 : i32
    %mul3A_47 = arith.muli %arg1, %mul3A_46 : i32
    %add3A_48 = arith.constant 384 : i32
    %add3A_49 = arith.addi %mul3A_47, %add3A_48 : i32
    "tpu.region"() ({
      %run_scoped3A = tpu.sem_alloc : memref<!tpu.dma_semaphore, #tpu.memory_space<semaphore_mem>>
      %dma_start3A = arith.constant 0 : i32
      %dma_start3A_54 = tpu.memref_slice %arg7[%arg0, %add3A_49, %dma_start3A] : memref<2x10240x128xf32, #tpu.memory_space<hbm>> -> memref<1x128x128xf32, #tpu.memory_space<hbm>>
      %dma_start3A_55 = tpu.memref_squeeze %dma_start3A_54 : memref<1x128x128xf32, #tpu.memory_space<hbm>> -> memref<128x128xf32, #tpu.memory_space<hbm>>
      %dma_start3A_56 = arith.constant 0 : i32
      %dma_start3A_57 = tpu.memref_slice %arg14[%add3A_49, %dma_start3A_56] : memref<10240x128xf32, #tpu.memory_space<vmem_shared>> -> memref<128x128xf32, #tpu.memory_space<vmem_shared>>
      tpu.enqueue_dma source(%dma_start3A_57 : memref<128x128xf32, #tpu.memory_space<vmem_shared>>) target(%dma_start3A_55 : memref<128x128xf32, #tpu.memory_space<hbm>>) target_semaphore(%run_scoped3A : memref<!tpu.dma_semaphore, #tpu.memory_space<semaphore_mem>>)
      %dma_wait3A = arith.constant 0 : i32
      %dma_wait3A_58 = tpu.memref_slice %arg7[%arg0, %add3A_49, %dma_wait3A] : memref<2x10240x128xf32, #tpu.memory_space<hbm>> -> memref<1x128x128xf32, #tpu.memory_space<hbm>>
      %dma_wait3A_59 = tpu.memref_squeeze %dma_wait3A_58 : memref<1x128x128xf32, #tpu.memory_space<hbm>> -> memref<128x128xf32, #tpu.memory_space<hbm>>
      %dma_wait3A_60 = arith.constant 0 : i32
      %dma_wait3A_61 = tpu.memref_slice %arg14[%add3A_49, %dma_wait3A_60] : memref<10240x128xf32, #tpu.memory_space<vmem_shared>> -> memref<128x128xf32, #tpu.memory_space<vmem_shared>>
      tpu.wait_dma2 semaphore(%run_scoped3A : memref<!tpu.dma_semaphore, #tpu.memory_space<semaphore_mem>>) src(%dma_wait3A_61 : memref<128x128xf32, #tpu.memory_space<vmem_shared>>) dst(%dma_wait3A_59 : memref<128x128xf32, #tpu.memory_space<hbm>>)
      tpu.yield
    }) : () -> ()
    %mul3A_50 = arith.constant 640 : i32
    %mul3A_51 = arith.muli %arg1, %mul3A_50 : i32
    %add3A_52 = arith.constant 512 : i32
    %add3A_53 = arith.addi %mul3A_51, %add3A_52 : i32
    "tpu.region"() ({
      %run_scoped3A = tpu.sem_alloc : memref<!tpu.dma_semaphore, #tpu.memory_space<semaphore_mem>>
      %dma_start3A = arith.constant 0 : i32
      %dma_start3A_54 = tpu.memref_slice %arg7[%arg0, %add3A_53, %dma_start3A] : memref<2x10240x128xf32, #tpu.memory_space<hbm>> -> memref<1x128x128xf32, #tpu.memory_space<hbm>>
      %dma_start3A_55 = tpu.memref_squeeze %dma_start3A_54 : memref<1x128x128xf32, #tpu.memory_space<hbm>> -> memref<128x128xf32, #tpu.memory_space<hbm>>
      %dma_start3A_56 = arith.constant 0 : i32
      %dma_start3A_57 = tpu.memref_slice %arg14[%add3A_53, %dma_start3A_56] : memref<10240x128xf32, #tpu.memory_space<vmem_shared>> -> memref<128x128xf32, #tpu.memory_space<vmem_shared>>
      tpu.enqueue_dma source(%dma_start3A_57 : memref<128x128xf32, #tpu.memory_space<vmem_shared>>) target(%dma_start3A_55 : memref<128x128xf32, #tpu.memory_space<hbm>>) target_semaphore(%run_scoped3A : memref<!tpu.dma_semaphore, #tpu.memory_space<semaphore_mem>>)
      %dma_wait3A = arith.constant 0 : i32
      %dma_wait3A_58 = tpu.memref_slice %arg7[%arg0, %add3A_53, %dma_wait3A] : memref<2x10240x128xf32, #tpu.memory_space<hbm>> -> memref<1x128x128xf32, #tpu.memory_space<hbm>>
      %dma_wait3A_59 = tpu.memref_squeeze %dma_wait3A_58 : memref<1x128x128xf32, #tpu.memory_space<hbm>> -> memref<128x128xf32, #tpu.memory_space<hbm>>
      %dma_wait3A_60 = arith.constant 0 : i32
      %dma_wait3A_61 = tpu.memref_slice %arg14[%add3A_53, %dma_wait3A_60] : memref<10240x128xf32, #tpu.memory_space<vmem_shared>> -> memref<128x128xf32, #tpu.memory_space<vmem_shared>>
      tpu.wait_dma2 semaphore(%run_scoped3A : memref<!tpu.dma_semaphore, #tpu.memory_space<semaphore_mem>>) src(%dma_wait3A_61 : memref<128x128xf32, #tpu.memory_space<vmem_shared>>) dst(%dma_wait3A_59 : memref<128x128xf32, #tpu.memory_space<hbm>>)
      tpu.yield
    }) : () -> ()
    return
  }
}

#map = affine_map<(d0, d1) -> (0, 0)>
#map1 = affine_map<(d0, d1) -> (0)>
#map2 = affine_map<(d0, d1) -> (0, 0, 0)>
module attributes {stable_mosaic.version = 14 : i64} {
  func.func @k(%arg0: i32, %arg1: i32, %arg2: memref<10240x128xf32, #tpu.memory_space<hbm>>, %arg3: memref<10240xf32, #tpu.memory_space<hbm>>, %arg4: memref<32x80x128xi32, #tpu.memory_space<hbm>>, %arg5: memref<32x80x128xi32, #tpu.memory_space<hbm>>, %arg6: memref<32x80x128xf32, #tpu.memory_space<hbm>>, %arg7: memref<2x10240x128xf32, #tpu.memory_space<hbm>>, %arg8: memref<10240xf32, #tpu.memory_space<vmem>>, %arg9: memref<8x128xi32, #tpu.memory_space<vmem>>, %arg10: memref<8x128xi32, #tpu.memory_space<vmem>>, %arg11: memref<8x128xf32, #tpu.memory_space<vmem>>, %arg12: memref<128x128xf32, #tpu.memory_space<vmem>>, %arg13: memref<128xf32, #tpu.memory_space<vmem>>, %arg14: memref<10240x128xf32, #tpu.memory_space<vmem_shared>>, %arg15: memref<!tpu.dma_semaphore, #tpu.memory_space<semaphore_mem>>) attributes {dimension_semantics = [#tpu.dimension_semantics<core_parallel>, #tpu.dimension_semantics<subcore_parallel>], iteration_bounds = array<i64: 2, 16>, scalar_prefetch = 0 : i64, scratch_operands = 8 : i64, tpu.core_type = #tpu.core_type<sc_vector_subcore>, window_params = [{transform_indices = #map}, {transform_indices = #map1}, {transform_indices = #map2}, {transform_indices = #map2}, {transform_indices = #map2}, {transform_indices = #map2}]} {
    %mul3A = arith.constant 16 : i32
    %mul3A_0 = arith.muli %arg0, %mul3A : i32
    %add3A = arith.addi %mul3A_0, %arg1 : i32
    "tpu.region"() ({
      %run_scoped3A = tpu.sem_alloc : memref<!tpu.dma_semaphore, #tpu.memory_space<semaphore_mem>>
      tpu.enqueue_dma source(%arg3 : memref<10240xf32, #tpu.memory_space<hbm>>) target(%arg8 : memref<10240xf32, #tpu.memory_space<vmem>>) target_semaphore(%run_scoped3A : memref<!tpu.dma_semaphore, #tpu.memory_space<semaphore_mem>>)
      tpu.wait_dma2 semaphore(%run_scoped3A : memref<!tpu.dma_semaphore, #tpu.memory_space<semaphore_mem>>) src(%arg3 : memref<10240xf32, #tpu.memory_space<hbm>>) dst(%arg8 : memref<10240xf32, #tpu.memory_space<vmem>>)
      tpu.yield
    }) : () -> ()
    %broadcast_in_dim3A = arith.constant 0.000000e+00 : f32
    %broadcast_in_dim3A_1 = vector.broadcast %broadcast_in_dim3A : f32 to vector<16xf32>
    %scan3A = arith.constant 0 : i32
    %scan3A_2 = arith.constant 128 : i32
    %scan3A_3 = arith.addi %scan3A, %scan3A_2 : i32
    %scan3A_4 = arith.constant 1 : i32
    scf.for %scan3A_54 = %scan3A to %scan3A_3 step %scan3A_4  : i32 {
      %mul3A_55 = arith.constant 1 : i32
      %mul3A_56 = arith.muli %scan3A_54, %mul3A_55 : i32
      %add3A_57 = arith.constant 0 : i32
      %add3A_58 = arith.addi %add3A_57, %mul3A_56 : i32
      %swap3A = arith.index_cast %add3A_58 : i32 to index
      %swap3A_59 = arith.constant 0 : index
      %swap3A_60 = tpu.vector_load %arg12[%swap3A, %swap3A_59] {strides = array<i32>} : memref<128x128xf32, #tpu.memory_space<vmem>>, vector<16xf32>,
      tpu.vector_store %arg12[%swap3A, %swap3A_59], %broadcast_in_dim3A_1 {strides = array<i32>} : memref<128x128xf32, #tpu.memory_space<vmem>>, vector<16xf32>,
      %swap3A_61 = arith.index_cast %add3A_58 : i32 to index
      %swap3A_62 = arith.constant 16 : index
      %swap3A_63 = tpu.vector_load %arg12[%swap3A_61, %swap3A_62] {strides = array<i32>} : memref<128x128xf32, #tpu.memory_space<vmem>>, vector<16xf32>,
      tpu.vector_store %arg12[%swap3A_61, %swap3A_62], %broadcast_in_dim3A_1 {strides = array<i32>} : memref<128x128xf32, #tpu.memory_space<vmem>>, vector<16xf32>,
      %swap3A_64 = arith.index_cast %add3A_58 : i32 to index
      %swap3A_65 = arith.constant 32 : index
      %swap3A_66 = tpu.vector_load %arg12[%swap3A_64, %swap3A_65] {strides = array<i32>} : memref<128x128xf32, #tpu.memory_space<vmem>>, vector<16xf32>,
      tpu.vector_store %arg12[%swap3A_64, %swap3A_65], %broadcast_in_dim3A_1 {strides = array<i32>} : memref<128x128xf32, #tpu.memory_space<vmem>>, vector<16xf32>,
      %swap3A_67 = arith.index_cast %add3A_58 : i32 to index
      %swap3A_68 = arith.constant 48 : index
      %swap3A_69 = tpu.vector_load %arg12[%swap3A_67, %swap3A_68] {strides = array<i32>} : memref<128x128xf32, #tpu.memory_space<vmem>>, vector<16xf32>,
      tpu.vector_store %arg12[%swap3A_67, %swap3A_68], %broadcast_in_dim3A_1 {strides = array<i32>} : memref<128x128xf32, #tpu.memory_space<vmem>>, vector<16xf32>,
      %swap3A_70 = arith.index_cast %add3A_58 : i32 to index
      %swap3A_71 = arith.constant 64 : index
      %swap3A_72 = tpu.vector_load %arg12[%swap3A_70, %swap3A_71] {strides = array<i32>} : memref<128x128xf32, #tpu.memory_space<vmem>>, vector<16xf32>,
      tpu.vector_store %arg12[%swap3A_70, %swap3A_71], %broadcast_in_dim3A_1 {strides = array<i32>} : memref<128x128xf32, #tpu.memory_space<vmem>>, vector<16xf32>,
      %swap3A_73 = arith.index_cast %add3A_58 : i32 to index
      %swap3A_74 = arith.constant 80 : index
      %swap3A_75 = tpu.vector_load %arg12[%swap3A_73, %swap3A_74] {strides = array<i32>} : memref<128x128xf32, #tpu.memory_space<vmem>>, vector<16xf32>,
      tpu.vector_store %arg12[%swap3A_73, %swap3A_74], %broadcast_in_dim3A_1 {strides = array<i32>} : memref<128x128xf32, #tpu.memory_space<vmem>>, vector<16xf32>,
      %swap3A_76 = arith.index_cast %add3A_58 : i32 to index
      %swap3A_77 = arith.constant 96 : index
      %swap3A_78 = tpu.vector_load %arg12[%swap3A_76, %swap3A_77] {strides = array<i32>} : memref<128x128xf32, #tpu.memory_space<vmem>>, vector<16xf32>,
      tpu.vector_store %arg12[%swap3A_76, %swap3A_77], %broadcast_in_dim3A_1 {strides = array<i32>} : memref<128x128xf32, #tpu.memory_space<vmem>>, vector<16xf32>,
      %swap3A_79 = arith.index_cast %add3A_58 : i32 to index
      %swap3A_80 = arith.constant 112 : index
      %swap3A_81 = tpu.vector_load %arg12[%swap3A_79, %swap3A_80] {strides = array<i32>} : memref<128x128xf32, #tpu.memory_space<vmem>>, vector<16xf32>,
      tpu.vector_store %arg12[%swap3A_79, %swap3A_80], %broadcast_in_dim3A_1 {strides = array<i32>} : memref<128x128xf32, #tpu.memory_space<vmem>>, vector<16xf32>,
    }
    %scan3A_5 = arith.constant 128 : i32
    %mul3A_6 = arith.constant 640 : i32
    %mul3A_7 = arith.muli %arg1, %mul3A_6 : i32
    %add3A_8 = arith.constant 0 : i32
    %add3A_9 = arith.addi %mul3A_7, %add3A_8 : i32
    "tpu.region"() ({
      %run_scoped3A = tpu.sem_alloc : memref<!tpu.dma_semaphore, #tpu.memory_space<semaphore_mem>>
      %dma_start3A = arith.constant 0 : i32
      %dma_start3A_54 = tpu.memref_slice %arg14[%add3A_9, %dma_start3A] : memref<10240x128xf32, #tpu.memory_space<vmem_shared>> -> memref<128x128xf32, #tpu.memory_space<vmem_shared>>
      %dma_start3A_55 = arith.constant 0 : i32
      %dma_start3A_56 = tpu.memref_slice %arg14[%add3A_9, %dma_start3A_55] : memref<10240x128xf32, #tpu.memory_space<vmem_shared>> -> memref<128x128xf32, #tpu.memory_space<vmem_shared>>
      tpu.enqueue_dma source(%arg12 : memref<128x128xf32, #tpu.memory_space<vmem>>) target(%dma_start3A_56 : memref<128x128xf32, #tpu.memory_space<vmem_shared>>) target_semaphore(%run_scoped3A : memref<!tpu.dma_semaphore, #tpu.memory_space<semaphore_mem>>)
      %dma_wait3A = arith.constant 0 : i32
      %dma_wait3A_57 = tpu.memref_slice %arg14[%add3A_9, %dma_wait3A] : memref<10240x128xf32, #tpu.memory_space<vmem_shared>> -> memref<128x128xf32, #tpu.memory_space<vmem_shared>>
      %dma_wait3A_58 = arith.constant 0 : i32
      %dma_wait3A_59 = tpu.memref_slice %arg14[%add3A_9, %dma_wait3A_58] : memref<10240x128xf32, #tpu.memory_space<vmem_shared>> -> memref<128x128xf32, #tpu.memory_space<vmem_shared>>
      tpu.wait_dma2 semaphore(%run_scoped3A : memref<!tpu.dma_semaphore, #tpu.memory_space<semaphore_mem>>) src(%arg12 : memref<128x128xf32, #tpu.memory_space<vmem>>) dst(%dma_wait3A_59 : memref<128x128xf32, #tpu.memory_space<vmem_shared>>)
      tpu.yield
    }) : () -> ()
    %mul3A_10 = arith.constant 640 : i32
    %mul3A_11 = arith.muli %arg1, %mul3A_10 : i32
    %add3A_12 = arith.constant 128 : i32
    %add3A_13 = arith.addi %mul3A_11, %add3A_12 : i32
    "tpu.region"() ({
      %run_scoped3A = tpu.sem_alloc : memref<!tpu.dma_semaphore, #tpu.memory_space<semaphore_mem>>
      %dma_start3A = arith.constant 0 : i32
      %dma_start3A_54 = tpu.memref_slice %arg14[%add3A_13, %dma_start3A] : memref<10240x128xf32, #tpu.memory_space<vmem_shared>> -> memref<128x128xf32, #tpu.memory_space<vmem_shared>>
      %dma_start3A_55 = arith.constant 0 : i32
      %dma_start3A_56 = tpu.memref_slice %arg14[%add3A_13, %dma_start3A_55] : memref<10240x128xf32, #tpu.memory_space<vmem_shared>> -> memref<128x128xf32, #tpu.memory_space<vmem_shared>>
      tpu.enqueue_dma source(%arg12 : memref<128x128xf32, #tpu.memory_space<vmem>>) target(%dma_start3A_56 : memref<128x128xf32, #tpu.memory_space<vmem_shared>>) target_semaphore(%run_scoped3A : memref<!tpu.dma_semaphore, #tpu.memory_space<semaphore_mem>>)
      %dma_wait3A = arith.constant 0 : i32
      %dma_wait3A_57 = tpu.memref_slice %arg14[%add3A_13, %dma_wait3A] : memref<10240x128xf32, #tpu.memory_space<vmem_shared>> -> memref<128x128xf32, #tpu.memory_space<vmem_shared>>
      %dma_wait3A_58 = arith.constant 0 : i32
      %dma_wait3A_59 = tpu.memref_slice %arg14[%add3A_13, %dma_wait3A_58] : memref<10240x128xf32, #tpu.memory_space<vmem_shared>> -> memref<128x128xf32, #tpu.memory_space<vmem_shared>>
      tpu.wait_dma2 semaphore(%run_scoped3A : memref<!tpu.dma_semaphore, #tpu.memory_space<semaphore_mem>>) src(%arg12 : memref<128x128xf32, #tpu.memory_space<vmem>>) dst(%dma_wait3A_59 : memref<128x128xf32, #tpu.memory_space<vmem_shared>>)
      tpu.yield
    }) : () -> ()
    %mul3A_14 = arith.constant 640 : i32
    %mul3A_15 = arith.muli %arg1, %mul3A_14 : i32
    %add3A_16 = arith.constant 256 : i32
    %add3A_17 = arith.addi %mul3A_15, %add3A_16 : i32
    "tpu.region"() ({
      %run_scoped3A = tpu.sem_alloc : memref<!tpu.dma_semaphore, #tpu.memory_space<semaphore_mem>>
      %dma_start3A = arith.constant 0 : i32
      %dma_start3A_54 = tpu.memref_slice %arg14[%add3A_17, %dma_start3A] : memref<10240x128xf32, #tpu.memory_space<vmem_shared>> -> memref<128x128xf32, #tpu.memory_space<vmem_shared>>
      %dma_start3A_55 = arith.constant 0 : i32
      %dma_start3A_56 = tpu.memref_slice %arg14[%add3A_17, %dma_start3A_55] : memref<10240x128xf32, #tpu.memory_space<vmem_shared>> -> memref<128x128xf32, #tpu.memory_space<vmem_shared>>
      tpu.enqueue_dma source(%arg12 : memref<128x128xf32, #tpu.memory_space<vmem>>) target(%dma_start3A_56 : memref<128x128xf32, #tpu.memory_space<vmem_shared>>) target_semaphore(%run_scoped3A : memref<!tpu.dma_semaphore, #tpu.memory_space<semaphore_mem>>)
      %dma_wait3A = arith.constant 0 : i32
      %dma_wait3A_57 = tpu.memref_slice %arg14[%add3A_17, %dma_wait3A] : memref<10240x128xf32, #tpu.memory_space<vmem_shared>> -> memref<128x128xf32, #tpu.memory_space<vmem_shared>>
      %dma_wait3A_58 = arith.constant 0 : i32
      %dma_wait3A_59 = tpu.memref_slice %arg14[%add3A_17, %dma_wait3A_58] : memref<10240x128xf32, #tpu.memory_space<vmem_shared>> -> memref<128x128xf32, #tpu.memory_space<vmem_shared>>
      tpu.wait_dma2 semaphore(%run_scoped3A : memref<!tpu.dma_semaphore, #tpu.memory_space<semaphore_mem>>) src(%arg12 : memref<128x128xf32, #tpu.memory_space<vmem>>) dst(%dma_wait3A_59 : memref<128x128xf32, #tpu.memory_space<vmem_shared>>)
      tpu.yield
    }) : () -> ()
    %mul3A_18 = arith.constant 640 : i32
    %mul3A_19 = arith.muli %arg1, %mul3A_18 : i32
    %add3A_20 = arith.constant 384 : i32
    %add3A_21 = arith.addi %mul3A_19, %add3A_20 : i32
    "tpu.region"() ({
      %run_scoped3A = tpu.sem_alloc : memref<!tpu.dma_semaphore, #tpu.memory_space<semaphore_mem>>
      %dma_start3A = arith.constant 0 : i32
      %dma_start3A_54 = tpu.memref_slice %arg14[%add3A_21, %dma_start3A] : memref<10240x128xf32, #tpu.memory_space<vmem_shared>> -> memref<128x128xf32, #tpu.memory_space<vmem_shared>>
      %dma_start3A_55 = arith.constant 0 : i32
      %dma_start3A_56 = tpu.memref_slice %arg14[%add3A_21, %dma_start3A_55] : memref<10240x128xf32, #tpu.memory_space<vmem_shared>> -> memref<128x128xf32, #tpu.memory_space<vmem_shared>>
      tpu.enqueue_dma source(%arg12 : memref<128x128xf32, #tpu.memory_space<vmem>>) target(%dma_start3A_56 : memref<128x128xf32, #tpu.memory_space<vmem_shared>>) target_semaphore(%run_scoped3A : memref<!tpu.dma_semaphore, #tpu.memory_space<semaphore_mem>>)
      %dma_wait3A = arith.constant 0 : i32
      %dma_wait3A_57 = tpu.memref_slice %arg14[%add3A_21, %dma_wait3A] : memref<10240x128xf32, #tpu.memory_space<vmem_shared>> -> memref<128x128xf32, #tpu.memory_space<vmem_shared>>
      %dma_wait3A_58 = arith.constant 0 : i32
      %dma_wait3A_59 = tpu.memref_slice %arg14[%add3A_21, %dma_wait3A_58] : memref<10240x128xf32, #tpu.memory_space<vmem_shared>> -> memref<128x128xf32, #tpu.memory_space<vmem_shared>>
      tpu.wait_dma2 semaphore(%run_scoped3A : memref<!tpu.dma_semaphore, #tpu.memory_space<semaphore_mem>>) src(%arg12 : memref<128x128xf32, #tpu.memory_space<vmem>>) dst(%dma_wait3A_59 : memref<128x128xf32, #tpu.memory_space<vmem_shared>>)
      tpu.yield
    }) : () -> ()
    %mul3A_22 = arith.constant 640 : i32
    %mul3A_23 = arith.muli %arg1, %mul3A_22 : i32
    %add3A_24 = arith.constant 512 : i32
    %add3A_25 = arith.addi %mul3A_23, %add3A_24 : i32
    "tpu.region"() ({
      %run_scoped3A = tpu.sem_alloc : memref<!tpu.dma_semaphore, #tpu.memory_space<semaphore_mem>>
      %dma_start3A = arith.constant 0 : i32
      %dma_start3A_54 = tpu.memref_slice %arg14[%add3A_25, %dma_start3A] : memref<10240x128xf32, #tpu.memory_space<vmem_shared>> -> memref<128x128xf32, #tpu.memory_space<vmem_shared>>
      %dma_start3A_55 = arith.constant 0 : i32
      %dma_start3A_56 = tpu.memref_slice %arg14[%add3A_25, %dma_start3A_55] : memref<10240x128xf32, #tpu.memory_space<vmem_shared>> -> memref<128x128xf32, #tpu.memory_space<vmem_shared>>
      tpu.enqueue_dma source(%arg12 : memref<128x128xf32, #tpu.memory_space<vmem>>) target(%dma_start3A_56 : memref<128x128xf32, #tpu.memory_space<vmem_shared>>) target_semaphore(%run_scoped3A : memref<!tpu.dma_semaphore, #tpu.memory_space<semaphore_mem>>)
      %dma_wait3A = arith.constant 0 : i32
      %dma_wait3A_57 = tpu.memref_slice %arg14[%add3A_25, %dma_wait3A] : memref<10240x128xf32, #tpu.memory_space<vmem_shared>> -> memref<128x128xf32, #tpu.memory_space<vmem_shared>>
      %dma_wait3A_58 = arith.constant 0 : i32
      %dma_wait3A_59 = tpu.memref_slice %arg14[%add3A_25, %dma_wait3A_58] : memref<10240x128xf32, #tpu.memory_space<vmem_shared>> -> memref<128x128xf32, #tpu.memory_space<vmem_shared>>
      tpu.wait_dma2 semaphore(%run_scoped3A : memref<!tpu.dma_semaphore, #tpu.memory_space<semaphore_mem>>) src(%arg12 : memref<128x128xf32, #tpu.memory_space<vmem>>) dst(%dma_wait3A_59 : memref<128x128xf32, #tpu.memory_space<vmem_shared>>)
      tpu.yield
    }) : () -> ()
    %barrier3A = arith.constant 0 : index
    tpu.barrier barrier_id(%barrier3A)
    %broadcast_in_dim3A_26 = arith.constant 0 : i32
    %broadcast_in_dim3A_27 = vector.broadcast %broadcast_in_dim3A_26 : i32 to vector<16xi32>
    %scan3A_28 = arith.constant 0 : i32
    %scan3A_29 = arith.constant 10 : i32
    %scan3A_30 = arith.addi %scan3A_28, %scan3A_29 : i32
    %scan3A_31 = arith.constant 1 : i32
    scf.for %scan3A_54 = %scan3A_28 to %scan3A_30 step %scan3A_31  : i32 {
      %mul3A_55 = arith.constant 1 : i32
      %mul3A_56 = arith.muli %scan3A_54, %mul3A_55 : i32
      %add3A_57 = arith.constant 0 : i32
      %add3A_58 = arith.addi %add3A_57, %mul3A_56 : i32
      %mul3A_59 = arith.constant 8 : i32
      %mul3A_60 = arith.muli %add3A_58, %mul3A_59 : i32
      "tpu.region"() ({
        %run_scoped3A = tpu.sem_alloc : memref<!tpu.dma_semaphore, #tpu.memory_space<semaphore_mem>>
        %dma_start3A = arith.constant 0 : i32
        %dma_start3A_66 = tpu.memref_slice %arg4[%add3A, %mul3A_60, %dma_start3A] : memref<32x80x128xi32, #tpu.memory_space<hbm>> -> memref<1x8x128xi32, #tpu.memory_space<hbm>>
        %dma_start3A_67 = tpu.memref_squeeze %dma_start3A_66 : memref<1x8x128xi32, #tpu.memory_space<hbm>> -> memref<8x128xi32, #tpu.memory_space<hbm>>
        %dma_start3A_68 = arith.constant 0 : i32
        %dma_start3A_69 = tpu.memref_slice %arg4[%add3A, %mul3A_60, %dma_start3A_68] : memref<32x80x128xi32, #tpu.memory_space<hbm>> -> memref<1x8x128xi32, #tpu.memory_space<hbm>>
        %dma_start3A_70 = tpu.memref_squeeze %dma_start3A_69 : memref<1x8x128xi32, #tpu.memory_space<hbm>> -> memref<8x128xi32, #tpu.memory_space<hbm>>
        tpu.enqueue_dma source(%dma_start3A_70 : memref<8x128xi32, #tpu.memory_space<hbm>>) target(%arg9 : memref<8x128xi32, #tpu.memory_space<vmem>>) target_semaphore(%run_scoped3A : memref<!tpu.dma_semaphore, #tpu.memory_space<semaphore_mem>>)
        %dma_wait3A = arith.constant 0 : i32
        %dma_wait3A_71 = tpu.memref_slice %arg4[%add3A, %mul3A_60, %dma_wait3A] : memref<32x80x128xi32, #tpu.memory_space<hbm>> -> memref<1x8x128xi32, #tpu.memory_space<hbm>>
        %dma_wait3A_72 = tpu.memref_squeeze %dma_wait3A_71 : memref<1x8x128xi32, #tpu.memory_space<hbm>> -> memref<8x128xi32, #tpu.memory_space<hbm>>
        %dma_wait3A_73 = arith.constant 0 : i32
        %dma_wait3A_74 = tpu.memref_slice %arg4[%add3A, %mul3A_60, %dma_wait3A_73] : memref<32x80x128xi32, #tpu.memory_space<hbm>> -> memref<1x8x128xi32, #tpu.memory_space<hbm>>
        %dma_wait3A_75 = tpu.memref_squeeze %dma_wait3A_74 : memref<1x8x128xi32, #tpu.memory_space<hbm>> -> memref<8x128xi32, #tpu.memory_space<hbm>>
        tpu.wait_dma2 semaphore(%run_scoped3A : memref<!tpu.dma_semaphore, #tpu.memory_space<semaphore_mem>>) src(%dma_wait3A_75 : memref<8x128xi32, #tpu.memory_space<hbm>>) dst(%arg9 : memref<8x128xi32, #tpu.memory_space<vmem>>)
        tpu.yield
      }) : () -> ()
      "tpu.region"() ({
        %run_scoped3A = tpu.sem_alloc : memref<!tpu.dma_semaphore, #tpu.memory_space<semaphore_mem>>
        %dma_start3A = arith.constant 0 : i32
        %dma_start3A_66 = tpu.memref_slice %arg5[%add3A, %mul3A_60, %dma_start3A] : memref<32x80x128xi32, #tpu.memory_space<hbm>> -> memref<1x8x128xi32, #tpu.memory_space<hbm>>
        %dma_start3A_67 = tpu.memref_squeeze %dma_start3A_66 : memref<1x8x128xi32, #tpu.memory_space<hbm>> -> memref<8x128xi32, #tpu.memory_space<hbm>>
        %dma_start3A_68 = arith.constant 0 : i32
        %dma_start3A_69 = tpu.memref_slice %arg5[%add3A, %mul3A_60, %dma_start3A_68] : memref<32x80x128xi32, #tpu.memory_space<hbm>> -> memref<1x8x128xi32, #tpu.memory_space<hbm>>
        %dma_start3A_70 = tpu.memref_squeeze %dma_start3A_69 : memref<1x8x128xi32, #tpu.memory_space<hbm>> -> memref<8x128xi32, #tpu.memory_space<hbm>>
        tpu.enqueue_dma source(%dma_start3A_70 : memref<8x128xi32, #tpu.memory_space<hbm>>) target(%arg10 : memref<8x128xi32, #tpu.memory_space<vmem>>) target_semaphore(%run_scoped3A : memref<!tpu.dma_semaphore, #tpu.memory_space<semaphore_mem>>)
        %dma_wait3A = arith.constant 0 : i32
        %dma_wait3A_71 = tpu.memref_slice %arg5[%add3A, %mul3A_60, %dma_wait3A] : memref<32x80x128xi32, #tpu.memory_space<hbm>> -> memref<1x8x128xi32, #tpu.memory_space<hbm>>
        %dma_wait3A_72 = tpu.memref_squeeze %dma_wait3A_71 : memref<1x8x128xi32, #tpu.memory_space<hbm>> -> memref<8x128xi32, #tpu.memory_space<hbm>>
        %dma_wait3A_73 = arith.constant 0 : i32
        %dma_wait3A_74 = tpu.memref_slice %arg5[%add3A, %mul3A_60, %dma_wait3A_73] : memref<32x80x128xi32, #tpu.memory_space<hbm>> -> memref<1x8x128xi32, #tpu.memory_space<hbm>>
        %dma_wait3A_75 = tpu.memref_squeeze %dma_wait3A_74 : memref<1x8x128xi32, #tpu.memory_space<hbm>> -> memref<8x128xi32, #tpu.memory_space<hbm>>
        tpu.wait_dma2 semaphore(%run_scoped3A : memref<!tpu.dma_semaphore, #tpu.memory_space<semaphore_mem>>) src(%dma_wait3A_75 : memref<8x128xi32, #tpu.memory_space<hbm>>) dst(%arg10 : memref<8x128xi32, #tpu.memory_space<vmem>>)
        tpu.yield
      }) : () -> ()
      "tpu.region"() ({
        %run_scoped3A = tpu.sem_alloc : memref<!tpu.dma_semaphore, #tpu.memory_space<semaphore_mem>>
        %dma_start3A = arith.constant 0 : i32
        %dma_start3A_66 = tpu.memref_slice %arg6[%add3A, %mul3A_60, %dma_start3A] : memref<32x80x128xf32, #tpu.memory_space<hbm>> -> memref<1x8x128xf32, #tpu.memory_space<hbm>>
        %dma_start3A_67 = tpu.memref_squeeze %dma_start3A_66 : memref<1x8x128xf32, #tpu.memory_space<hbm>> -> memref<8x128xf32, #tpu.memory_space<hbm>>
        %dma_start3A_68 = arith.constant 0 : i32
        %dma_start3A_69 = tpu.memref_slice %arg6[%add3A, %mul3A_60, %dma_start3A_68] : memref<32x80x128xf32, #tpu.memory_space<hbm>> -> memref<1x8x128xf32, #tpu.memory_space<hbm>>
        %dma_start3A_70 = tpu.memref_squeeze %dma_start3A_69 : memref<1x8x128xf32, #tpu.memory_space<hbm>> -> memref<8x128xf32, #tpu.memory_space<hbm>>
        tpu.enqueue_dma source(%dma_start3A_70 : memref<8x128xf32, #tpu.memory_space<hbm>>) target(%arg11 : memref<8x128xf32, #tpu.memory_space<vmem>>) target_semaphore(%run_scoped3A : memref<!tpu.dma_semaphore, #tpu.memory_space<semaphore_mem>>)
        %dma_wait3A = arith.constant 0 : i32
        %dma_wait3A_71 = tpu.memref_slice %arg6[%add3A, %mul3A_60, %dma_wait3A] : memref<32x80x128xf32, #tpu.memory_space<hbm>> -> memref<1x8x128xf32, #tpu.memory_space<hbm>>
        %dma_wait3A_72 = tpu.memref_squeeze %dma_wait3A_71 : memref<1x8x128xf32, #tpu.memory_space<hbm>> -> memref<8x128xf32, #tpu.memory_space<hbm>>
        %dma_wait3A_73 = arith.constant 0 : i32
        %dma_wait3A_74 = tpu.memref_slice %arg6[%add3A, %mul3A_60, %dma_wait3A_73] : memref<32x80x128xf32, #tpu.memory_space<hbm>> -> memref<1x8x128xf32, #tpu.memory_space<hbm>>
        %dma_wait3A_75 = tpu.memref_squeeze %dma_wait3A_74 : memref<1x8x128xf32, #tpu.memory_space<hbm>> -> memref<8x128xf32, #tpu.memory_space<hbm>>
        tpu.wait_dma2 semaphore(%run_scoped3A : memref<!tpu.dma_semaphore, #tpu.memory_space<semaphore_mem>>) src(%dma_wait3A_75 : memref<8x128xf32, #tpu.memory_space<hbm>>) dst(%arg11 : memref<8x128xf32, #tpu.memory_space<vmem>>)
        tpu.yield
      }) : () -> ()
      %scan3A_61 = arith.constant 0 : i32
      %scan3A_62 = arith.constant 8 : i32
      %scan3A_63 = arith.addi %scan3A_61, %scan3A_62 : i32
      %scan3A_64 = arith.constant 1 : i32
      scf.for %scan3A_66 = %scan3A_61 to %scan3A_63 step %scan3A_64  : i32 {
        %mul3A_67 = arith.constant 1 : i32
        %mul3A_68 = arith.muli %scan3A_66, %mul3A_67 : i32
        %add3A_69 = arith.constant 0 : i32
        %add3A_70 = arith.addi %add3A_69, %mul3A_68 : i32
        %dma_start3A = arith.constant 0 : i32
        %dma_start3A_71 = tpu.memref_slice %arg9[%add3A_70, %dma_start3A] : memref<8x128xi32, #tpu.memory_space<vmem>> -> memref<1x128xi32, #tpu.memory_space<vmem>>
        %dma_start3A_72 = tpu.memref_squeeze %dma_start3A_71 : memref<1x128xi32, #tpu.memory_space<vmem>> -> memref<128xi32, #tpu.memory_space<vmem>>
        %dma_start3A_73 = arith.constant 0 : i32
        %dma_start3A_74 = arith.constant 0 : i32
        %dma_start3A_75 = tpu.memref_slice %arg2[%dma_start3A_73, %dma_start3A_74] : memref<10240x128xf32, #tpu.memory_space<hbm>> -> memref<10240x128xf32, #tpu.memory_space<hbm>>
        tpu.enqueue_indirect_dma source(%dma_start3A_75 : memref<10240x128xf32, #tpu.memory_space<hbm>>) target(%arg12 : memref<128x128xf32, #tpu.memory_space<vmem>>) offsets(%dma_start3A_72 : memref<128xi32, #tpu.memory_space<vmem>>) semaphore(%arg15 : memref<!tpu.dma_semaphore, #tpu.memory_space<semaphore_mem>>)
        %get3A = arith.index_cast %add3A_70 : i32 to index
        %get3A_76 = arith.constant 0 : index
        %get3A_77 = tpu.vector_load %arg9[%get3A, %get3A_76] {strides = array<i32>} : memref<8x128xi32, #tpu.memory_space<vmem>>, vector<16xi32>,
        %get3A_78 = arith.index_cast %add3A_70 : i32 to index
        %get3A_79 = arith.constant 0 : index
        %get3A_80 = tpu.vector_load %arg10[%get3A_78, %get3A_79] {strides = array<i32>} : memref<8x128xi32, #tpu.memory_space<vmem>>, vector<16xi32>,
        %get3A_81 = arith.index_cast %add3A_70 : i32 to index
        %get3A_82 = arith.constant 0 : index
        %get3A_83 = tpu.vector_load %arg11[%get3A_81, %get3A_82] {strides = array<i32>} : memref<8x128xf32, #tpu.memory_space<vmem>>, vector<16xf32>,
        %gather3A = tpu.vector_load_idx %arg8[%get3A_77] : memref<10240xf32, #tpu.memory_space<vmem>>[vector<16xi32>], vector<16xf32>,
        %gather3A_84 = tpu.vector_load_idx %arg8[%get3A_80] : memref<10240xf32, #tpu.memory_space<vmem>>[vector<16xi32>], vector<16xf32>,
        %mul3A_85 = arith.mulf %gather3A, %get3A_83 : vector<16xf32>
        %mul3A_86 = arith.mulf %mul3A_85, %gather3A_84 : vector<16xf32>
        %neg3A = arith.constant 0.000000e+00 : f32
        %neg3A_87 = vector.broadcast %neg3A : f32 to vector<16xf32>
        %neg3A_88 = arith.subf %neg3A_87, %mul3A_86 : vector<16xf32>
        %swap3A = arith.constant 0 : index
        %swap3A_89 = tpu.vector_load %arg13[%swap3A] {strides = array<i32>} : memref<128xf32, #tpu.memory_space<vmem>>, vector<16xf32>,
        tpu.vector_store %arg13[%swap3A], %neg3A_88 {strides = array<i32>} : memref<128xf32, #tpu.memory_space<vmem>>, vector<16xf32>,
        %get3A_90 = arith.index_cast %add3A_70 : i32 to index
        %get3A_91 = arith.constant 16 : index
        %get3A_92 = tpu.vector_load %arg9[%get3A_90, %get3A_91] {strides = array<i32>} : memref<8x128xi32, #tpu.memory_space<vmem>>, vector<16xi32>,
        %get3A_93 = arith.index_cast %add3A_70 : i32 to index
        %get3A_94 = arith.constant 16 : index
        %get3A_95 = tpu.vector_load %arg10[%get3A_93, %get3A_94] {strides = array<i32>} : memref<8x128xi32, #tpu.memory_space<vmem>>, vector<16xi32>,
        %get3A_96 = arith.index_cast %add3A_70 : i32 to index
        %get3A_97 = arith.constant 16 : index
        %get3A_98 = tpu.vector_load %arg11[%get3A_96, %get3A_97] {strides = array<i32>} : memref<8x128xf32, #tpu.memory_space<vmem>>, vector<16xf32>,
        %gather3A_99 = tpu.vector_load_idx %arg8[%get3A_92] : memref<10240xf32, #tpu.memory_space<vmem>>[vector<16xi32>], vector<16xf32>,
        %gather3A_100 = tpu.vector_load_idx %arg8[%get3A_95] : memref<10240xf32, #tpu.memory_space<vmem>>[vector<16xi32>], vector<16xf32>,
        %mul3A_101 = arith.mulf %gather3A_99, %get3A_98 : vector<16xf32>
        %mul3A_102 = arith.mulf %mul3A_101, %gather3A_100 : vector<16xf32>
        %neg3A_103 = arith.constant 0.000000e+00 : f32
        %neg3A_104 = vector.broadcast %neg3A_103 : f32 to vector<16xf32>
        %neg3A_105 = arith.subf %neg3A_104, %mul3A_102 : vector<16xf32>
        %swap3A_106 = arith.constant 16 : index
        %swap3A_107 = tpu.vector_load %arg13[%swap3A_106] {strides = array<i32>} : memref<128xf32, #tpu.memory_space<vmem>>, vector<16xf32>,
        tpu.vector_store %arg13[%swap3A_106], %neg3A_105 {strides = array<i32>} : memref<128xf32, #tpu.memory_space<vmem>>, vector<16xf32>,
        %get3A_108 = arith.index_cast %add3A_70 : i32 to index
        %get3A_109 = arith.constant 32 : index
        %get3A_110 = tpu.vector_load %arg9[%get3A_108, %get3A_109] {strides = array<i32>} : memref<8x128xi32, #tpu.memory_space<vmem>>, vector<16xi32>,
        %get3A_111 = arith.index_cast %add3A_70 : i32 to index
        %get3A_112 = arith.constant 32 : index
        %get3A_113 = tpu.vector_load %arg10[%get3A_111, %get3A_112] {strides = array<i32>} : memref<8x128xi32, #tpu.memory_space<vmem>>, vector<16xi32>,
        %get3A_114 = arith.index_cast %add3A_70 : i32 to index
        %get3A_115 = arith.constant 32 : index
        %get3A_116 = tpu.vector_load %arg11[%get3A_114, %get3A_115] {strides = array<i32>} : memref<8x128xf32, #tpu.memory_space<vmem>>, vector<16xf32>,
        %gather3A_117 = tpu.vector_load_idx %arg8[%get3A_110] : memref<10240xf32, #tpu.memory_space<vmem>>[vector<16xi32>], vector<16xf32>,
        %gather3A_118 = tpu.vector_load_idx %arg8[%get3A_113] : memref<10240xf32, #tpu.memory_space<vmem>>[vector<16xi32>], vector<16xf32>,
        %mul3A_119 = arith.mulf %gather3A_117, %get3A_116 : vector<16xf32>
        %mul3A_120 = arith.mulf %mul3A_119, %gather3A_118 : vector<16xf32>
        %neg3A_121 = arith.constant 0.000000e+00 : f32
        %neg3A_122 = vector.broadcast %neg3A_121 : f32 to vector<16xf32>
        %neg3A_123 = arith.subf %neg3A_122, %mul3A_120 : vector<16xf32>
        %swap3A_124 = arith.constant 32 : index
        %swap3A_125 = tpu.vector_load %arg13[%swap3A_124] {strides = array<i32>} : memref<128xf32, #tpu.memory_space<vmem>>, vector<16xf32>,
        tpu.vector_store %arg13[%swap3A_124], %neg3A_123 {strides = array<i32>} : memref<128xf32, #tpu.memory_space<vmem>>, vector<16xf32>,
        %get3A_126 = arith.index_cast %add3A_70 : i32 to index
        %get3A_127 = arith.constant 48 : index
        %get3A_128 = tpu.vector_load %arg9[%get3A_126, %get3A_127] {strides = array<i32>} : memref<8x128xi32, #tpu.memory_space<vmem>>, vector<16xi32>,
        %get3A_129 = arith.index_cast %add3A_70 : i32 to index
        %get3A_130 = arith.constant 48 : index
        %get3A_131 = tpu.vector_load %arg10[%get3A_129, %get3A_130] {strides = array<i32>} : memref<8x128xi32, #tpu.memory_space<vmem>>, vector<16xi32>,
        %get3A_132 = arith.index_cast %add3A_70 : i32 to index
        %get3A_133 = arith.constant 48 : index
        %get3A_134 = tpu.vector_load %arg11[%get3A_132, %get3A_133] {strides = array<i32>} : memref<8x128xf32, #tpu.memory_space<vmem>>, vector<16xf32>,
        %gather3A_135 = tpu.vector_load_idx %arg8[%get3A_128] : memref<10240xf32, #tpu.memory_space<vmem>>[vector<16xi32>], vector<16xf32>,
        %gather3A_136 = tpu.vector_load_idx %arg8[%get3A_131] : memref<10240xf32, #tpu.memory_space<vmem>>[vector<16xi32>], vector<16xf32>,
        %mul3A_137 = arith.mulf %gather3A_135, %get3A_134 : vector<16xf32>
        %mul3A_138 = arith.mulf %mul3A_137, %gather3A_136 : vector<16xf32>
        %neg3A_139 = arith.constant 0.000000e+00 : f32
        %neg3A_140 = vector.broadcast %neg3A_139 : f32 to vector<16xf32>
        %neg3A_141 = arith.subf %neg3A_140, %mul3A_138 : vector<16xf32>
        %swap3A_142 = arith.constant 48 : index
        %swap3A_143 = tpu.vector_load %arg13[%swap3A_142] {strides = array<i32>} : memref<128xf32, #tpu.memory_space<vmem>>, vector<16xf32>,
        tpu.vector_store %arg13[%swap3A_142], %neg3A_141 {strides = array<i32>} : memref<128xf32, #tpu.memory_space<vmem>>, vector<16xf32>,
        %get3A_144 = arith.index_cast %add3A_70 : i32 to index
        %get3A_145 = arith.constant 64 : index
        %get3A_146 = tpu.vector_load %arg9[%get3A_144, %get3A_145] {strides = array<i32>} : memref<8x128xi32, #tpu.memory_space<vmem>>, vector<16xi32>,
        %get3A_147 = arith.index_cast %add3A_70 : i32 to index
        %get3A_148 = arith.constant 64 : index
        %get3A_149 = tpu.vector_load %arg10[%get3A_147, %get3A_148] {strides = array<i32>} : memref<8x128xi32, #tpu.memory_space<vmem>>, vector<16xi32>,
        %get3A_150 = arith.index_cast %add3A_70 : i32 to index
        %get3A_151 = arith.constant 64 : index
        %get3A_152 = tpu.vector_load %arg11[%get3A_150, %get3A_151] {strides = array<i32>} : memref<8x128xf32, #tpu.memory_space<vmem>>, vector<16xf32>,
        %gather3A_153 = tpu.vector_load_idx %arg8[%get3A_146] : memref<10240xf32, #tpu.memory_space<vmem>>[vector<16xi32>], vector<16xf32>,
        %gather3A_154 = tpu.vector_load_idx %arg8[%get3A_149] : memref<10240xf32, #tpu.memory_space<vmem>>[vector<16xi32>], vector<16xf32>,
        %mul3A_155 = arith.mulf %gather3A_153, %get3A_152 : vector<16xf32>
        %mul3A_156 = arith.mulf %mul3A_155, %gather3A_154 : vector<16xf32>
        %neg3A_157 = arith.constant 0.000000e+00 : f32
        %neg3A_158 = vector.broadcast %neg3A_157 : f32 to vector<16xf32>
        %neg3A_159 = arith.subf %neg3A_158, %mul3A_156 : vector<16xf32>
        %swap3A_160 = arith.constant 64 : index
        %swap3A_161 = tpu.vector_load %arg13[%swap3A_160] {strides = array<i32>} : memref<128xf32, #tpu.memory_space<vmem>>, vector<16xf32>,
        tpu.vector_store %arg13[%swap3A_160], %neg3A_159 {strides = array<i32>} : memref<128xf32, #tpu.memory_space<vmem>>, vector<16xf32>,
        %get3A_162 = arith.index_cast %add3A_70 : i32 to index
        %get3A_163 = arith.constant 80 : index
        %get3A_164 = tpu.vector_load %arg9[%get3A_162, %get3A_163] {strides = array<i32>} : memref<8x128xi32, #tpu.memory_space<vmem>>, vector<16xi32>,
        %get3A_165 = arith.index_cast %add3A_70 : i32 to index
        %get3A_166 = arith.constant 80 : index
        %get3A_167 = tpu.vector_load %arg10[%get3A_165, %get3A_166] {strides = array<i32>} : memref<8x128xi32, #tpu.memory_space<vmem>>, vector<16xi32>,
        %get3A_168 = arith.index_cast %add3A_70 : i32 to index
        %get3A_169 = arith.constant 80 : index
        %get3A_170 = tpu.vector_load %arg11[%get3A_168, %get3A_169] {strides = array<i32>} : memref<8x128xf32, #tpu.memory_space<vmem>>, vector<16xf32>,
        %gather3A_171 = tpu.vector_load_idx %arg8[%get3A_164] : memref<10240xf32, #tpu.memory_space<vmem>>[vector<16xi32>], vector<16xf32>,
        %gather3A_172 = tpu.vector_load_idx %arg8[%get3A_167] : memref<10240xf32, #tpu.memory_space<vmem>>[vector<16xi32>], vector<16xf32>,
        %mul3A_173 = arith.mulf %gather3A_171, %get3A_170 : vector<16xf32>
        %mul3A_174 = arith.mulf %mul3A_173, %gather3A_172 : vector<16xf32>
        %neg3A_175 = arith.constant 0.000000e+00 : f32
        %neg3A_176 = vector.broadcast %neg3A_175 : f32 to vector<16xf32>
        %neg3A_177 = arith.subf %neg3A_176, %mul3A_174 : vector<16xf32>
        %swap3A_178 = arith.constant 80 : index
        %swap3A_179 = tpu.vector_load %arg13[%swap3A_178] {strides = array<i32>} : memref<128xf32, #tpu.memory_space<vmem>>, vector<16xf32>,
        tpu.vector_store %arg13[%swap3A_178], %neg3A_177 {strides = array<i32>} : memref<128xf32, #tpu.memory_space<vmem>>, vector<16xf32>,
        %get3A_180 = arith.index_cast %add3A_70 : i32 to index
        %get3A_181 = arith.constant 96 : index
        %get3A_182 = tpu.vector_load %arg9[%get3A_180, %get3A_181] {strides = array<i32>} : memref<8x128xi32, #tpu.memory_space<vmem>>, vector<16xi32>,
        %get3A_183 = arith.index_cast %add3A_70 : i32 to index
        %get3A_184 = arith.constant 96 : index
        %get3A_185 = tpu.vector_load %arg10[%get3A_183, %get3A_184] {strides = array<i32>} : memref<8x128xi32, #tpu.memory_space<vmem>>, vector<16xi32>,
        %get3A_186 = arith.index_cast %add3A_70 : i32 to index
        %get3A_187 = arith.constant 96 : index
        %get3A_188 = tpu.vector_load %arg11[%get3A_186, %get3A_187] {strides = array<i32>} : memref<8x128xf32, #tpu.memory_space<vmem>>, vector<16xf32>,
        %gather3A_189 = tpu.vector_load_idx %arg8[%get3A_182] : memref<10240xf32, #tpu.memory_space<vmem>>[vector<16xi32>], vector<16xf32>,
        %gather3A_190 = tpu.vector_load_idx %arg8[%get3A_185] : memref<10240xf32, #tpu.memory_space<vmem>>[vector<16xi32>], vector<16xf32>,
        %mul3A_191 = arith.mulf %gather3A_189, %get3A_188 : vector<16xf32>
        %mul3A_192 = arith.mulf %mul3A_191, %gather3A_190 : vector<16xf32>
        %neg3A_193 = arith.constant 0.000000e+00 : f32
        %neg3A_194 = vector.broadcast %neg3A_193 : f32 to vector<16xf32>
        %neg3A_195 = arith.subf %neg3A_194, %mul3A_192 : vector<16xf32>
        %swap3A_196 = arith.constant 96 : index
        %swap3A_197 = tpu.vector_load %arg13[%swap3A_196] {strides = array<i32>} : memref<128xf32, #tpu.memory_space<vmem>>, vector<16xf32>,
        tpu.vector_store %arg13[%swap3A_196], %neg3A_195 {strides = array<i32>} : memref<128xf32, #tpu.memory_space<vmem>>, vector<16xf32>,
        %get3A_198 = arith.index_cast %add3A_70 : i32 to index
        %get3A_199 = arith.constant 112 : index
        %get3A_200 = tpu.vector_load %arg9[%get3A_198, %get3A_199] {strides = array<i32>} : memref<8x128xi32, #tpu.memory_space<vmem>>, vector<16xi32>,
        %get3A_201 = arith.index_cast %add3A_70 : i32 to index
        %get3A_202 = arith.constant 112 : index
        %get3A_203 = tpu.vector_load %arg10[%get3A_201, %get3A_202] {strides = array<i32>} : memref<8x128xi32, #tpu.memory_space<vmem>>, vector<16xi32>,
        %get3A_204 = arith.index_cast %add3A_70 : i32 to index
        %get3A_205 = arith.constant 112 : index
        %get3A_206 = tpu.vector_load %arg11[%get3A_204, %get3A_205] {strides = array<i32>} : memref<8x128xf32, #tpu.memory_space<vmem>>, vector<16xf32>,
        %gather3A_207 = tpu.vector_load_idx %arg8[%get3A_200] : memref<10240xf32, #tpu.memory_space<vmem>>[vector<16xi32>], vector<16xf32>,
        %gather3A_208 = tpu.vector_load_idx %arg8[%get3A_203] : memref<10240xf32, #tpu.memory_space<vmem>>[vector<16xi32>], vector<16xf32>,
        %mul3A_209 = arith.mulf %gather3A_207, %get3A_206 : vector<16xf32>
        %mul3A_210 = arith.mulf %mul3A_209, %gather3A_208 : vector<16xf32>
        %neg3A_211 = arith.constant 0.000000e+00 : f32
        %neg3A_212 = vector.broadcast %neg3A_211 : f32 to vector<16xf32>
        %neg3A_213 = arith.subf %neg3A_212, %mul3A_210 : vector<16xf32>
        %swap3A_214 = arith.constant 112 : index
        %swap3A_215 = tpu.vector_load %arg13[%swap3A_214] {strides = array<i32>} : memref<128xf32, #tpu.memory_space<vmem>>, vector<16xf32>,
        tpu.vector_store %arg13[%swap3A_214], %neg3A_213 {strides = array<i32>} : memref<128xf32, #tpu.memory_space<vmem>>, vector<16xf32>,
        %dma_wait3A = arith.constant 0 : i32
        %dma_wait3A_216 = tpu.memref_slice %arg9[%add3A_70, %dma_wait3A] : memref<8x128xi32, #tpu.memory_space<vmem>> -> memref<1x128xi32, #tpu.memory_space<vmem>>
        %dma_wait3A_217 = tpu.memref_squeeze %dma_wait3A_216 : memref<1x128xi32, #tpu.memory_space<vmem>> -> memref<128xi32, #tpu.memory_space<vmem>>
        %dma_wait3A_218 = arith.constant 0 : i32
        %dma_wait3A_219 = arith.constant 0 : i32
        %dma_wait3A_220 = tpu.memref_slice %arg2[%dma_wait3A_218, %dma_wait3A_219] : memref<10240x128xf32, #tpu.memory_space<hbm>> -> memref<10240x128xf32, #tpu.memory_space<hbm>>
        tpu.wait_indirect_dma semaphore(%arg15 : memref<!tpu.dma_semaphore, #tpu.memory_space<semaphore_mem>>) src(%dma_wait3A_220 : memref<10240x128xf32, #tpu.memory_space<hbm>>) dst(%arg12 : memref<128x128xf32, #tpu.memory_space<vmem>>)
        %scan3A_221 = arith.constant 0 : i32
        %scan3A_222 = arith.constant 128 : i32
        %scan3A_223 = arith.addi %scan3A_221, %scan3A_222 : i32
        %scan3A_224 = arith.constant 1 : i32
        scf.for %scan3A_226 = %scan3A_221 to %scan3A_223 step %scan3A_224  : i32 {
          %mul3A_227 = arith.constant 1 : i32
          %mul3A_228 = arith.muli %scan3A_226, %mul3A_227 : i32
          %add3A_229 = arith.constant 0 : i32
          %add3A_230 = arith.addi %add3A_229, %mul3A_228 : i32
          %add3A_231 = vector.broadcast %add3A_230 : i32 to vector<16xi32>
          %add3A_232 = arith.addi %broadcast_in_dim3A_27, %add3A_231 : vector<16xi32>
          %gather3A_233 = tpu.vector_load_idx %arg13[%add3A_232] : memref<128xf32, #tpu.memory_space<vmem>>[vector<16xi32>], vector<16xf32>,
          %get3A_234 = arith.index_cast %add3A_230 : i32 to index
          %get3A_235 = arith.constant 0 : index
          %get3A_236 = tpu.vector_load %arg12[%get3A_234, %get3A_235] {strides = array<i32>} : memref<128x128xf32, #tpu.memory_space<vmem>>, vector<16xf32>,
          %mul3A_237 = arith.mulf %get3A_236, %gather3A_233 : vector<16xf32>
          %swap3A_238 = arith.index_cast %add3A_230 : i32 to index
          %swap3A_239 = arith.constant 0 : index
          %swap3A_240 = tpu.vector_load %arg12[%swap3A_238, %swap3A_239] {strides = array<i32>} : memref<128x128xf32, #tpu.memory_space<vmem>>, vector<16xf32>,
          tpu.vector_store %arg12[%swap3A_238, %swap3A_239], %mul3A_237 {strides = array<i32>} : memref<128x128xf32, #tpu.memory_space<vmem>>, vector<16xf32>,
          %get3A_241 = arith.index_cast %add3A_230 : i32 to index
          %get3A_242 = arith.constant 16 : index
          %get3A_243 = tpu.vector_load %arg12[%get3A_241, %get3A_242] {strides = array<i32>} : memref<128x128xf32, #tpu.memory_space<vmem>>, vector<16xf32>,
          %mul3A_244 = arith.mulf %get3A_243, %gather3A_233 : vector<16xf32>
          %swap3A_245 = arith.index_cast %add3A_230 : i32 to index
          %swap3A_246 = arith.constant 16 : index
          %swap3A_247 = tpu.vector_load %arg12[%swap3A_245, %swap3A_246] {strides = array<i32>} : memref<128x128xf32, #tpu.memory_space<vmem>>, vector<16xf32>,
          tpu.vector_store %arg12[%swap3A_245, %swap3A_246], %mul3A_244 {strides = array<i32>} : memref<128x128xf32, #tpu.memory_space<vmem>>, vector<16xf32>,
          %get3A_248 = arith.index_cast %add3A_230 : i32 to index
          %get3A_249 = arith.constant 32 : index
          %get3A_250 = tpu.vector_load %arg12[%get3A_248, %get3A_249] {strides = array<i32>} : memref<128x128xf32, #tpu.memory_space<vmem>>, vector<16xf32>,
          %mul3A_251 = arith.mulf %get3A_250, %gather3A_233 : vector<16xf32>
          %swap3A_252 = arith.index_cast %add3A_230 : i32 to index
          %swap3A_253 = arith.constant 32 : index
          %swap3A_254 = tpu.vector_load %arg12[%swap3A_252, %swap3A_253] {strides = array<i32>} : memref<128x128xf32, #tpu.memory_space<vmem>>, vector<16xf32>,
          tpu.vector_store %arg12[%swap3A_252, %swap3A_253], %mul3A_251 {strides = array<i32>} : memref<128x128xf32, #tpu.memory_space<vmem>>, vector<16xf32>,
          %get3A_255 = arith.index_cast %add3A_230 : i32 to index
          %get3A_256 = arith.constant 48 : index
          %get3A_257 = tpu.vector_load %arg12[%get3A_255, %get3A_256] {strides = array<i32>} : memref<128x128xf32, #tpu.memory_space<vmem>>, vector<16xf32>,
          %mul3A_258 = arith.mulf %get3A_257, %gather3A_233 : vector<16xf32>
          %swap3A_259 = arith.index_cast %add3A_230 : i32 to index
          %swap3A_260 = arith.constant 48 : index
          %swap3A_261 = tpu.vector_load %arg12[%swap3A_259, %swap3A_260] {strides = array<i32>} : memref<128x128xf32, #tpu.memory_space<vmem>>, vector<16xf32>,
          tpu.vector_store %arg12[%swap3A_259, %swap3A_260], %mul3A_258 {strides = array<i32>} : memref<128x128xf32, #tpu.memory_space<vmem>>, vector<16xf32>,
          %get3A_262 = arith.index_cast %add3A_230 : i32 to index
          %get3A_263 = arith.constant 64 : index
          %get3A_264 = tpu.vector_load %arg12[%get3A_262, %get3A_263] {strides = array<i32>} : memref<128x128xf32, #tpu.memory_space<vmem>>, vector<16xf32>,
          %mul3A_265 = arith.mulf %get3A_264, %gather3A_233 : vector<16xf32>
          %swap3A_266 = arith.index_cast %add3A_230 : i32 to index
          %swap3A_267 = arith.constant 64 : index
          %swap3A_268 = tpu.vector_load %arg12[%swap3A_266, %swap3A_267] {strides = array<i32>} : memref<128x128xf32, #tpu.memory_space<vmem>>, vector<16xf32>,
          tpu.vector_store %arg12[%swap3A_266, %swap3A_267], %mul3A_265 {strides = array<i32>} : memref<128x128xf32, #tpu.memory_space<vmem>>, vector<16xf32>,
          %get3A_269 = arith.index_cast %add3A_230 : i32 to index
          %get3A_270 = arith.constant 80 : index
          %get3A_271 = tpu.vector_load %arg12[%get3A_269, %get3A_270] {strides = array<i32>} : memref<128x128xf32, #tpu.memory_space<vmem>>, vector<16xf32>,
          %mul3A_272 = arith.mulf %get3A_271, %gather3A_233 : vector<16xf32>
          %swap3A_273 = arith.index_cast %add3A_230 : i32 to index
          %swap3A_274 = arith.constant 80 : index
          %swap3A_275 = tpu.vector_load %arg12[%swap3A_273, %swap3A_274] {strides = array<i32>} : memref<128x128xf32, #tpu.memory_space<vmem>>, vector<16xf32>,
          tpu.vector_store %arg12[%swap3A_273, %swap3A_274], %mul3A_272 {strides = array<i32>} : memref<128x128xf32, #tpu.memory_space<vmem>>, vector<16xf32>,
          %get3A_276 = arith.index_cast %add3A_230 : i32 to index
          %get3A_277 = arith.constant 96 : index
          %get3A_278 = tpu.vector_load %arg12[%get3A_276, %get3A_277] {strides = array<i32>} : memref<128x128xf32, #tpu.memory_space<vmem>>, vector<16xf32>,
          %mul3A_279 = arith.mulf %get3A_278, %gather3A_233 : vector<16xf32>
          %swap3A_280 = arith.index_cast %add3A_230 : i32 to index
          %swap3A_281 = arith.constant 96 : index
          %swap3A_282 = tpu.vector_load %arg12[%swap3A_280, %swap3A_281] {strides = array<i32>} : memref<128x128xf32, #tpu.memory_space<vmem>>, vector<16xf32>,
          tpu.vector_store %arg12[%swap3A_280, %swap3A_281], %mul3A_279 {strides = array<i32>} : memref<128x128xf32, #tpu.memory_space<vmem>>, vector<16xf32>,
          %get3A_283 = arith.index_cast %add3A_230 : i32 to index
          %get3A_284 = arith.constant 112 : index
          %get3A_285 = tpu.vector_load %arg12[%get3A_283, %get3A_284] {strides = array<i32>} : memref<128x128xf32, #tpu.memory_space<vmem>>, vector<16xf32>,
          %mul3A_286 = arith.mulf %get3A_285, %gather3A_233 : vector<16xf32>
          %swap3A_287 = arith.index_cast %add3A_230 : i32 to index
          %swap3A_288 = arith.constant 112 : index
          %swap3A_289 = tpu.vector_load %arg12[%swap3A_287, %swap3A_288] {strides = array<i32>} : memref<128x128xf32, #tpu.memory_space<vmem>>, vector<16xf32>,
          tpu.vector_store %arg12[%swap3A_287, %swap3A_288], %mul3A_286 {strides = array<i32>} : memref<128x128xf32, #tpu.memory_space<vmem>>, vector<16xf32>,
        }
        %scan3A_225 = arith.constant 128 : i32
        "tpu.region"() ({
          %run_scoped3A = tpu.sem_alloc : memref<!tpu.dma_semaphore, #tpu.memory_space<semaphore_mem>>
          %dma_start3A_226 = arith.constant 0 : i32
          %dma_start3A_227 = tpu.memref_slice %arg10[%add3A_70, %dma_start3A_226] : memref<8x128xi32, #tpu.memory_space<vmem>> -> memref<1x128xi32, #tpu.memory_space<vmem>>
          %dma_start3A_228 = tpu.memref_squeeze %dma_start3A_227 : memref<1x128xi32, #tpu.memory_space<vmem>> -> memref<128xi32, #tpu.memory_space<vmem>>
          %dma_start3A_229 = arith.constant 0 : i32
          %dma_start3A_230 = arith.constant 0 : i32
          %dma_start3A_231 = tpu.memref_slice %arg14[%dma_start3A_229, %dma_start3A_230] : memref<10240x128xf32, #tpu.memory_space<vmem_shared>> -> memref<10240x128xf32, #tpu.memory_space<vmem_shared>>
          tpu.enqueue_indirect_dma source(%arg12 : memref<128x128xf32, #tpu.memory_space<vmem>>) target(%dma_start3A_231 : memref<10240x128xf32, #tpu.memory_space<vmem_shared>>) offsets(%dma_start3A_228 : memref<128xi32, #tpu.memory_space<vmem>>) semaphore(%run_scoped3A : memref<!tpu.dma_semaphore, #tpu.memory_space<semaphore_mem>>) {add = true}
          %dma_wait3A_232 = arith.constant 0 : i32
          %dma_wait3A_233 = tpu.memref_slice %arg10[%add3A_70, %dma_wait3A_232] : memref<8x128xi32, #tpu.memory_space<vmem>> -> memref<1x128xi32, #tpu.memory_space<vmem>>
          %dma_wait3A_234 = tpu.memref_squeeze %dma_wait3A_233 : memref<1x128xi32, #tpu.memory_space<vmem>> -> memref<128xi32, #tpu.memory_space<vmem>>
          %dma_wait3A_235 = arith.constant 0 : i32
          %dma_wait3A_236 = arith.constant 0 : i32
          %dma_wait3A_237 = tpu.memref_slice %arg14[%dma_wait3A_235, %dma_wait3A_236] : memref<10240x128xf32, #tpu.memory_space<vmem_shared>> -> memref<10240x128xf32, #tpu.memory_space<vmem_shared>>
          tpu.wait_indirect_dma semaphore(%run_scoped3A : memref<!tpu.dma_semaphore, #tpu.memory_space<semaphore_mem>>) src(%arg12 : memref<128x128xf32, #tpu.memory_space<vmem>>) dst(%dma_wait3A_237 : memref<10240x128xf32, #tpu.memory_space<vmem_shared>>)
          tpu.yield
        }) : () -> ()
      }
      %scan3A_65 = arith.constant 8 : i32
    }
    %scan3A_32 = arith.constant 10 : i32
    %barrier3A_33 = arith.constant 0 : index
    tpu.barrier barrier_id(%barrier3A_33)
    %mul3A_34 = arith.constant 640 : i32
    %mul3A_35 = arith.muli %arg1, %mul3A_34 : i32
    %add3A_36 = arith.constant 0 : i32
    %add3A_37 = arith.addi %mul3A_35, %add3A_36 : i32
    "tpu.region"() ({
      %run_scoped3A = tpu.sem_alloc : memref<!tpu.dma_semaphore, #tpu.memory_space<semaphore_mem>>
      %dma_start3A = arith.constant 0 : i32
      %dma_start3A_54 = tpu.memref_slice %arg7[%arg0, %add3A_37, %dma_start3A] : memref<2x10240x128xf32, #tpu.memory_space<hbm>> -> memref<1x128x128xf32, #tpu.memory_space<hbm>>
      %dma_start3A_55 = tpu.memref_squeeze %dma_start3A_54 : memref<1x128x128xf32, #tpu.memory_space<hbm>> -> memref<128x128xf32, #tpu.memory_space<hbm>>
      %dma_start3A_56 = arith.constant 0 : i32
      %dma_start3A_57 = tpu.memref_slice %arg14[%add3A_37, %dma_start3A_56] : memref<10240x128xf32, #tpu.memory_space<vmem_shared>> -> memref<128x128xf32, #tpu.memory_space<vmem_shared>>
      tpu.enqueue_dma source(%dma_start3A_57 : memref<128x128xf32, #tpu.memory_space<vmem_shared>>) target(%dma_start3A_55 : memref<128x128xf32, #tpu.memory_space<hbm>>) target_semaphore(%run_scoped3A : memref<!tpu.dma_semaphore, #tpu.memory_space<semaphore_mem>>)
      %dma_wait3A = arith.constant 0 : i32
      %dma_wait3A_58 = tpu.memref_slice %arg7[%arg0, %add3A_37, %dma_wait3A] : memref<2x10240x128xf32, #tpu.memory_space<hbm>> -> memref<1x128x128xf32, #tpu.memory_space<hbm>>
      %dma_wait3A_59 = tpu.memref_squeeze %dma_wait3A_58 : memref<1x128x128xf32, #tpu.memory_space<hbm>> -> memref<128x128xf32, #tpu.memory_space<hbm>>
      %dma_wait3A_60 = arith.constant 0 : i32
      %dma_wait3A_61 = tpu.memref_slice %arg14[%add3A_37, %dma_wait3A_60] : memref<10240x128xf32, #tpu.memory_space<vmem_shared>> -> memref<128x128xf32, #tpu.memory_space<vmem_shared>>
      tpu.wait_dma2 semaphore(%run_scoped3A : memref<!tpu.dma_semaphore, #tpu.memory_space<semaphore_mem>>) src(%dma_wait3A_61 : memref<128x128xf32, #tpu.memory_space<vmem_shared>>) dst(%dma_wait3A_59 : memref<128x128xf32, #tpu.memory_space<hbm>>)
      tpu.yield
    }) : () -> ()
    %mul3A_38 = arith.constant 640 : i32
    %mul3A_39 = arith.muli %arg1, %mul3A_38 : i32
    %add3A_40 = arith.constant 128 : i32
    %add3A_41 = arith.addi %mul3A_39, %add3A_40 : i32
    "tpu.region"() ({
      %run_scoped3A = tpu.sem_alloc : memref<!tpu.dma_semaphore, #tpu.memory_space<semaphore_mem>>
      %dma_start3A = arith.constant 0 : i32
      %dma_start3A_54 = tpu.memref_slice %arg7[%arg0, %add3A_41, %dma_start3A] : memref<2x10240x128xf32, #tpu.memory_space<hbm>> -> memref<1x128x128xf32, #tpu.memory_space<hbm>>
      %dma_start3A_55 = tpu.memref_squeeze %dma_start3A_54 : memref<1x128x128xf32, #tpu.memory_space<hbm>> -> memref<128x128xf32, #tpu.memory_space<hbm>>
      %dma_start3A_56 = arith.constant 0 : i32
      %dma_start3A_57 = tpu.memref_slice %arg14[%add3A_41, %dma_start3A_56] : memref<10240x128xf32, #tpu.memory_space<vmem_shared>> -> memref<128x128xf32, #tpu.memory_space<vmem_shared>>
      tpu.enqueue_dma source(%dma_start3A_57 : memref<128x128xf32, #tpu.memory_space<vmem_shared>>) target(%dma_start3A_55 : memref<128x128xf32, #tpu.memory_space<hbm>>) target_semaphore(%run_scoped3A : memref<!tpu.dma_semaphore, #tpu.memory_space<semaphore_mem>>)
      %dma_wait3A = arith.constant 0 : i32
      %dma_wait3A_58 = tpu.memref_slice %arg7[%arg0, %add3A_41, %dma_wait3A] : memref<2x10240x128xf32, #tpu.memory_space<hbm>> -> memref<1x128x128xf32, #tpu.memory_space<hbm>>
      %dma_wait3A_59 = tpu.memref_squeeze %dma_wait3A_58 : memref<1x128x128xf32, #tpu.memory_space<hbm>> -> memref<128x128xf32, #tpu.memory_space<hbm>>
      %dma_wait3A_60 = arith.constant 0 : i32
      %dma_wait3A_61 = tpu.memref_slice %arg14[%add3A_41, %dma_wait3A_60] : memref<10240x128xf32, #tpu.memory_space<vmem_shared>> -> memref<128x128xf32, #tpu.memory_space<vmem_shared>>
      tpu.wait_dma2 semaphore(%run_scoped3A : memref<!tpu.dma_semaphore, #tpu.memory_space<semaphore_mem>>) src(%dma_wait3A_61 : memref<128x128xf32, #tpu.memory_space<vmem_shared>>) dst(%dma_wait3A_59 : memref<128x128xf32, #tpu.memory_space<hbm>>)
      tpu.yield
    }) : () -> ()
    %mul3A_42 = arith.constant 640 : i32
    %mul3A_43 = arith.muli %arg1, %mul3A_42 : i32
    %add3A_44 = arith.constant 256 : i32
    %add3A_45 = arith.addi %mul3A_43, %add3A_44 : i32
    "tpu.region"() ({
      %run_scoped3A = tpu.sem_alloc : memref<!tpu.dma_semaphore, #tpu.memory_space<semaphore_mem>>
      %dma_start3A = arith.constant 0 : i32
      %dma_start3A_54 = tpu.memref_slice %arg7[%arg0, %add3A_45, %dma_start3A] : memref<2x10240x128xf32, #tpu.memory_space<hbm>> -> memref<1x128x128xf32, #tpu.memory_space<hbm>>
      %dma_start3A_55 = tpu.memref_squeeze %dma_start3A_54 : memref<1x128x128xf32, #tpu.memory_space<hbm>> -> memref<128x128xf32, #tpu.memory_space<hbm>>
      %dma_start3A_56 = arith.constant 0 : i32
      %dma_start3A_57 = tpu.memref_slice %arg14[%add3A_45, %dma_start3A_56] : memref<10240x128xf32, #tpu.memory_space<vmem_shared>> -> memref<128x128xf32, #tpu.memory_space<vmem_shared>>
      tpu.enqueue_dma source(%dma_start3A_57 : memref<128x128xf32, #tpu.memory_space<vmem_shared>>) target(%dma_start3A_55 : memref<128x128xf32, #tpu.memory_space<hbm>>) target_semaphore(%run_scoped3A : memref<!tpu.dma_semaphore, #tpu.memory_space<semaphore_mem>>)
      %dma_wait3A = arith.constant 0 : i32
      %dma_wait3A_58 = tpu.memref_slice %arg7[%arg0, %add3A_45, %dma_wait3A] : memref<2x10240x128xf32, #tpu.memory_space<hbm>> -> memref<1x128x128xf32, #tpu.memory_space<hbm>>
      %dma_wait3A_59 = tpu.memref_squeeze %dma_wait3A_58 : memref<1x128x128xf32, #tpu.memory_space<hbm>> -> memref<128x128xf32, #tpu.memory_space<hbm>>
      %dma_wait3A_60 = arith.constant 0 : i32
      %dma_wait3A_61 = tpu.memref_slice %arg14[%add3A_45, %dma_wait3A_60] : memref<10240x128xf32, #tpu.memory_space<vmem_shared>> -> memref<128x128xf32, #tpu.memory_space<vmem_shared>>
      tpu.wait_dma2 semaphore(%run_scoped3A : memref<!tpu.dma_semaphore, #tpu.memory_space<semaphore_mem>>) src(%dma_wait3A_61 : memref<128x128xf32, #tpu.memory_space<vmem_shared>>) dst(%dma_wait3A_59 : memref<128x128xf32, #tpu.memory_space<hbm>>)
      tpu.yield
    }) : () -> ()
    %mul3A_46 = arith.constant 640 : i32
    %mul3A_47 = arith.muli %arg1, %mul3A_46 : i32
    %add3A_48 = arith.constant 384 : i32
    %add3A_49 = arith.addi %mul3A_47, %add3A_48 : i32
    "tpu.region"() ({
      %run_scoped3A = tpu.sem_alloc : memref<!tpu.dma_semaphore, #tpu.memory_space<semaphore_mem>>
      %dma_start3A = arith.constant 0 : i32
      %dma_start3A_54 = tpu.memref_slice %arg7[%arg0, %add3A_49, %dma_start3A] : memref<2x10240x128xf32, #tpu.memory_space<hbm>> -> memref<1x128x128xf32, #tpu.memory_space<hbm>>
      %dma_start3A_55 = tpu.memref_squeeze %dma_start3A_54 : memref<1x128x128xf32, #tpu.memory_space<hbm>> -> memref<128x128xf32, #tpu.memory_space<hbm>>
      %dma_start3A_56 = arith.constant 0 : i32
      %dma_start3A_57 = tpu.memref_slice %arg14[%add3A_49, %dma_start3A_56] : memref<10240x128xf32, #tpu.memory_space<vmem_shared>> -> memref<128x128xf32, #tpu.memory_space<vmem_shared>>
      tpu.enqueue_dma source(%dma_start3A_57 : memref<128x128xf32, #tpu.memory_space<vmem_shared>>) target(%dma_start3A_55 : memref<128x128xf32, #tpu.memory_space<hbm>>) target_semaphore(%run_scoped3A : memref<!tpu.dma_semaphore, #tpu.memory_space<semaphore_mem>>)
      %dma_wait3A = arith.constant 0 : i32
      %dma_wait3A_58 = tpu.memref_slice %arg7[%arg0, %add3A_49, %dma_wait3A] : memref<2x10240x128xf32, #tpu.memory_space<hbm>> -> memref<1x128x128xf32, #tpu.memory_space<hbm>>
      %dma_wait3A_59 = tpu.memref_squeeze %dma_wait3A_58 : memref<1x128x128xf32, #tpu.memory_space<hbm>> -> memref<128x128xf32, #tpu.memory_space<hbm>>
      %dma_wait3A_60 = arith.constant 0 : i32
      %dma_wait3A_61 = tpu.memref_slice %arg14[%add3A_49, %dma_wait3A_60] : memref<10240x128xf32, #tpu.memory_space<vmem_shared>> -> memref<128x128xf32, #tpu.memory_space<vmem_shared>>
      tpu.wait_dma2 semaphore(%run_scoped3A : memref<!tpu.dma_semaphore, #tpu.memory_space<semaphore_mem>>) src(%dma_wait3A_61 : memref<128x128xf32, #tpu.memory_space<vmem_shared>>) dst(%dma_wait3A_59 : memref<128x128xf32, #tpu.memory_space<hbm>>)
      tpu.yield
    }) : () -> ()
    %mul3A_50 = arith.constant 640 : i32
    %mul3A_51 = arith.muli %arg1, %mul3A_50 : i32
    %add3A_52 = arith.constant 512 : i32
    %add3A_53 = arith.addi %mul3A_51, %add3A_52 : i32
    "tpu.region"() ({
      %run_scoped3A = tpu.sem_alloc : memref<!tpu.dma_semaphore, #tpu.memory_space<semaphore_mem>>
      %dma_start3A = arith.constant 0 : i32
      %dma_start3A_54 = tpu.memref_slice %arg7[%arg0, %add3A_53, %dma_start3A] : memref<2x10240x128xf32, #tpu.memory_space<hbm>> -> memref<1x128x128xf32, #tpu.memory_space<hbm>>
      %dma_start3A_55 = tpu.memref_squeeze %dma_start3A_54 : memref<1x128x128xf32, #tpu.memory_space<hbm>> -> memref<128x128xf32, #tpu.memory_space<hbm>>
      %dma_start3A_56 = arith.constant 0 : i32
      %dma_start3A_57 = tpu.memref_slice %arg14[%add3A_53, %dma_start3A_56] : memref<10240x128xf32, #tpu.memory_space<vmem_shared>> -> memref<128x128xf32, #tpu.memory_space<vmem_shared>>
      tpu.enqueue_dma source(%dma_start3A_57 : memref<128x128xf32, #tpu.memory_space<vmem_shared>>) target(%dma_start3A_55 : memref<128x128xf32, #tpu.memory_space<hbm>>) target_semaphore(%run_scoped3A : memref<!tpu.dma_semaphore, #tpu.memory_space<semaphore_mem>>)
      %dma_wait3A = arith.constant 0 : i32
      %dma_wait3A_58 = tpu.memref_slice %arg7[%arg0, %add3A_53, %dma_wait3A] : memref<2x10240x128xf32, #tpu.memory_space<hbm>> -> memref<1x128x128xf32, #tpu.memory_space<hbm>>
      %dma_wait3A_59 = tpu.memref_squeeze %dma_wait3A_58 : memref<1x128x128xf32, #tpu.memory_space<hbm>> -> memref<128x128xf32, #tpu.memory_space<hbm>>
      %dma_wait3A_60 = arith.constant 0 : i32
      %dma_wait3A_61 = tpu.memref_slice %arg14[%add3A_53, %dma_wait3A_60] : memref<10240x128xf32, #tpu.memory_space<vmem_shared>> -> memref<128x128xf32, #tpu.memory_space<vmem_shared>>
      tpu.wait_dma2 semaphore(%run_scoped3A : memref<!tpu.dma_semaphore, #tpu.memory_space<semaphore_mem>>) src(%dma_wait3A_61 : memref<128x128xf32, #tpu.memory_space<vmem_shared>>) dst(%dma_wait3A_59 : memref<128x128xf32, #tpu.memory_space<hbm>>)
      tpu.yield
    }) : () -> ()
    return
  }
}

module attributes {stable_mosaic.version = 14 : i64} {
  func.func @body(%arg0: memref<2x80x128xf32, #tpu.memory_space<vmem>>, %arg1: memref<80x128xf32, #tpu.memory_space<vmem>>) attributes {dimension_semantics = [], scalar_prefetch = 0 : i64, scratch_operands = 0 : i64, tpu.core_type = #tpu.core_type<tc>} {
    %get3A = arith.constant 0 : index
    %get3A_0 = arith.constant 0 : index
    %get3A_1 = arith.constant 0 : index
    %get3A_2 = vector.load %arg0[%get3A, %get3A_0, %get3A_1] : memref<2x80x128xf32, #tpu.memory_space<vmem>>, vector<1x80x128xf32>
    %get3A_3 = vector.shape_cast %get3A_2 : vector<1x80x128xf32> to vector<80x128xf32>
    %get3A_4 = arith.constant 1 : index
    %get3A_5 = arith.constant 0 : index
    %get3A_6 = arith.constant 0 : index
    %get3A_7 = vector.load %arg0[%get3A_4, %get3A_5, %get3A_6] : memref<2x80x128xf32, #tpu.memory_space<vmem>>, vector<1x80x128xf32>
    %get3A_8 = vector.shape_cast %get3A_7 : vector<1x80x128xf32> to vector<80x128xf32>
    %add3A = arith.addf %get3A_3, %get3A_8 : vector<80x128xf32>
    %gt3A = arith.constant 0.000000e+00 : f32
    %gt3A_9 = vector.broadcast %gt3A : f32 to vector<80x128xf32>
    %gt3A_10 = arith.cmpf ogt, %add3A, %gt3A_9 : vector<80x128xf32>
    %rsqrt3A = math.rsqrt %add3A : vector<80x128xf32>
    %jit3A = arith.constant 0.000000e+00 : f32
    %broadcast_in_dim3A = vector.broadcast %jit3A : f32 to vector<80x128xf32>
    %select_n3A = arith.select %gt3A_10, %rsqrt3A, %broadcast_in_dim3A : vector<80x128xi1>, vector<80x128xf32>
    %swap3A = arith.constant 0 : index
    %swap3A_11 = arith.constant 0 : index
    %swap3A_12 = vector.load %arg1[%swap3A, %swap3A_11] : memref<80x128xf32, #tpu.memory_space<vmem>>, vector<80x128xf32>
    tpu.vector_store %arg1[%swap3A, %swap3A_11], %select_n3A {strides = array<i32>} : memref<80x128xf32, #tpu.memory_space<vmem>>, vector<80x128xf32>,
    return
  }
}

module attributes {stable_mosaic.version = 14 : i64} {
  func.func @body(%arg0: i32, %arg1: memref<640x128xf32, #tpu.memory_space<vmem>>, %arg2: memref<2x640x128xf32, #tpu.memory_space<vmem>>, %arg3: memref<128x128xf32, #tpu.memory_space<vmem>>, %arg4: memref<128x128xf32, #tpu.memory_space<vmem>>, %arg5: memref<640x128xf32, #tpu.memory_space<vmem>>, %arg6: memref<640x128xf32, #tpu.memory_space<vmem>>) attributes {dimension_semantics = [#tpu.dimension_semantics<arbitrary>], iteration_bounds = array<i64: 16>, scalar_prefetch = 0 : i64, scratch_operands = 0 : i64, tpu.core_type = #tpu.core_type<tc>, window_params = [{transform_indices = @transform_0, window_bounds = array<i64: 640, 128>}, {transform_indices = @transform_1, window_bounds = array<i64: 2, 640, 128>}, {pipeline_mode = #tpu.pipeline_mode<synchronous>, transform_indices = @transform_2, window_bounds = array<i64: 128, 128>}, {pipeline_mode = #tpu.pipeline_mode<synchronous>, transform_indices = @transform_3, window_bounds = array<i64: 128, 128>}, {transform_indices = @transform_4, window_bounds = array<i64: 640, 128>}, {transform_indices = @transform_5, window_bounds = array<i64: 640, 128>}]} {
    %get3A = arith.constant 0 : index
    %get3A_0 = arith.constant 0 : index
    %get3A_1 = arith.constant 0 : index
    %get3A_2 = vector.load %arg2[%get3A, %get3A_0, %get3A_1] : memref<2x640x128xf32, #tpu.memory_space<vmem>>, vector<1x640x128xf32>
    %get3A_3 = vector.shape_cast %get3A_2 : vector<1x640x128xf32> to vector<640x128xf32>
    %get3A_4 = arith.constant 1 : index
    %get3A_5 = arith.constant 0 : index
    %get3A_6 = arith.constant 0 : index
    %get3A_7 = vector.load %arg2[%get3A_4, %get3A_5, %get3A_6] : memref<2x640x128xf32, #tpu.memory_space<vmem>>, vector<1x640x128xf32>
    %get3A_8 = vector.shape_cast %get3A_7 : vector<1x640x128xf32> to vector<640x128xf32>
    %add3A = arith.addf %get3A_3, %get3A_8 : vector<640x128xf32>
    %swap3A = arith.constant 0 : index
    %swap3A_9 = arith.constant 0 : index
    %swap3A_10 = vector.load %arg5[%swap3A, %swap3A_9] : memref<640x128xf32, #tpu.memory_space<vmem>>, vector<640x128xf32>
    tpu.vector_store %arg5[%swap3A, %swap3A_9], %add3A {strides = array<i32>} : memref<640x128xf32, #tpu.memory_space<vmem>>, vector<640x128xf32>,
    %get3A_11 = arith.constant 0 : index
    %get3A_12 = arith.constant 0 : index
    %get3A_13 = vector.load %arg1[%get3A_11, %get3A_12] : memref<640x128xf32, #tpu.memory_space<vmem>>, vector<640x128xf32>
    %get3A_14 = arith.constant 0 : index
    %get3A_15 = arith.constant 0 : index
    %get3A_16 = vector.load %arg3[%get3A_14, %get3A_15] : memref<128x128xf32, #tpu.memory_space<vmem>>, vector<128x128xf32>
    %dot_general3A = arith.constant dense<0.000000e+00> : vector<640x128xf32>
    %dot_general3A_17 = tpu.matmul %get3A_13, %get3A_16, %dot_general3A {dimension_numbers = #tpu.dot_dimension_numbers<[1], [0], [0], [1], [0, 0, 1, 1], [], []>, transpose_lhs_hint = false} : vector<640x128xf32>, vector<128x128xf32>, vector<640x128xf32> -> vector<640x128xf32>
    %get3A_18 = arith.constant 0 : index
    %get3A_19 = arith.constant 0 : index
    %get3A_20 = vector.load %arg4[%get3A_18, %get3A_19] : memref<128x128xf32, #tpu.memory_space<vmem>>, vector<128x128xf32>
    %dot_general3A_21 = arith.constant dense<0.000000e+00> : vector<640x128xf32>
    %dot_general3A_22 = tpu.matmul %add3A, %get3A_20, %dot_general3A_21 {dimension_numbers = #tpu.dot_dimension_numbers<[1], [0], [0], [1], [0, 0, 1, 1], [], []>, transpose_lhs_hint = false} : vector<640x128xf32>, vector<128x128xf32>, vector<640x128xf32> -> vector<640x128xf32>
    %add3A_23 = arith.addf %dot_general3A_17, %dot_general3A_22 : vector<640x128xf32>
    %swap3A_24 = arith.constant 0 : index
    %swap3A_25 = arith.constant 0 : index
    %swap3A_26 = vector.load %arg6[%swap3A_24, %swap3A_25] : memref<640x128xf32, #tpu.memory_space<vmem>>, vector<640x128xf32>
    tpu.vector_store %arg6[%swap3A_24, %swap3A_25], %add3A_23 {strides = array<i32>} : memref<640x128xf32, #tpu.memory_space<vmem>>, vector<640x128xf32>,
    return
  }
  func.func @transform_0(%arg0: i32) -> (i32, i32) {
    %c0_i32 = arith.constant 0 : i32
    %c0_i32_0 = arith.constant 0 : i32
    return %arg0, %c0_i32 : i32, i32
  }
  func.func @transform_1(%arg0: i32) -> (i32, i32, i32) {
    %c0_i32 = arith.constant 0 : i32
    %c0_i32_0 = arith.constant 0 : i32
    %c0_i32_1 = arith.constant 0 : i32
    return %c0_i32, %arg0, %c0_i32_0 : i32, i32, i32
  }
  func.func @transform_2(%arg0: i32) -> (i32, i32) {
    %c0_i32 = arith.constant 0 : i32
    %c0_i32_0 = arith.constant 0 : i32
    %c0_i32_1 = arith.constant 0 : i32
    return %c0_i32, %c0_i32_0 : i32, i32
  }
  func.func @transform_3(%arg0: i32) -> (i32, i32) {
    %c0_i32 = arith.constant 0 : i32
    %c0_i32_0 = arith.constant 0 : i32
    %c0_i32_1 = arith.constant 0 : i32
    return %c0_i32, %c0_i32_0 : i32, i32
  }
  func.func @transform_4(%arg0: i32) -> (i32, i32) {
    %c0_i32 = arith.constant 0 : i32
    %c0_i32_0 = arith.constant 0 : i32
    return %arg0, %c0_i32 : i32, i32
  }
  func.func @transform_5(%arg0: i32) -> (i32, i32) {
    %c0_i32 = arith.constant 0 : i32
    %c0_i32_0 = arith.constant 0 : i32
    return %arg0, %c0_i32 : i32, i32
  }
}

module attributes {stable_mosaic.version = 14 : i64} {
  func.func @body(%arg0: i32, %arg1: memref<400x128xf32, #tpu.memory_space<vmem>>, %arg2: memref<2x400x128xf32, #tpu.memory_space<vmem>>, %arg3: memref<400x128xf32, #tpu.memory_space<vmem>>, %arg4: memref<128x128xf32, #tpu.memory_space<vmem>>, %arg5: memref<1x128xf32, #tpu.memory_space<vmem>>, %arg6: memref<400x128xf32, #tpu.memory_space<vmem>>) attributes {dimension_semantics = [#tpu.dimension_semantics<arbitrary>], iteration_bounds = array<i64: 25>, scalar_prefetch = 0 : i64, scratch_operands = 0 : i64, tpu.core_type = #tpu.core_type<tc>, window_params = [{transform_indices = @transform_0, window_bounds = array<i64: 400, 128>}, {transform_indices = @transform_1, window_bounds = array<i64: 2, 400, 128>}, {transform_indices = @transform_2, window_bounds = array<i64: 400, 128>}, {pipeline_mode = #tpu.pipeline_mode<synchronous>, transform_indices = @transform_3, window_bounds = array<i64: 128, 128>}, {pipeline_mode = #tpu.pipeline_mode<synchronous>, transform_indices = @transform_4, window_bounds = array<i64: 1, 128>}, {transform_indices = @transform_5, window_bounds = array<i64: 400, 128>}]} {
    %get3A = arith.constant 0 : index
    %get3A_0 = arith.constant 0 : index
    %get3A_1 = arith.constant 0 : index
    %get3A_2 = vector.load %arg2[%get3A, %get3A_0, %get3A_1] : memref<2x400x128xf32, #tpu.memory_space<vmem>>, vector<1x400x128xf32>
    %get3A_3 = vector.shape_cast %get3A_2 : vector<1x400x128xf32> to vector<400x128xf32>
    %get3A_4 = arith.constant 1 : index
    %get3A_5 = arith.constant 0 : index
    %get3A_6 = arith.constant 0 : index
    %get3A_7 = vector.load %arg2[%get3A_4, %get3A_5, %get3A_6] : memref<2x400x128xf32, #tpu.memory_space<vmem>>, vector<1x400x128xf32>
    %get3A_8 = vector.shape_cast %get3A_7 : vector<1x400x128xf32> to vector<400x128xf32>
    %add3A = arith.addf %get3A_3, %get3A_8 : vector<400x128xf32>
    %mul3A = arith.constant 2.000000e+00 : f32
    %mul3A_9 = vector.broadcast %mul3A : f32 to vector<400x128xf32>
    %mul3A_10 = arith.mulf %mul3A_9, %add3A : vector<400x128xf32>
    %get3A_11 = arith.constant 0 : index
    %get3A_12 = arith.constant 0 : index
    %get3A_13 = vector.load %arg1[%get3A_11, %get3A_12] : memref<400x128xf32, #tpu.memory_space<vmem>>, vector<400x128xf32>
    %sub3A = arith.subf %mul3A_10, %get3A_13 : vector<400x128xf32>
    %get3A_14 = arith.constant 0 : index
    %get3A_15 = arith.constant 0 : index
    %get3A_16 = vector.load %arg3[%get3A_14, %get3A_15] : memref<400x128xf32, #tpu.memory_space<vmem>>, vector<400x128xf32>
    %get3A_17 = arith.constant 0 : index
    %get3A_18 = arith.constant 0 : index
    %get3A_19 = vector.load %arg4[%get3A_17, %get3A_18] : memref<128x128xf32, #tpu.memory_space<vmem>>, vector<128x128xf32>
    %dot_general3A = arith.constant dense<0.000000e+00> : vector<400x128xf32>
    %dot_general3A_20 = tpu.matmul %sub3A, %get3A_19, %dot_general3A {dimension_numbers = #tpu.dot_dimension_numbers<[1], [0], [0], [1], [0, 0, 1, 1], [], []>, transpose_lhs_hint = false} : vector<400x128xf32>, vector<128x128xf32>, vector<400x128xf32> -> vector<400x128xf32>
    %add3A_21 = arith.addf %get3A_16, %dot_general3A_20 : vector<400x128xf32>
    %get3A_22 = arith.constant 0 : index
    %get3A_23 = arith.constant 0 : index
    %get3A_24 = vector.load %arg5[%get3A_22, %get3A_23] : memref<1x128xf32, #tpu.memory_space<vmem>>, vector<1x128xf32>
    %add3A_25 = vector.broadcast %get3A_24 : vector<1x128xf32> to vector<400x128xf32>
    %add3A_26 = arith.addf %add3A_21, %add3A_25 : vector<400x128xf32>
    %swap3A = arith.constant 0 : index
    %swap3A_27 = arith.constant 0 : index
    %swap3A_28 = vector.load %arg6[%swap3A, %swap3A_27] : memref<400x128xf32, #tpu.memory_space<vmem>>, vector<400x128xf32>
    tpu.vector_store %arg6[%swap3A, %swap3A_27], %add3A_26 {strides = array<i32>} : memref<400x128xf32, #tpu.memory_space<vmem>>, vector<400x128xf32>,
    return
  }
  func.func @transform_0(%arg0: i32) -> (i32, i32) {
    %c0_i32 = arith.constant 0 : i32
    %c0_i32_0 = arith.constant 0 : i32
    return %arg0, %c0_i32 : i32, i32
  }
  func.func @transform_1(%arg0: i32) -> (i32, i32, i32) {
    %c0_i32 = arith.constant 0 : i32
    %c0_i32_0 = arith.constant 0 : i32
    %c0_i32_1 = arith.constant 0 : i32
    return %c0_i32, %arg0, %c0_i32_0 : i32, i32, i32
  }
  func.func @transform_2(%arg0: i32) -> (i32, i32) {
    %c0_i32 = arith.constant 0 : i32
    %c0_i32_0 = arith.constant 0 : i32
    return %arg0, %c0_i32 : i32, i32
  }
  func.func @transform_3(%arg0: i32) -> (i32, i32) {
    %c0_i32 = arith.constant 0 : i32
    %c0_i32_0 = arith.constant 0 : i32
    %c0_i32_1 = arith.constant 0 : i32
    return %c0_i32, %c0_i32_0 : i32, i32
  }
  func.func @transform_4(%arg0: i32) -> (i32, i32) {
    %c0_i32 = arith.constant 0 : i32
    %c0_i32_0 = arith.constant 0 : i32
    %c0_i32_1 = arith.constant 0 : i32
    return %c0_i32, %c0_i32_0 : i32, i32
  }
  func.func @transform_5(%arg0: i32) -> (i32, i32) {
    %c0_i32 = arith.constant 0 : i32
    %c0_i32_0 = arith.constant 0 : i32
    return %arg0, %c0_i32 : i32, i32
  }
}

</mosaic_0001>

<sc_bundles>
// kernel: kernel.11.cloned.1.call-start
scs
__scs_entry_jumppad:
0x0: {  	(pc) =	sbr.rel $0x88, $3  }
0x1: {  	(tag) =	ssettag $0x0;
	lr =	simm.s32 $0x1  }
0x2: {  	[smem:$0x3F9C] =	sst lr;
	_ =	strace $0xD0000000  }
0x3: {  	_ = 	snop  }
0x4: {  	_ = 	snop  }
0x5: {  	_ = 	snop  }
0x6: {  	_ = 	snop  }
0x7: {  	_ = 	snop  }
__scs_overlays_trampoline_lowered:
0x8: {  	[smem:$0x3FAB] =	sst s0  }
0x9: {  	[smem:$0x3FAC] =	sst s1  }
0xa: {  	[smem:$0x3FAD] =	sst s2  }
0xb: {  	[smem:$0x3FAE] =	sst s3  }
0xc: {  	[smem:$0x3FAF] =	sst s4  }
0xd: {  	[smem:$0x3FB0] =	sst s5  }
0xe: {  	[smem:$0x3FB1] =	sst s6  }
0xf: {  	[smem:$0x3FB2] =	sst s7  }
0x10: {  	[smem:$0x3FB3] =	sst s8  }
0x11: {  	[smem:$0x3FB4] =	sst s9;
	s0 =	simm.s32 @!p0 $0x0  }
0x12: {  	s1 =	sld [smem:$0x3F9A];
	s0 =	simm.s32 @p0 $0x1  }
0x13: {  	[smem:$0x3FB5] =	sst s0;
	s0 =	simm.s32 @!p1 $0x0  }
0x14: {  	s2 =	sld [smem:$0x3F99];
	s0 =	simm.s32 @p1 $0x1  }
0x15: {  	[smem:$0x3FB6] =	sst s0;
	s0 =	simm.s32 @!p2 $0x0  }
0x16: {  	s3 =	sld [smem:$0x3FDB];
	s0 =	simm.s32 @p2 $0x1  }
0x17: {  	s4 =	simm.s32 $0x1BF5;
	[smem:$0x3FB8] =	sst s0  }
0x18: {  	s0 =	sld [smem:$0x3F9B];
	_ =	swait.ge [sflag:s4], $0x0  }
0x19: {  	s7 =	sld [smem:$0x3F9C]  }
0x1a: {  	s8 =	sadd.s32 $0xFFFFE003, lr  }
0x1b: {  	s9 =	sadd.s32 $0xFFFFFEF7, lr;
	s5 =	simm.s32 $0xFFFFFFFF;
	p2 =	slt.u32 s8, $0xFFFFF086  }
0x1c: {  	p1 =	slt.u32 s9, $0xF7A;
	s5 =	simm.s32 @!p2 $0x0  }
0x1d: {  	s5 =	simm.s32 @p1 $0x1;
	p0 =	seq.s32 s7, s2  }
0x1e: {  	s7 =	smul.u32 @!p0 $0xF7A, s2;
	p2 =	seq.s32 @!p0 s5, $0x0  }
0x1f: {  	s9 =	smul.u32 $0xF7A, s1;
	s8 =	simm.s32 @!p0 $0x1BF5;
	p2 =	por !p2, p0  }
0x20: {  	[sflag:s8] =	ssyncset.s32 @!p0 $0xFFFFF086;
	s6 =	sadd.s32 @!p0 s3, s7;
	s7 =	simm.s32 @!p0 $0x108  }
0x21: {  	s3 =	sadd.s32 s3, s9;
	s6 =	sadd.s32 @!p0 $0x88, s6;
	s7 =	simm.s32 @p2 $0x1082  }
0x22: {  	[simem:s7], [sflag:s8] =	dma.local @!p0 [hbm:s6], $0xF7A  }
0x23: {  	s9 =	sor.u32 $0xD0000000, s2;
	s6 =	simm.s32 $0x108;
	_ =	swait.ge @!p0 [sflag:s8], $0x0  }
0x24: {  	s3 =	sadd.s32 $0x88, s3;
	s6 =	simm.s32 @!p1 $0x1082;
	[sflag:s4] =	ssyncset.s32 $0xFFFFF086  }
0x25: {  	[simem:s6], [sflag:s4] =	dma.local [hbm:s3], $0xF7A  }
0x26: {  	[smem:$0x3F9C] =	sst s1;
	(tag) =	ssettag s2;
	_ =	strace s9  }
0x27: {  	s1 =	sld [smem:$0x3FAC]  }
0x28: {  	s2 =	sld [smem:$0x3FAD]  }
0x29: {  	s4 =	sld [smem:$0x3FAF]  }
0x2a: {  	p0 =	seq.s32 s5, $0x0;
	s5 =	sld [smem:$0x3FB0]  }
0x2b: {  	s6 =	sld [smem:$0x3FB1]  }
0x2c: {  	s7 =	sld [smem:$0x3FB2]  }
0x2d: {  	s3 =	simm.s32 $0x108;
	s8 =	sld [smem:$0x3FB3]  }
0x2e: {  	s3 =	simm.s32 @!p0 $0x1082;
	s9 =	sld [smem:$0x3FB4]  }
0x2f: {  	lr =	sadd.s32 s0, s3;
	s0 =	sld [smem:$0x3FAB]  }
0x30: {  	s3 =	sld [smem:$0x3FAE]  }
0x31: {  	[smem:$0x3FB7] =	sst s10  }
0x32: {  	s10 =	sld [smem:$0x3FB5];
	_ =	sdelay $0x3  }
0x33: {  	p0 =	seq.s32 s10, $0x1;
	s10 =	sld [smem:$0x3FB7];
	_ =	sdelay $0x3  }
0x34: {  	[smem:$0x3FB7] =	sst s10  }
0x35: {  	s10 =	sld [smem:$0x3FB6];
	_ =	sdelay $0x3  }
0x36: {  	p1 =	seq.s32 s10, $0x1;
	s10 =	sld [smem:$0x3FB7];
	_ =	sdelay $0x3  }
0x37: {  	[smem:$0x3FB7] =	sst s10  }
0x38: {  	s10 =	sld [smem:$0x3FB8]  }
0x39: {  	_ = 	snop;
	(pc) =	sbr.ind lr, $3  }
0x3a: {  	_ = 	snop  }
0x3b: {  	_ = 	snop  }
0x3c: {  	p2 =	seq.s32 s10, $0x1;
	s10 =	sld [smem:$0x3FB7]  }
0x3d: {  	_ =	shalt  }
0x3e: {  	_ =	shalt  }
0x3f: {  	_ =	shalt  }
0x40: {  	_ =	shalt  }
0x41: {  	_ =	shalt  }
0x42: {  	_ =	shalt  }
0x43: {  	_ =	shalt  }
0x44: {  	_ =	shalt  }
0x45: {  	_ =	shalt  }
0x46: {  	_ =	shalt  }
0x47: {  	_ =	shalt  }
0x48: {  	_ =	shalt  }
0x49: {  	_ =	shalt  }
0x4a: {  	_ =	shalt  }
0x4b: {  	_ =	shalt  }
0x4c: {  	_ =	shalt  }
0x4d: {  	_ =	shalt  }
0x4e: {  	_ =	shalt  }
0x4f: {  	_ =	shalt  }
0x50: {  	_ =	shalt  }
0x51: {  	_ =	shalt  }
0x52: {  	_ =	shalt  }
0x53: {  	_ =	shalt  }
0x54: {  	_ =	shalt  }
0x55: {  	_ =	shalt  }
0x56: {  	_ =	shalt  }
0x57: {  	_ =	shalt  }
0x58: {  	_ =	shalt  }
0x59: {  	_ =	shalt  }
0x5a: {  	_ =	shalt  }
0x5b: {  	_ =	shalt  }
0x5c: {  	_ =	shalt  }
0x5d: {  	_ =	shalt  }
0x5e: {  	_ =	shalt  }
0x5f: {  	_ =	shalt  }
0x60: {  	_ =	shalt  }
0x61: {  	_ =	shalt  }
0x62: {  	_ =	shalt  }
0x63: {  	_ =	shalt  }
0x64: {  	_ =	shalt  }
0x65: {  	_ =	shalt  }
0x66: {  	_ =	shalt  }
0x67: {  	_ =	shalt  }
0x68: {  	_ =	shalt  }
0x69: {  	_ =	shalt  }
0x6a: {  	_ =	shalt  }
0x6b: {  	_ =	shalt  }
0x6c: {  	_ =	shalt  }
0x6d: {  	_ =	shalt  }
0x6e: {  	_ =	shalt  }
0x6f: {  	_ =	shalt  }
0x70: {  	_ =	shalt  }
0x71: {  	_ =	shalt  }
0x72: {  	_ =	shalt  }
0x73: {  	_ =	shalt  }
0x74: {  	_ =	shalt  }
0x75: {  	_ =	shalt  }
0x76: {  	_ =	shalt  }
0x77: {  	_ =	shalt  }
0x78: {  	_ =	shalt  }
0x79: {  	_ =	shalt  }
0x7a: {  	_ =	shalt  }
0x7b: {  	_ =	shalt  }
0x7c: {  	_ =	shalt  }
0x7d: {  	_ =	shalt  }
0x7e: {  	_ =	shalt  }
0x7f: {  	_ =	shalt  }
0x80: {  	_ =	shalt  }
0x81: {  	_ =	shalt  }
0x82: {  	_ =	shalt  }
0x83: {  	_ =	shalt  }
0x84: {  	_ =	shalt  }
0x85: {  	_ =	shalt  }
0x86: {  	_ =	shalt  }
0x87: {  	_ =	shalt  }
.Lfunc_end0:
.L_simem_size_0:
called_computation.1_lowered:
.L_overlay_start_0:
0x88: {  	s2 =	sld [smem:$0x3FD9]  }
0x89: {  	s3 =	sld [smem:$0x3FFE];
	_ =	sdelay $0x1  }
0x8a: {  	s1 =	srdreg.scid  }
0x8b: {  	s0 =	sand.u32 $0x1, s1  }
0x8c: {  	s17 =	sshll.u32 s0, $0xA;
	s2 =	sadd.s32 s3, s2  }
0x8d: {  	s2 =	sadd.s32 s2, s17  }
0x8e: {  	[smem:$0x3FC3] =	sst s2  }
0x8f: {  	_ = 	snop  }
0x90: {  	s2 =	sld [smem:$0x3FD0];
	(tm) =	ssettm $0x1  }
0x91: {  	s18 =	sld [smem:$0x3FFB];
	_ =	sdelay $0x3  }
0x92: {  	_ =	strace s18  }
0x93: {  	s3 =	sld [smem:$0x3FFC];
	_ =	sdelay $0x3  }
0x94: {  	_ =	strace s3  }
0x95: {  	s3 =	sld [smem:$0x3FFD];
	_ =	sdelay $0x3  }
0x96: {  	_ =	strace s3  }
0x97: {  	_ =	strace $0x8FFFFFFF  }
0x98: {  	s19 =	sld [smem:$0x3FDB];
	_ =	sdelay $0x1  }
0x99: {  	s4 =	simm.s32 $_scs_section_size  }
0x9a: {  	s5 =	simm.s32 $_size__tile_overlayer_lowered;
	s6 =	simm.s32 $_tile_overlayer_lowered  }
0x9b: {  	s22 =	simm.s32 $0x1BFF;
	s21 =	sshll.u32 s6, $0x1;
	s3 =	sadd.s32 s4, s19  }
0x9c: {  	s7 =	simm.s32 $0x0;
	s20 =	sshll.u32 s5, $0x1;
	s5 =	sadd.s32 s21, s3  }
0x9d: {  	[timem:s7], [sflag:s22] =	dma.local [hbm:s5], s20  }
0x9e: {  	_ =	swait.ge [sflag:s22], s20  }
0x9f: {  	s4 =	ssub.s32 $0x0, s20;
	[sflag:s22] =	ssyncset.done $0x0  }
0xa0: {  	[sflag:s22] =	ssyncadd.s32 s4;
	_ =	sdelay $0x1  }
0xa1: {  	s23 =	simm.s32 $0x1B8B  }
0xa2: {  	_ =	swait.ge [sflag:s23], $0x1  }
0xa3: {  	[sflag:s23] =	ssyncset.done $0x0  }
0xa4: {  	s25 =	simm.s32 $0x1B8E;
	s24 =	sld [smem:$0x3FFE];
	[sflag:s23] =	ssyncadd.s32 $0xFFFFFFFF  }
0xa5: {  	s26 =	simm.s32 $execute0_lowered;
	[smem:$0x3FD2] =	sst s25  }
0xa6: {  	s5 =	sshll.u32 s26, $0x1;
	_ =	strace $0x80000049;
	[dreg:$0x1] =	wrdreg $0xFFFFFFFF  }
0xa7: {  	s28 =	simm.s32 $_size_execute0_lowered;
	s3 =	sadd.s32 s3, s5;
	[dreg:$0x0] =	wrdreg $0x0  }
0xa8: {  	s5 =	sshll.u32 s28, $0x1;
	[dreg:$0x2] =	wrdreg s3  }
0xa9: {  	[dreg:$0x3] =	wrdreg s5  }
0xaa: {  	[dreg:$0x4] =	wrdreg $0xC0  }
0xab: {  	_ =	task [dreg:s7], $0x5FFFF  }
0xac: {  	[dreg:$0x1] =	wrdreg $0xFFFFFFFF  }
0xad: {  	[dreg:$0x0] =	wrdreg $0x60  }
0xae: {  	[dreg:$0x2] =	wrdreg s24  }
0xaf: {  	[dreg:$0x3] =	wrdreg s2  }
0xb0: {  	[dreg:$0x4] =	wrdreg $0x74800  }
0xb1: {  	[dreg:$0x5] =	wrdreg $0x9  }
0xb2: {  	_ =	task.clear_ibuf [dreg:s7], $0x6FFFF;
	_ =	strace $0x90000049  }
0xb3: {  	s29 =	simm.s32 $0x9;
	_ =	strace $0x8000004B  }
0xb4: {  	_ =	swait.ge [sflag:s29], $0x1  }
0xb5: {  	[sflag:s29] =	ssyncadd.s32 $0xFFFFFFFF  }
0xb6: {  	_ =	strace $0x9000004B  }
0xb7: {  	_ =	sfence  }
0xb8: {  	s30 =	sld [smem:$0x0];
	_ =	sdelay $0x2  }
0xb9: {  	s31 =	sshll.u32 s1, $0xD;
	s1 =	sshrl.u32 s1, $0x2  }
0xba: {  	s3 =	sand.u32 $0x4000, s31;
	s1 =	sadd.s32 s1, s30  }
0xbb: {  	s0 =	sor.u32 s3, s0;
	s1 =	sshll.u32 s1, $0x11  }
0xbc: {  	s0 =	sor.u32 s1, s0  }
0xbd: {  	s0 =	sadd.s32 $0x8F2B, s0  }
0xbe: {  	[sflag:s0] =	ssyncadd.remote.s32 $0x1  }
0xbf: {  	_ =	sfence.sel $0xFFFF  }
0xc0: {  	[dreg:$0x0] =	wrdreg $0xFFFFFFFF;
	(pc) =	sbr.abs _section_cstart, $3  }
0xc1: {  	[dreg:$0x1] =	wrdreg $0xFFFFFFFF  }
0xc2: {  	_ =	task.clear_ibuf [dreg:s7], $0x2FFFF;
	_ =	strace $0x9FFFFFFF  }
0xc3: {  	(tm) =	ssettm $0x7FFFFFFF  }
tec
execute0_lowered:
.L_overlay_start_1:
0x0: {  	(tag) =	ssettag $0x1  }
0x1: {  	s0 =	rddreg [dreg:$0x0]  }
0x2: {  	s1 =	rddreg [dreg:$0x1]  }
0x3: {  	s2 =	rddreg [dreg:$0x2]  }
0x4: {  	s3 =	simm.s32 $0x0;
	s20 =	srdreg.scid;
	s10 =	stileid.u32  }
0x5: {  	s28 =	simm.s32 $0x1;
	s29 =	simm.s32 $0x7400;
	s30 =	simm.s32 $0x0  }
0x6: {  	s31 =	simm.s32 $0x0;
	[smem:$0x7FF] =	sst s3;
	s5 =	sadd.s32 $0x16E00, s0  }
0x7: {  	s3 =	sand.u32 $0x1, s20;
	s4 =	sadd.s32 $0xC400, s0;
	s6 =	smul.u32 $0x50000, s10  }
0x8: {  	s7 =	sadd.s32 $0xCE00, s0;
	s14 =	smul.u32 $0x14000, s10;
	s8 =	sadd.s32 $0x2400, s0  }
0x9: {  	s0 =	sadd.s32 $0x3EE00, s0;
	_ =	strace $0x8000004A;
	[dreg:$0x4] =	wrdreg s4  }
0xa: {  	s21 =	ssub.s32 $0x2, s3;
	s22 =	sshll.u32 s3, $0x4;
	s3 =	smul.u32 $0x140000, s3  }
0xb: {  	s9 =	sshrl.u32 s21, $0x1;
	s6 =	sshrl.u32 s6, $0x2;
	s15 =	sadd.s32 $0x4000, s14  }
0xc: {  	s16 =	sor.u32 s10, s22;
	s23 =	sadd.s32 $0x8000, s14;
	s17 =	sadd.s32 $0xC000, s14  }
0xd: {  	s18 =	sadd.s32 $0x10000, s14;
	s22 =	simm.s32 $0x3400;
	s4 =	ssub.s32 s21, s9  }
0xe: {  	s9 =	sadd.s32 s6, s2;
	s10 =	sadd.s32 s15, s2;
	s11 =	sadd.s32 s23, s2  }
0xf: {  	s12 =	sadd.s32 s17, s2;
	s13 =	sadd.s32 s18, s2;
	s19 =	sadd.s32 s14, s3  }
0x10: {  	s15 =	sadd.s32 s3, s15;
	s14 =	smul.u32 $0x2800, s16;
	s6 =	sadd.s32 s3, s23  }
0x11: {  	s25 =	sadd.s32 s3, s17;
	s3 =	sadd.s32 s3, s18;
	s21 =	simm.s32 $0x2  }
0x12: {  	s23 =	simm.s32 $0x2800;
	s24 =	sshrl.u32 s19, $0x3;
	s15 =	sshrl.u32 s15, $0x3  }
0x13: {  	s6 =	sshrl.u32 s6, $0x3;
	s26 =	sshrl.u32 s25, $0x3;
	s3 =	sshrl.u32 s3, $0x3  }
0x14: {  	s20 =	smax.u32 s4, $0x1;
	s25 =	simm.s32 $0x3000;
	s16 =	sadd.s32 s0, s24  }
0x15: {  	s15 =	sadd.s32 s0, s15;
	s6 =	sadd.s32 s0, s6;
	[dreg:$0x5] =	wrdreg s16  }
0x16: {  	s18 =	sadd.s32 s0, s26;
	s19 =	sadd.s32 s0, s3;
	[dreg:$0x6] =	wrdreg s15  }
0x17: {  	v0 =	vimm.f32 $0.0e+00;
	s24 =	simm.s32 $0x2C00;
	s26 =	simm.s32 $0x80;
	[dreg:$0x7] =	wrdreg s6  }
.LBB2_1:
0x18: {  	s0 =	simm.s32 $0x0;
	s3 =	rddreg [dreg:$0x4]  }
0x19: {  	[tilespmem:s0], [sflag:$0x2] =	stream.linear.gather [hbm4b:s3+s0], $0x2800, $0x38;
	[tilespmem:$0x1B480] =	vst v63  }
0x1a: {  	_ =	swait.ge [sflag:s21], $0x2800  }
0x1b: {  	[sflag:s21] =	ssyncset.done $0x0  }
0x1c: {  	s0 =	simm.s32 $0x0;
	s3 =	simm.s32 $0x200;
	[sflag:s21] =	ssyncadd.s32 $0xFFFFD800  }
.LBB2_2:
0x1d: {  	p0 =	sne.s32 s3, $0xFE00;
	[tilespmem:s0+$0x3470] =	vst v0  }
0x1e: {  	[tilespmem:s0+$0x3400] =	vst v0  }
0x1f: {  	[tilespmem:s0+$0x3410] =	vst v0  }
.Ltmp0:
0x20: {  	[tilespmem:s0+$0x3420] =	vst v0;
	(pc) =	sbr.rel @p0 .LBB2_2-.Ltmp0, $4  }
0x21: {  	[tilespmem:s0+$0x3430] =	vst v0  }
0x22: {  	[tilespmem:s0+$0x3440] =	vst v0  }
0x23: {  	[tilespmem:s0+$0x3450] =	vst v0  }
0x24: {  	[tilespmem:s0+$0x3460] =	vst v0;
	s0 =	sshra.s32 s3, $0x2;
	s3 =	sadd.s32 $0x200, s3  }
0x25: {  	[tilespmem:s0+$0x3470] =	vst v0  }
0x26: {  	[tilespmem:s0+$0x3400] =	vst v0  }
0x27: {  	[tilespmem:s0+$0x3410] =	vst v0  }
0x28: {  	[tilespmem:s0+$0x3420] =	vst v0  }
0x29: {  	[tilespmem:s0+$0x3430] =	vst v0  }
0x2a: {  	[tilespmem:s0+$0x3440] =	vst v0  }
0x2b: {  	[tilespmem:s0+$0x3450] =	vst v0  }
0x2c: {  	[tilespmem:s0+$0x3460] =	vst v0  }
0x2d: {  	[spmem:s9] =	stream.linear.scatter [tilespmem:s22], [sflag:$0x2], $0x4000, $0x38;
	[tilespmem:$0x1B480] =	vst v63  }
0x2e: {  	_ =	swait.ge [sflag:s21], $0x4000  }
0x2f: {  	[sflag:s21] =	ssyncset.done $0x0  }
0x30: {  	[sflag:s21] =	ssyncadd.s32 $0xFFFFC000  }
0x31: {  	[spmem:s10] =	stream.linear.scatter [tilespmem:s22], [sflag:$0x2], $0x4000, $0x38;
	[tilespmem:$0x1B480] =	vst v63  }
0x32: {  	_ =	swait.ge [sflag:s21], $0x4000  }
0x33: {  	[sflag:s21] =	ssyncset.done $0x0  }
0x34: {  	[sflag:s21] =	ssyncadd.s32 $0xFFFFC000  }
0x35: {  	[spmem:s11] =	stream.linear.scatter [tilespmem:s22], [sflag:$0x2], $0x4000, $0x38;
	[tilespmem:$0x1B480] =	vst v63  }
0x36: {  	_ =	swait.ge [sflag:s21], $0x4000  }
0x37: {  	[sflag:s21] =	ssyncset.done $0x0  }
0x38: {  	[sflag:s21] =	ssyncadd.s32 $0xFFFFC000  }
0x39: {  	[spmem:s12] =	stream.linear.scatter [tilespmem:s22], [sflag:$0x2], $0x4000, $0x38;
	[tilespmem:$0x1B480] =	vst v63  }
0x3a: {  	_ =	swait.ge [sflag:s21], $0x4000  }
0x3b: {  	[sflag:s21] =	ssyncset.done $0x0  }
0x3c: {  	[sflag:s21] =	ssyncadd.s32 $0xFFFFC000  }
0x3d: {  	[spmem:s13] =	stream.linear.scatter [tilespmem:s22], [sflag:$0x2], $0x4000, $0x38;
	[tilespmem:$0x1B480] =	vst v63  }
0x3e: {  	_ =	swait.ge [sflag:s21], $0x4000  }
0x3f: {  	[sflag:s21] =	ssyncset.done $0x0  }
0x40: {  	[sflag:s21] =	ssyncadd.s32 $0xFFFFC000  }
0x41: {  	s0 =	simm.s32 $0x0;
	[bflag:$0x0] =	sbarrier.arrive $0xFFFF  }
.LBB2_4:
0x42: {  	s3 =	sshll.u32 s0, $0xA  }
0x43: {  	s3 =	sadd.s32 s14, s3  }
0x44: {  	s3 =	sshrl.u32 s3, $0x3  }
0x45: {  	s4 =	sadd.s32 s1, s3  }
0x46: {  	[tilespmem:s23], [sflag:$0x2] =	stream.linear.gather [hbm4b:s4+s31], $0x400, $0x38;
	[tilespmem:$0x1B480] =	vst v63  }
0x47: {  	_ =	swait.ge [sflag:s21], $0x400  }
0x48: {  	[sflag:s21] =	ssyncset.done $0x0  }
0x49: {  	s17 =	sadd.s32 s7, s3;
	[sflag:s21] =	ssyncadd.s32 $0xFFFFFC00  }
0x4a: {  	[tilespmem:s24], [sflag:$0x2] =	stream.linear.gather [hbm4b:s17+s31], $0x400, $0x38;
	[tilespmem:$0x1B480] =	vst v63  }
0x4b: {  	_ =	swait.ge [sflag:s21], $0x400  }
0x4c: {  	[sflag:s21] =	ssyncset.done $0x0  }
0x4d: {  	s3 =	sadd.s32 s8, s3;
	[sflag:s21] =	ssyncadd.s32 $0xFFFFFC00  }
0x4e: {  	[tilespmem:s25], [sflag:$0x2] =	stream.linear.gather [hbm4b:s3+s31], $0x400, $0x38;
	[tilespmem:$0x1B480] =	vst v63  }
0x4f: {  	_ =	swait.ge [sflag:s21], $0x400  }
0x50: {  	[sflag:s21] =	ssyncset.done $0x0  }
0x51: {  	s3 =	simm.s32 $0x0;
	[sflag:s21] =	ssyncadd.s32 $0xFFFFFC00  }
.LBB2_5:
0x52: {  	s4 =	sshll.u32 s3, $0x7  }
0x53: {  	s6 =	sadd.s32 $0x2800, s4  }
0x54: {  	[tilespmem:s22], [sflag:$0x1] =	stream.indirect.gather [hbm4b:s5+s26], $0x80, s6, s26, $0xb8;
	[tilespmem:$0x1B480] =	vst v63  }
0x55: {  	v1 =	vld [tilespmem:s4+$0x2800];
	_ =	sdelay $0x1  }
0x56: {  	v2 =	vld [tilespmem:s4+$0x2C00];
	_ =	sdelay $0x4  }
0x57: {  	s17 =	simm.s32 $0x0;
	v3 =	vld [tilespmem:s4+$0x3000]  }
0x58: {  	v1 =	vld.idx.msk [tilespmem:v1+s17+$0x0], $0xffff;
	_ =	sdelay $0x1  }
0x59: {  	v2 =	vld.idx.msk [tilespmem:v2+s17+$0x0], $0xffff;
	_ =	sdelay $0x2  }
0x5a: {  	v1 =	vmul.f32 v1, v3;
	_ =	sdelay $0x1  }
0x5b: {  	v1 =	vmul.f32 v2, v1;
	_ =	sdelay $0x1  }
0x5c: {  	v1 =	vsub.f32 $0.0e+00, v1;
	_ =	sdelay $0x1  }
0x5d: {  	[tilespmem:$0x7400] =	vst v1  }
0x5e: {  	v1 =	vld [tilespmem:s4+$0x2810];
	_ =	sdelay $0x1  }
0x5f: {  	v2 =	vld [tilespmem:s4+$0x2C10];
	_ =	sdelay $0x4  }
0x60: {  	v3 =	vld [tilespmem:s4+$0x3010]  }
0x61: {  	v1 =	vld.idx.msk [tilespmem:v1+s17+$0x0], $0xffff;
	_ =	sdelay $0x1  }
0x62: {  	v2 =	vld.idx.msk [tilespmem:v2+s17+$0x0], $0xffff;
	_ =	sdelay $0x2  }
0x63: {  	v1 =	vmul.f32 v1, v3;
	_ =	sdelay $0x1  }
0x64: {  	v1 =	vmul.f32 v2, v1;
	_ =	sdelay $0x1  }
0x65: {  	v1 =	vsub.f32 $0.0e+00, v1;
	_ =	sdelay $0x1  }
0x66: {  	[tilespmem:$0x7410] =	vst v1  }
0x67: {  	v1 =	vld [tilespmem:s4+$0x2820];
	_ =	sdelay $0x1  }
0x68: {  	v2 =	vld [tilespmem:s4+$0x2C20];
	_ =	sdelay $0x4  }
0x69: {  	v3 =	vld [tilespmem:s4+$0x3020]  }
0x6a: {  	v1 =	vld.idx.msk [tilespmem:v1+s17+$0x0], $0xffff;
	_ =	sdelay $0x1  }
0x6b: {  	v2 =	vld.idx.msk [tilespmem:v2+s17+$0x0], $0xffff;
	_ =	sdelay $0x2  }
0x6c: {  	v1 =	vmul.f32 v1, v3;
	_ =	sdelay $0x1  }
0x6d: {  	v1 =	vmul.f32 v2, v1;
	_ =	sdelay $0x1  }
0x6e: {  	v1 =	vsub.f32 $0.0e+00, v1;
	_ =	sdelay $0x1  }
0x6f: {  	[tilespmem:$0x7420] =	vst v1  }
0x70: {  	v1 =	vld [tilespmem:s4+$0x2830];
	_ =	sdelay $0x1  }
0x71: {  	v2 =	vld [tilespmem:s4+$0x2C30];
	_ =	sdelay $0x4  }
0x72: {  	v3 =	vld [tilespmem:s4+$0x3030]  }
0x73: {  	v1 =	vld.idx.msk [tilespmem:v1+s17+$0x0], $0xffff;
	_ =	sdelay $0x1  }
0x74: {  	v2 =	vld.idx.msk [tilespmem:v2+s17+$0x0], $0xffff;
	_ =	sdelay $0x2  }
0x75: {  	v1 =	vmul.f32 v1, v3;
	_ =	sdelay $0x1  }
0x76: {  	v1 =	vmul.f32 v2, v1;
	_ =	sdelay $0x1  }
0x77: {  	v1 =	vsub.f32 $0.0e+00, v1;
	_ =	sdelay $0x1  }
0x78: {  	[tilespmem:$0x7430] =	vst v1  }
0x79: {  	v1 =	vld [tilespmem:s4+$0x2840];
	_ =	sdelay $0x1  }
0x7a: {  	v2 =	vld [tilespmem:s4+$0x2C40];
	_ =	sdelay $0x4  }
0x7b: {  	v3 =	vld [tilespmem:s4+$0x3040]  }
0x7c: {  	v1 =	vld.idx.msk [tilespmem:v1+s17+$0x0], $0xffff;
	_ =	sdelay $0x1  }
0x7d: {  	v2 =	vld.idx.msk [tilespmem:v2+s17+$0x0], $0xffff;
	_ =	sdelay $0x2  }
0x7e: {  	v1 =	vmul.f32 v1, v3;
	_ =	sdelay $0x1  }
0x7f: {  	v1 =	vmul.f32 v2, v1;
	_ =	sdelay $0x1  }
0x80: {  	v1 =	vsub.f32 $0.0e+00, v1;
	_ =	sdelay $0x1  }
0x81: {  	[tilespmem:$0x7440] =	vst v1  }
0x82: {  	v1 =	vld [tilespmem:s4+$0x2850];
	_ =	sdelay $0x1  }
0x83: {  	v2 =	vld [tilespmem:s4+$0x2C50];
	_ =	sdelay $0x4  }
0x84: {  	v3 =	vld [tilespmem:s4+$0x3050]  }
0x85: {  	v1 =	vld.idx.msk [tilespmem:v1+s17+$0x0], $0xffff;
	_ =	sdelay $0x1  }
0x86: {  	v2 =	vld.idx.msk [tilespmem:v2+s17+$0x0], $0xffff;
	_ =	sdelay $0x2  }
0x87: {  	v1 =	vmul.f32 v1, v3;
	_ =	sdelay $0x1  }
0x88: {  	v1 =	vmul.f32 v2, v1;
	_ =	sdelay $0x1  }
0x89: {  	v1 =	vsub.f32 $0.0e+00, v1;
	_ =	sdelay $0x1  }
0x8a: {  	[tilespmem:$0x7450] =	vst v1  }
0x8b: {  	v1 =	vld [tilespmem:s4+$0x2860];
	_ =	sdelay $0x1  }
0x8c: {  	v2 =	vld [tilespmem:s4+$0x2C60];
	_ =	sdelay $0x4  }
0x8d: {  	v3 =	vld [tilespmem:s4+$0x3060]  }
0x8e: {  	v1 =	vld.idx.msk [tilespmem:v1+s17+$0x0], $0xffff;
	_ =	sdelay $0x1  }
0x8f: {  	v2 =	vld.idx.msk [tilespmem:v2+s17+$0x0], $0xffff;
	_ =	sdelay $0x2  }
0x90: {  	v1 =	vmul.f32 v1, v3;
	_ =	sdelay $0x1  }
0x91: {  	v1 =	vmul.f32 v2, v1;
	_ =	sdelay $0x1  }
0x92: {  	v1 =	vsub.f32 $0.0e+00, v1;
	_ =	sdelay $0x1  }
0x93: {  	[tilespmem:$0x7460] =	vst v1  }
0x94: {  	v1 =	vld [tilespmem:s4+$0x2870];
	_ =	sdelay $0x1  }
0x95: {  	v2 =	vld [tilespmem:s4+$0x2C70];
	_ =	sdelay $0x4  }
0x96: {  	v3 =	vld [tilespmem:s4+$0x3070]  }
0x97: {  	v1 =	vld.idx.msk [tilespmem:v1+s17+$0x0], $0xffff;
	_ =	sdelay $0x1  }
0x98: {  	v2 =	vld.idx.msk [tilespmem:v2+s17+$0x0], $0xffff;
	_ =	sdelay $0x2  }
0x99: {  	v1 =	vmul.f32 v1, v3;
	_ =	sdelay $0x1  }
0x9a: {  	v1 =	vmul.f32 v2, v1;
	_ =	sdelay $0x1  }
0x9b: {  	v1 =	vsub.f32 $0.0e+00, v1;
	_ =	sdelay $0x1  }
0x9c: {  	[tilespmem:$0x7470] =	vst v1  }
0x9d: {  	_ =	swait.ge [sflag:s28], $0x4000  }
0x9e: {  	v1 =	vmov s17;
	[sflag:s28] =	ssyncset.done $0x0  }
0x9f: {  	s6 =	simm.s32 $0x3440;
	[sflag:s28] =	ssyncadd.s32 $0xFFFFC000  }
0xa0: {  	v5 =	vld [tilespmem:s6+$0x30]  }
0xa1: {  	v8 =	vld [tilespmem:s6+$0x10]  }
0xa2: {  	v6 =	vld [tilespmem:s6+$0xFFFFFFC0]  }
0xa3: {  	v2 =	vld.idx.msk [tilespmem:v1+s29+$0x0], $0xffff  }
0xa4: {  	v10 =	vld [tilespmem:s6+$0xFFFFFFE0]  }
0xa5: {  	v3 =	vld [tilespmem:s6+$0x20]  }
0xa6: {  	v4 =	vld [tilespmem:s6+$0xFFFFFFD0]  }
0xa7: {  	v1 =	vld [tilespmem:s6+$0xFFFFFFF0]  }
0xa8: {  	v9 =	vmul.f32 v5, v2;
	v5 =	vld [tilespmem:s6+$0x0]  }
0xa9: {  	v7 =	vmul.f32 v6, v2  }
0xaa: {  	s15 =	simm.s32 $0x1;
	s16 =	simm.s32 $0x3440;
	s4 =	sadd.s32 $0x2C00, s4;
	v6 =	vmul.f32 v10, v2;
	v8 =	vmul.f32 v8, v2  }
.LBB2_6:
0xab: {  	p0 =	sne.s32 s15, $0x7F  }
0xac: {  	v4 =	vmul.f32 v4, v2;
	v3 =	vmul.f32 v3, v2;
	[tilespmem:s6+$0x30] =	vst v9;
	s16 =	sadd.s32 $0x80, s16;
	s17 =	smov.u32 s15;
	s15 =	sadd.s32 $0x1, s15  }
0xad: {  	[tilespmem:s6+$0xFFFFFFC0] =	vst v7;
	v7 =	vmul.f32 v1, v2;
	v2 =	vmul.f32 v5, v2  }
0xae: {  	[tilespmem:s6+$0x10] =	vst v8  }
0xaf: {  	v5 =	vmov s17;
	[tilespmem:s6+$0xFFFFFFE0] =	vst v6  }
0xb0: {  	v1 =	vld [tilespmem:s16+$0xFFFFFFF0];
	[tilespmem:s6+$0xFFFFFFF0] =	vst v7  }
0xb1: {  	v6 =	vld [tilespmem:s16+$0x30];
	[tilespmem:s6+$0x0] =	vst v2  }
0xb2: {  	v8 =	vld [tilespmem:s16+$0x10];
	[tilespmem:s6+$0x20] =	vst v3  }
0xb3: {  	v7 =	vld [tilespmem:s16+$0xFFFFFFC0];
	[tilespmem:s6+$0xFFFFFFD0] =	vst v4;
	s6 =	smov.u32 s16  }
0xb4: {  	v2 =	vld.idx.msk [tilespmem:v5+s29+$0x0], $0xffff  }
0xb5: {  	v10 =	vld [tilespmem:s16+$0xFFFFFFE0]  }
0xb6: {  	v3 =	vld [tilespmem:s16+$0x20]  }
.Ltmp1:
0xb7: {  	v4 =	vld [tilespmem:s16+$0xFFFFFFD0];
	(pc) =	sbr.rel @p0 .LBB2_6-.Ltmp1, $3  }
0xb8: {  	v5 =	vld [tilespmem:s16+$0x0];
	_ =	sdelay $0x1  }
0xb9: {  	v7 =	vmul.f32 v7, v2;
	v9 =	vmul.f32 v6, v2  }
0xba: {  	v8 =	vmul.f32 v8, v2;
	v6 =	vmul.f32 v10, v2  }
0xbb: {  	[tilespmem:s6+$0x30] =	vst v9  }
0xbc: {  	[tilespmem:s6+$0xFFFFFFC0] =	vst v7  }
0xbd: {  	v1 =	vmul.f32 v1, v2;
	[tilespmem:s6+$0x10] =	vst v8  }
0xbe: {  	v3 =	vmul.f32 v3, v2;
	[tilespmem:s6+$0xFFFFFFE0] =	vst v6  }
0xbf: {  	v5 =	vmul.f32 v5, v2;
	[tilespmem:s6+$0xFFFFFFF0] =	vst v1  }
0xc0: {  	s3 =	sadd.s32 $0x1, s3;
	v1 =	vmul.f32 v4, v2;
	[tilespmem:s6+$0x20] =	vst v3  }
0xc1: {  	p0 =	sne.s32 s3, $0x8;
	[tilespmem:s6+$0x0] =	vst v5  }
.Ltmp2:
0xc2: {  	[tilespmem:s6+$0xFFFFFFD0] =	vst v1;
	(pc) =	sbr.rel @p0 .LBB2_5-.Ltmp2, $4  }
0xc3: {  	[spmem:s2] =	stream.indirect.scatter.add.f32 [tilespmem:s22], [sflag:$0x2], $0x80, s4, s26, $0xb8;
	[tilespmem:$0x1B480] =	vst v63  }
0xc4: {  	_ =	swait.ge [sflag:s21], $0x4000  }
0xc5: {  	[sflag:s21] =	ssyncset.done $0x0  }
0xc6: {  	[sflag:s21] =	ssyncadd.s32 $0xFFFFC000  }
0xc7: {  	s0 =	sadd.s32 $0x1, s0  }
0xc8: {  	p0 =	sne.s32 s0, $0xA  }
.Ltmp3:
0xc9: {  	_ = 	snop;
	(pc) =	sbr.rel @p0 .LBB2_4-.Ltmp3, $1  }
0xca: {  	_ =	sdelay $0x3  }
0xcb: {  	s0 =	stileid.u32  }
0xcc: {  	[bflag:$0x0] =	sbarrier.arrive $0xFFFF;
	s0 =	sshll.u32 s0, $0x6  }
0xcd: {  	s3 =	sshrl.u32 s9, $0x3;
	s4 =	rddreg [dreg:$0x5];
	s0 =	sor.u32 $0x1C02, s0  }
0xce: {  	[hbm:s4], [sflag:s0] =	dma.local [spmem:s3], $0x800  }
0xcf: {  	_ =	swait.ge [sflag:s21], $0x800  }
0xd0: {  	[sflag:s21] =	ssyncset.done $0x0  }
0xd1: {  	s16 =	sshrl.u32 s10, $0x3;
	s17 =	rddreg [dreg:$0x6];
	[sflag:s21] =	ssyncadd.s32 $0xFFFFF800  }
0xd2: {  	[hbm:s17], [sflag:s0] =	dma.local [spmem:s16], $0x800  }
0xd3: {  	_ =	swait.ge [sflag:s21], $0x800  }
0xd4: {  	[sflag:s21] =	ssyncset.done $0x0  }
0xd5: {  	s6 =	sshrl.u32 s11, $0x3;
	s15 =	rddreg [dreg:$0x7];
	[sflag:s21] =	ssyncadd.s32 $0xFFFFF800  }
0xd6: {  	[hbm:s15], [sflag:s0] =	dma.local [spmem:s6], $0x800  }
0xd7: {  	_ =	swait.ge [sflag:s21], $0x800  }
0xd8: {  	[sflag:s21] =	ssyncset.done $0x0  }
0xd9: {  	s16 =	sshrl.u32 s12, $0x3;
	[sflag:s21] =	ssyncadd.s32 $0xFFFFF800  }
0xda: {  	[hbm:s18], [sflag:s0] =	dma.local [spmem:s16], $0x800  }
0xdb: {  	s30 =	sadd.s32 $0x1, s30;
	_ =	swait.ge [sflag:s21], $0x800  }
0xdc: {  	p0 =	sne.s32 s30, s20;
	[sflag:s21] =	ssyncset.done $0x0  }
.Ltmp4:
0xdd: {  	s17 =	sshrl.u32 s13, $0x3;
	[sflag:s21] =	ssyncadd.s32 $0xFFFFF800;
	(pc) =	sbr.rel @p0 .LBB2_1-.Ltmp4, $4  }
0xde: {  	[hbm:s19], [sflag:s0] =	dma.local [spmem:s17], $0x800  }
0xdf: {  	_ =	swait.ge [sflag:s21], $0x800  }
0xe0: {  	[sflag:s21] =	ssyncset.done $0x0  }
0xe1: {  	[sflag:s21] =	ssyncadd.s32 $0xFFFFF800  }
0xe2: {  	_ =	sfence.sel $0x180000  }
0xe3: {  	[bflag:$0x0] =	sbarrier.arrive $0xFFFF  }
0xe4: {  	_ =	strace $0x9000004A  }
0xe5: {  	s0 =	stileid.u32;
	[bflag:$0x2] =	sbarrier.arrive $0xFFFF  }
0xe6: {  	p0 =	sne.s32 s0, $0x0;
	s0 =	rddreg [dreg:$0x3]  }
0xe7: {  	s0 =	sadd.s32 @!p0 $0x100000, s0  }
0xe8: {  	[sflag:s0] =	ssyncadd.tile.s32 @!p0 $0x1;
	_ =	shalt  }
.Lfunc_end2:
_tile_overlayer_lowered:
.L_overlay_start_2:
0xe9: {  	(tag) =	ssettag $0x2  }
0xea: {  	s0 =	rddreg [dreg:$0x0];
	s2 =	stileid.u32  }
0xeb: {  	s1 =	rddreg [dreg:$0x1];
	p0 =	sne.s32 s2, $0x0  }
0xec: {  	s3 =	rddreg [dreg:$0x2];
	[bflag:$0x3] =	sbarrier.arrive $0xFFFF;
	s2 =	simm.s32 @!p0 $0x1C02  }
0xed: {  	[timem:s3], [sflag:s2] =	dma.local @!p0 [hbm:s0], s1  }
0xee: {  	s0 =	simm.s32 @!p0 $0x2  }
0xef: {  	_ =	swait.ge @!p0 [sflag:s0], s1  }
0xf0: {  	s1 =	ssub.s32 @!p0 $0x0, s1;
	[sflag:s0] =	ssyncset.done @!p0 $0x0  }
0xf1: {  	[sflag:s0] =	ssyncadd.s32 @!p0 s1  }
0xf2: {  	[bflag:$0x3] =	sbarrier.arrive $0xFFFF  }
0xf3: {  	_ =	shalt  }

// kernel: kernel.14.cloned.1.call-start
scs
__scs_entry_jumppad:
0x0: {  	(pc) =	sbr.rel $0x88, $3  }
0x1: {  	(tag) =	ssettag $0x0;
	lr =	simm.s32 $0x1  }
0x2: {  	[smem:$0x3F9C] =	sst lr;
	_ =	strace $0xD0000000  }
0x3: {  	_ = 	snop  }
0x4: {  	_ = 	snop  }
0x5: {  	_ = 	snop  }
0x6: {  	_ = 	snop  }
0x7: {  	_ = 	snop  }
__scs_overlays_trampoline_lowered:
0x8: {  	[smem:$0x3FAB] =	sst s0  }
0x9: {  	[smem:$0x3FAC] =	sst s1  }
0xa: {  	[smem:$0x3FAD] =	sst s2  }
0xb: {  	[smem:$0x3FAE] =	sst s3  }
0xc: {  	[smem:$0x3FAF] =	sst s4  }
0xd: {  	[smem:$0x3FB0] =	sst s5  }
0xe: {  	[smem:$0x3FB1] =	sst s6  }
0xf: {  	[smem:$0x3FB2] =	sst s7  }
0x10: {  	[smem:$0x3FB3] =	sst s8  }
0x11: {  	[smem:$0x3FB4] =	sst s9;
	s0 =	simm.s32 @!p0 $0x0  }
0x12: {  	s1 =	sld [smem:$0x3F9A];
	s0 =	simm.s32 @p0 $0x1  }
0x13: {  	[smem:$0x3FB5] =	sst s0;
	s0 =	simm.s32 @!p1 $0x0  }
0x14: {  	s2 =	sld [smem:$0x3F99];
	s0 =	simm.s32 @p1 $0x1  }
0x15: {  	[smem:$0x3FB6] =	sst s0;
	s0 =	simm.s32 @!p2 $0x0  }
0x16: {  	s3 =	sld [smem:$0x3FDB];
	s0 =	simm.s32 @p2 $0x1  }
0x17: {  	s4 =	simm.s32 $0x1BF5;
	[smem:$0x3FB8] =	sst s0  }
0x18: {  	s0 =	sld [smem:$0x3F9B];
	_ =	swait.ge [sflag:s4], $0x0  }
0x19: {  	s7 =	sld [smem:$0x3F9C]  }
0x1a: {  	s8 =	sadd.s32 $0xFFFFE003, lr  }
0x1b: {  	s9 =	sadd.s32 $0xFFFFFEF7, lr;
	s5 =	simm.s32 $0xFFFFFFFF;
	p2 =	slt.u32 s8, $0xFFFFF086  }
0x1c: {  	p1 =	slt.u32 s9, $0xF7A;
	s5 =	simm.s32 @!p2 $0x0  }
0x1d: {  	s5 =	simm.s32 @p1 $0x1;
	p0 =	seq.s32 s7, s2  }
0x1e: {  	s7 =	smul.u32 @!p0 $0xF7A, s2;
	p2 =	seq.s32 @!p0 s5, $0x0  }
0x1f: {  	s9 =	smul.u32 $0xF7A, s1;
	s8 =	simm.s32 @!p0 $0x1BF5;
	p2 =	por !p2, p0  }
0x20: {  	[sflag:s8] =	ssyncset.s32 @!p0 $0xFFFFF086;
	s6 =	sadd.s32 @!p0 s3, s7;
	s7 =	simm.s32 @!p0 $0x108  }
0x21: {  	s3 =	sadd.s32 s3, s9;
	s6 =	sadd.s32 @!p0 $0x88, s6;
	s7 =	simm.s32 @p2 $0x1082  }
0x22: {  	[simem:s7], [sflag:s8] =	dma.local @!p0 [hbm:s6], $0xF7A  }
0x23: {  	s9 =	sor.u32 $0xD0000000, s2;
	s6 =	simm.s32 $0x108;
	_ =	swait.ge @!p0 [sflag:s8], $0x0  }
0x24: {  	s3 =	sadd.s32 $0x88, s3;
	s6 =	simm.s32 @!p1 $0x1082;
	[sflag:s4] =	ssyncset.s32 $0xFFFFF086  }
0x25: {  	[simem:s6], [sflag:s4] =	dma.local [hbm:s3], $0xF7A  }
0x26: {  	[smem:$0x3F9C] =	sst s1;
	(tag) =	ssettag s2;
	_ =	strace s9  }
0x27: {  	s1 =	sld [smem:$0x3FAC]  }
0x28: {  	s2 =	sld [smem:$0x3FAD]  }
0x29: {  	s4 =	sld [smem:$0x3FAF]  }
0x2a: {  	p0 =	seq.s32 s5, $0x0;
	s5 =	sld [smem:$0x3FB0]  }
0x2b: {  	s6 =	sld [smem:$0x3FB1]  }
0x2c: {  	s7 =	sld [smem:$0x3FB2]  }
0x2d: {  	s3 =	simm.s32 $0x108;
	s8 =	sld [smem:$0x3FB3]  }
0x2e: {  	s3 =	simm.s32 @!p0 $0x1082;
	s9 =	sld [smem:$0x3FB4]  }
0x2f: {  	lr =	sadd.s32 s0, s3;
	s0 =	sld [smem:$0x3FAB]  }
0x30: {  	s3 =	sld [smem:$0x3FAE]  }
0x31: {  	[smem:$0x3FB7] =	sst s10  }
0x32: {  	s10 =	sld [smem:$0x3FB5];
	_ =	sdelay $0x3  }
0x33: {  	p0 =	seq.s32 s10, $0x1;
	s10 =	sld [smem:$0x3FB7];
	_ =	sdelay $0x3  }
0x34: {  	[smem:$0x3FB7] =	sst s10  }
0x35: {  	s10 =	sld [smem:$0x3FB6];
	_ =	sdelay $0x3  }
0x36: {  	p1 =	seq.s32 s10, $0x1;
	s10 =	sld [smem:$0x3FB7];
	_ =	sdelay $0x3  }
0x37: {  	[smem:$0x3FB7] =	sst s10  }
0x38: {  	s10 =	sld [smem:$0x3FB8]  }
0x39: {  	_ = 	snop;
	(pc) =	sbr.ind lr, $3  }
0x3a: {  	_ = 	snop  }
0x3b: {  	_ = 	snop  }
0x3c: {  	p2 =	seq.s32 s10, $0x1;
	s10 =	sld [smem:$0x3FB7]  }
0x3d: {  	_ =	shalt  }
0x3e: {  	_ =	shalt  }
0x3f: {  	_ =	shalt  }
0x40: {  	_ =	shalt  }
0x41: {  	_ =	shalt  }
0x42: {  	_ =	shalt  }
0x43: {  	_ =	shalt  }
0x44: {  	_ =	shalt  }
0x45: {  	_ =	shalt  }
0x46: {  	_ =	shalt  }
0x47: {  	_ =	shalt  }
0x48: {  	_ =	shalt  }
0x49: {  	_ =	shalt  }
0x4a: {  	_ =	shalt  }
0x4b: {  	_ =	shalt  }
0x4c: {  	_ =	shalt  }
0x4d: {  	_ =	shalt  }
0x4e: {  	_ =	shalt  }
0x4f: {  	_ =	shalt  }
0x50: {  	_ =	shalt  }
0x51: {  	_ =	shalt  }
0x52: {  	_ =	shalt  }
0x53: {  	_ =	shalt  }
0x54: {  	_ =	shalt  }
0x55: {  	_ =	shalt  }
0x56: {  	_ =	shalt  }
0x57: {  	_ =	shalt  }
0x58: {  	_ =	shalt  }
0x59: {  	_ =	shalt  }
0x5a: {  	_ =	shalt  }
0x5b: {  	_ =	shalt  }
0x5c: {  	_ =	shalt  }
0x5d: {  	_ =	shalt  }
0x5e: {  	_ =	shalt  }
0x5f: {  	_ =	shalt  }
0x60: {  	_ =	shalt  }
0x61: {  	_ =	shalt  }
0x62: {  	_ =	shalt  }
0x63: {  	_ =	shalt  }
0x64: {  	_ =	shalt  }
0x65: {  	_ =	shalt  }
0x66: {  	_ =	shalt  }
0x67: {  	_ =	shalt  }
0x68: {  	_ =	shalt  }
0x69: {  	_ =	shalt  }
0x6a: {  	_ =	shalt  }
0x6b: {  	_ =	shalt  }
0x6c: {  	_ =	shalt  }
0x6d: {  	_ =	shalt  }
0x6e: {  	_ =	shalt  }
0x6f: {  	_ =	shalt  }
0x70: {  	_ =	shalt  }
0x71: {  	_ =	shalt  }
0x72: {  	_ =	shalt  }
0x73: {  	_ =	shalt  }
0x74: {  	_ =	shalt  }
0x75: {  	_ =	shalt  }
0x76: {  	_ =	shalt  }
0x77: {  	_ =	shalt  }
0x78: {  	_ =	shalt  }
0x79: {  	_ =	shalt  }
0x7a: {  	_ =	shalt  }
0x7b: {  	_ =	shalt  }
0x7c: {  	_ =	shalt  }
0x7d: {  	_ =	shalt  }
0x7e: {  	_ =	shalt  }
0x7f: {  	_ =	shalt  }
0x80: {  	_ =	shalt  }
0x81: {  	_ =	shalt  }
0x82: {  	_ =	shalt  }
0x83: {  	_ =	shalt  }
0x84: {  	_ =	shalt  }
0x85: {  	_ =	shalt  }
0x86: {  	_ =	shalt  }
0x87: {  	_ =	shalt  }
.Lfunc_end0:
.L_simem_size_0:
called_computation.2_lowered:
.L_overlay_start_0:
0x88: {  	s2 =	sld [smem:$0x3FD9]  }
0x89: {  	s3 =	sld [smem:$0x3FFE];
	_ =	sdelay $0x1  }
0x8a: {  	s1 =	srdreg.scid  }
0x8b: {  	s0 =	sand.u32 $0x1, s1  }
0x8c: {  	s17 =	sshll.u32 s0, $0xA;
	s2 =	sadd.s32 s3, s2  }
0x8d: {  	s2 =	sadd.s32 s2, s17  }
0x8e: {  	[smem:$0x3FC3] =	sst s2  }
0x8f: {  	_ = 	snop  }
0x90: {  	s2 =	sld [smem:$0x3FD0];
	(tm) =	ssettm $0x1  }
0x91: {  	s18 =	sld [smem:$0x3FFB];
	_ =	sdelay $0x3  }
0x92: {  	_ =	strace s18  }
0x93: {  	s3 =	sld [smem:$0x3FFC];
	_ =	sdelay $0x3  }
0x94: {  	_ =	strace s3  }
0x95: {  	s3 =	sld [smem:$0x3FFD];
	_ =	sdelay $0x3  }
0x96: {  	_ =	strace s3  }
0x97: {  	_ =	strace $0x8FFFFFFF  }
0x98: {  	s19 =	sld [smem:$0x3FDB];
	_ =	sdelay $0x1  }
0x99: {  	s4 =	simm.s32 $_scs_section_size  }
0x9a: {  	s5 =	simm.s32 $_size__tile_overlayer_lowered;
	s6 =	simm.s32 $_tile_overlayer_lowered  }
0x9b: {  	s22 =	simm.s32 $0x1BFF;
	s21 =	sshll.u32 s6, $0x1;
	s3 =	sadd.s32 s4, s19  }
0x9c: {  	s7 =	simm.s32 $0x0;
	s20 =	sshll.u32 s5, $0x1;
	s5 =	sadd.s32 s21, s3  }
0x9d: {  	[timem:s7], [sflag:s22] =	dma.local [hbm:s5], s20  }
0x9e: {  	_ =	swait.ge [sflag:s22], s20  }
0x9f: {  	s4 =	ssub.s32 $0x0, s20;
	[sflag:s22] =	ssyncset.done $0x0  }
0xa0: {  	[sflag:s22] =	ssyncadd.s32 s4;
	_ =	sdelay $0x1  }
0xa1: {  	s23 =	simm.s32 $0x1B8B  }
0xa2: {  	_ =	swait.ge [sflag:s23], $0x1  }
0xa3: {  	[sflag:s23] =	ssyncset.done $0x0  }
0xa4: {  	s25 =	simm.s32 $0x1B8E;
	s24 =	sld [smem:$0x3FFE];
	[sflag:s23] =	ssyncadd.s32 $0xFFFFFFFF  }
0xa5: {  	s26 =	simm.s32 $execute0_lowered;
	[smem:$0x3FD2] =	sst s25  }
0xa6: {  	s5 =	sshll.u32 s26, $0x1;
	_ =	strace $0x8000004C;
	[dreg:$0x1] =	wrdreg $0xFFFFFFFF  }
0xa7: {  	s28 =	simm.s32 $_size_execute0_lowered;
	s3 =	sadd.s32 s3, s5;
	[dreg:$0x0] =	wrdreg $0x0  }
0xa8: {  	s5 =	sshll.u32 s28, $0x1;
	[dreg:$0x2] =	wrdreg s3  }
0xa9: {  	[dreg:$0x3] =	wrdreg s5  }
0xaa: {  	[dreg:$0x4] =	wrdreg $0xC0  }
0xab: {  	_ =	task [dreg:s7], $0x5FFFF  }
0xac: {  	[dreg:$0x1] =	wrdreg $0xFFFFFFFF  }
0xad: {  	[dreg:$0x0] =	wrdreg $0x60  }
0xae: {  	[dreg:$0x2] =	wrdreg s24  }
0xaf: {  	[dreg:$0x3] =	wrdreg s2  }
0xb0: {  	[dreg:$0x4] =	wrdreg $0x74800  }
0xb1: {  	[dreg:$0x5] =	wrdreg $0x9  }
0xb2: {  	_ =	task.clear_ibuf [dreg:s7], $0x6FFFF;
	_ =	strace $0x9000004C  }
0xb3: {  	s29 =	simm.s32 $0x9;
	_ =	strace $0x8000004E  }
0xb4: {  	_ =	swait.ge [sflag:s29], $0x1  }
0xb5: {  	[sflag:s29] =	ssyncadd.s32 $0xFFFFFFFF  }
0xb6: {  	_ =	strace $0x9000004E  }
0xb7: {  	_ =	sfence  }
0xb8: {  	s30 =	sld [smem:$0x0];
	_ =	sdelay $0x2  }
0xb9: {  	s31 =	sshll.u32 s1, $0xD;
	s1 =	sshrl.u32 s1, $0x2  }
0xba: {  	s3 =	sand.u32 $0x4000, s31;
	s1 =	sadd.s32 s1, s30  }
0xbb: {  	s0 =	sor.u32 s3, s0;
	s1 =	sshll.u32 s1, $0x11  }
0xbc: {  	s0 =	sor.u32 s1, s0  }
0xbd: {  	s0 =	sadd.s32 $0x8F2B, s0  }
0xbe: {  	[sflag:s0] =	ssyncadd.remote.s32 $0x1  }
0xbf: {  	_ =	sfence.sel $0xFFFF  }
0xc0: {  	[dreg:$0x0] =	wrdreg $0xFFFFFFFF;
	(pc) =	sbr.abs _section_cstart, $3  }
0xc1: {  	[dreg:$0x1] =	wrdreg $0xFFFFFFFF  }
0xc2: {  	_ =	task.clear_ibuf [dreg:s7], $0x2FFFF;
	_ =	strace $0x9FFFFFFF  }
0xc3: {  	(tm) =	ssettm $0x7FFFFFFF  }
tec
execute0_lowered:
.L_overlay_start_1:
0x0: {  	(tag) =	ssettag $0x1  }
0x1: {  	s0 =	rddreg [dreg:$0x0]  }
0x2: {  	s1 =	rddreg [dreg:$0x1]  }
0x3: {  	s2 =	rddreg [dreg:$0x2]  }
0x4: {  	s3 =	simm.s32 $0x0;
	s20 =	srdreg.scid;
	s10 =	stileid.u32  }
0x5: {  	s28 =	simm.s32 $0x1;
	s29 =	simm.s32 $0x7400;
	s30 =	simm.s32 $0x0  }
0x6: {  	s31 =	simm.s32 $0x0;
	[smem:$0x7FF] =	sst s3;
	s5 =	sadd.s32 $0x16E00, s0  }
0x7: {  	s3 =	sand.u32 $0x1, s20;
	s4 =	sadd.s32 $0xC400, s0;
	s6 =	smul.u32 $0x50000, s10  }
0x8: {  	s7 =	sadd.s32 $0xCE00, s0;
	s14 =	smul.u32 $0x14000, s10;
	s8 =	sadd.s32 $0x2400, s0  }
0x9: {  	s0 =	sadd.s32 $0x3EE00, s0;
	_ =	strace $0x8000004D;
	[dreg:$0x4] =	wrdreg s4  }
0xa: {  	s21 =	ssub.s32 $0x2, s3;
	s22 =	sshll.u32 s3, $0x4;
	s3 =	smul.u32 $0x140000, s3  }
0xb: {  	s9 =	sshrl.u32 s21, $0x1;
	s6 =	sshrl.u32 s6, $0x2;
	s15 =	sadd.s32 $0x4000, s14  }
0xc: {  	s16 =	sor.u32 s10, s22;
	s23 =	sadd.s32 $0x8000, s14;
	s17 =	sadd.s32 $0xC000, s14  }
0xd: {  	s18 =	sadd.s32 $0x10000, s14;
	s22 =	simm.s32 $0x3400;
	s4 =	ssub.s32 s21, s9  }
0xe: {  	s9 =	sadd.s32 s6, s2;
	s10 =	sadd.s32 s15, s2;
	s11 =	sadd.s32 s23, s2  }
0xf: {  	s12 =	sadd.s32 s17, s2;
	s13 =	sadd.s32 s18, s2;
	s19 =	sadd.s32 s14, s3  }
0x10: {  	s15 =	sadd.s32 s3, s15;
	s14 =	smul.u32 $0x2800, s16;
	s6 =	sadd.s32 s3, s23  }
0x11: {  	s25 =	sadd.s32 s3, s17;
	s3 =	sadd.s32 s3, s18;
	s21 =	simm.s32 $0x2  }
0x12: {  	s23 =	simm.s32 $0x2800;
	s24 =	sshrl.u32 s19, $0x3;
	s15 =	sshrl.u32 s15, $0x3  }
0x13: {  	s6 =	sshrl.u32 s6, $0x3;
	s26 =	sshrl.u32 s25, $0x3;
	s3 =	sshrl.u32 s3, $0x3  }
0x14: {  	s20 =	smax.u32 s4, $0x1;
	s25 =	simm.s32 $0x3000;
	s16 =	sadd.s32 s0, s24  }
0x15: {  	s15 =	sadd.s32 s0, s15;
	s6 =	sadd.s32 s0, s6;
	[dreg:$0x5] =	wrdreg s16  }
0x16: {  	s18 =	sadd.s32 s0, s26;
	s19 =	sadd.s32 s0, s3;
	[dreg:$0x6] =	wrdreg s15  }
0x17: {  	v0 =	vimm.f32 $0.0e+00;
	s24 =	simm.s32 $0x2C00;
	s26 =	simm.s32 $0x80;
	[dreg:$0x7] =	wrdreg s6  }
.LBB2_1:
0x18: {  	s0 =	simm.s32 $0x0;
	s3 =	rddreg [dreg:$0x4]  }
0x19: {  	[tilespmem:s0], [sflag:$0x2] =	stream.linear.gather [hbm4b:s3+s0], $0x2800, $0x38;
	[tilespmem:$0x1B480] =	vst v63  }
0x1a: {  	_ =	swait.ge [sflag:s21], $0x2800  }
0x1b: {  	[sflag:s21] =	ssyncset.done $0x0  }
0x1c: {  	s0 =	simm.s32 $0x0;
	s3 =	simm.s32 $0x200;
	[sflag:s21] =	ssyncadd.s32 $0xFFFFD800  }
.LBB2_2:
0x1d: {  	p0 =	sne.s32 s3, $0xFE00;
	[tilespmem:s0+$0x3470] =	vst v0  }
0x1e: {  	[tilespmem:s0+$0x3400] =	vst v0  }
0x1f: {  	[tilespmem:s0+$0x3410] =	vst v0  }
.Ltmp0:
0x20: {  	[tilespmem:s0+$0x3420] =	vst v0;
	(pc) =	sbr.rel @p0 .LBB2_2-.Ltmp0, $4  }
0x21: {  	[tilespmem:s0+$0x3430] =	vst v0  }
0x22: {  	[tilespmem:s0+$0x3440] =	vst v0  }
0x23: {  	[tilespmem:s0+$0x3450] =	vst v0  }
0x24: {  	[tilespmem:s0+$0x3460] =	vst v0;
	s0 =	sshra.s32 s3, $0x2;
	s3 =	sadd.s32 $0x200, s3  }
0x25: {  	[tilespmem:s0+$0x3470] =	vst v0  }
0x26: {  	[tilespmem:s0+$0x3400] =	vst v0  }
0x27: {  	[tilespmem:s0+$0x3410] =	vst v0  }
0x28: {  	[tilespmem:s0+$0x3420] =	vst v0  }
0x29: {  	[tilespmem:s0+$0x3430] =	vst v0  }
0x2a: {  	[tilespmem:s0+$0x3440] =	vst v0  }
0x2b: {  	[tilespmem:s0+$0x3450] =	vst v0  }
0x2c: {  	[tilespmem:s0+$0x3460] =	vst v0  }
0x2d: {  	[spmem:s9] =	stream.linear.scatter [tilespmem:s22], [sflag:$0x2], $0x4000, $0x38;
	[tilespmem:$0x1B480] =	vst v63  }
0x2e: {  	_ =	swait.ge [sflag:s21], $0x4000  }
0x2f: {  	[sflag:s21] =	ssyncset.done $0x0  }
0x30: {  	[sflag:s21] =	ssyncadd.s32 $0xFFFFC000  }
0x31: {  	[spmem:s10] =	stream.linear.scatter [tilespmem:s22], [sflag:$0x2], $0x4000, $0x38;
	[tilespmem:$0x1B480] =	vst v63  }
0x32: {  	_ =	swait.ge [sflag:s21], $0x4000  }
0x33: {  	[sflag:s21] =	ssyncset.done $0x0  }
0x34: {  	[sflag:s21] =	ssyncadd.s32 $0xFFFFC000  }
0x35: {  	[spmem:s11] =	stream.linear.scatter [tilespmem:s22], [sflag:$0x2], $0x4000, $0x38;
	[tilespmem:$0x1B480] =	vst v63  }
0x36: {  	_ =	swait.ge [sflag:s21], $0x4000  }
0x37: {  	[sflag:s21] =	ssyncset.done $0x0  }
0x38: {  	[sflag:s21] =	ssyncadd.s32 $0xFFFFC000  }
0x39: {  	[spmem:s12] =	stream.linear.scatter [tilespmem:s22], [sflag:$0x2], $0x4000, $0x38;
	[tilespmem:$0x1B480] =	vst v63  }
0x3a: {  	_ =	swait.ge [sflag:s21], $0x4000  }
0x3b: {  	[sflag:s21] =	ssyncset.done $0x0  }
0x3c: {  	[sflag:s21] =	ssyncadd.s32 $0xFFFFC000  }
0x3d: {  	[spmem:s13] =	stream.linear.scatter [tilespmem:s22], [sflag:$0x2], $0x4000, $0x38;
	[tilespmem:$0x1B480] =	vst v63  }
0x3e: {  	_ =	swait.ge [sflag:s21], $0x4000  }
0x3f: {  	[sflag:s21] =	ssyncset.done $0x0  }
0x40: {  	[sflag:s21] =	ssyncadd.s32 $0xFFFFC000  }
0x41: {  	s0 =	simm.s32 $0x0;
	[bflag:$0x0] =	sbarrier.arrive $0xFFFF  }
.LBB2_4:
0x42: {  	s3 =	sshll.u32 s0, $0xA  }
0x43: {  	s3 =	sadd.s32 s14, s3  }
0x44: {  	s3 =	sshrl.u32 s3, $0x3  }
0x45: {  	s4 =	sadd.s32 s1, s3  }
0x46: {  	[tilespmem:s23], [sflag:$0x2] =	stream.linear.gather [hbm4b:s4+s31], $0x400, $0x38;
	[tilespmem:$0x1B480] =	vst v63  }
0x47: {  	_ =	swait.ge [sflag:s21], $0x400  }
0x48: {  	[sflag:s21] =	ssyncset.done $0x0  }
0x49: {  	s17 =	sadd.s32 s7, s3;
	[sflag:s21] =	ssyncadd.s32 $0xFFFFFC00  }
0x4a: {  	[tilespmem:s24], [sflag:$0x2] =	stream.linear.gather [hbm4b:s17+s31], $0x400, $0x38;
	[tilespmem:$0x1B480] =	vst v63  }
0x4b: {  	_ =	swait.ge [sflag:s21], $0x400  }
0x4c: {  	[sflag:s21] =	ssyncset.done $0x0  }
0x4d: {  	s3 =	sadd.s32 s8, s3;
	[sflag:s21] =	ssyncadd.s32 $0xFFFFFC00  }
0x4e: {  	[tilespmem:s25], [sflag:$0x2] =	stream.linear.gather [hbm4b:s3+s31], $0x400, $0x38;
	[tilespmem:$0x1B480] =	vst v63  }
0x4f: {  	_ =	swait.ge [sflag:s21], $0x400  }
0x50: {  	[sflag:s21] =	ssyncset.done $0x0  }
0x51: {  	s3 =	simm.s32 $0x0;
	[sflag:s21] =	ssyncadd.s32 $0xFFFFFC00  }
.LBB2_5:
0x52: {  	s4 =	sshll.u32 s3, $0x7  }
0x53: {  	s6 =	sadd.s32 $0x2800, s4  }
0x54: {  	[tilespmem:s22], [sflag:$0x1] =	stream.indirect.gather [hbm4b:s5+s26], $0x80, s6, s26, $0xb8;
	[tilespmem:$0x1B480] =	vst v63  }
0x55: {  	v1 =	vld [tilespmem:s4+$0x2800];
	_ =	sdelay $0x1  }
0x56: {  	v2 =	vld [tilespmem:s4+$0x2C00];
	_ =	sdelay $0x4  }
0x57: {  	s17 =	simm.s32 $0x0;
	v3 =	vld [tilespmem:s4+$0x3000]  }
0x58: {  	v1 =	vld.idx.msk [tilespmem:v1+s17+$0x0], $0xffff;
	_ =	sdelay $0x1  }
0x59: {  	v2 =	vld.idx.msk [tilespmem:v2+s17+$0x0], $0xffff;
	_ =	sdelay $0x2  }
0x5a: {  	v1 =	vmul.f32 v1, v3;
	_ =	sdelay $0x1  }
0x5b: {  	v1 =	vmul.f32 v2, v1;
	_ =	sdelay $0x1  }
0x5c: {  	v1 =	vsub.f32 $0.0e+00, v1;
	_ =	sdelay $0x1  }
0x5d: {  	[tilespmem:$0x7400] =	vst v1  }
0x5e: {  	v1 =	vld [tilespmem:s4+$0x2810];
	_ =	sdelay $0x1  }
0x5f: {  	v2 =	vld [tilespmem:s4+$0x2C10];
	_ =	sdelay $0x4  }
0x60: {  	v3 =	vld [tilespmem:s4+$0x3010]  }
0x61: {  	v1 =	vld.idx.msk [tilespmem:v1+s17+$0x0], $0xffff;
	_ =	sdelay $0x1  }
0x62: {  	v2 =	vld.idx.msk [tilespmem:v2+s17+$0x0], $0xffff;
	_ =	sdelay $0x2  }
0x63: {  	v1 =	vmul.f32 v1, v3;
	_ =	sdelay $0x1  }
0x64: {  	v1 =	vmul.f32 v2, v1;
	_ =	sdelay $0x1  }
0x65: {  	v1 =	vsub.f32 $0.0e+00, v1;
	_ =	sdelay $0x1  }
0x66: {  	[tilespmem:$0x7410] =	vst v1  }
0x67: {  	v1 =	vld [tilespmem:s4+$0x2820];
	_ =	sdelay $0x1  }
0x68: {  	v2 =	vld [tilespmem:s4+$0x2C20];
	_ =	sdelay $0x4  }
0x69: {  	v3 =	vld [tilespmem:s4+$0x3020]  }
0x6a: {  	v1 =	vld.idx.msk [tilespmem:v1+s17+$0x0], $0xffff;
	_ =	sdelay $0x1  }
0x6b: {  	v2 =	vld.idx.msk [tilespmem:v2+s17+$0x0], $0xffff;
	_ =	sdelay $0x2  }
0x6c: {  	v1 =	vmul.f32 v1, v3;
	_ =	sdelay $0x1  }
0x6d: {  	v1 =	vmul.f32 v2, v1;
	_ =	sdelay $0x1  }
0x6e: {  	v1 =	vsub.f32 $0.0e+00, v1;
	_ =	sdelay $0x1  }
0x6f: {  	[tilespmem:$0x7420] =	vst v1  }
0x70: {  	v1 =	vld [tilespmem:s4+$0x2830];
	_ =	sdelay $0x1  }
0x71: {  	v2 =	vld [tilespmem:s4+$0x2C30];
	_ =	sdelay $0x4  }
0x72: {  	v3 =	vld [tilespmem:s4+$0x3030]  }
0x73: {  	v1 =	vld.idx.msk [tilespmem:v1+s17+$0x0], $0xffff;
	_ =	sdelay $0x1  }
0x74: {  	v2 =	vld.idx.msk [tilespmem:v2+s17+$0x0], $0xffff;
	_ =	sdelay $0x2  }
0x75: {  	v1 =	vmul.f32 v1, v3;
	_ =	sdelay $0x1  }
0x76: {  	v1 =	vmul.f32 v2, v1;
	_ =	sdelay $0x1  }
0x77: {  	v1 =	vsub.f32 $0.0e+00, v1;
	_ =	sdelay $0x1  }
0x78: {  	[tilespmem:$0x7430] =	vst v1  }
0x79: {  	v1 =	vld [tilespmem:s4+$0x2840];
	_ =	sdelay $0x1  }
0x7a: {  	v2 =	vld [tilespmem:s4+$0x2C40];
	_ =	sdelay $0x4  }
0x7b: {  	v3 =	vld [tilespmem:s4+$0x3040]  }
0x7c: {  	v1 =	vld.idx.msk [tilespmem:v1+s17+$0x0], $0xffff;
	_ =	sdelay $0x1  }
0x7d: {  	v2 =	vld.idx.msk [tilespmem:v2+s17+$0x0], $0xffff;
	_ =	sdelay $0x2  }
0x7e: {  	v1 =	vmul.f32 v1, v3;
	_ =	sdelay $0x1  }
0x7f: {  	v1 =	vmul.f32 v2, v1;
	_ =	sdelay $0x1  }
0x80: {  	v1 =	vsub.f32 $0.0e+00, v1;
	_ =	sdelay $0x1  }
0x81: {  	[tilespmem:$0x7440] =	vst v1  }
0x82: {  	v1 =	vld [tilespmem:s4+$0x2850];
	_ =	sdelay $0x1  }
0x83: {  	v2 =	vld [tilespmem:s4+$0x2C50];
	_ =	sdelay $0x4  }
0x84: {  	v3 =	vld [tilespmem:s4+$0x3050]  }
0x85: {  	v1 =	vld.idx.msk [tilespmem:v1+s17+$0x0], $0xffff;
	_ =	sdelay $0x1  }
0x86: {  	v2 =	vld.idx.msk [tilespmem:v2+s17+$0x0], $0xffff;
	_ =	sdelay $0x2  }
0x87: {  	v1 =	vmul.f32 v1, v3;
	_ =	sdelay $0x1  }
0x88: {  	v1 =	vmul.f32 v2, v1;
	_ =	sdelay $0x1  }
0x89: {  	v1 =	vsub.f32 $0.0e+00, v1;
	_ =	sdelay $0x1  }
0x8a: {  	[tilespmem:$0x7450] =	vst v1  }
0x8b: {  	v1 =	vld [tilespmem:s4+$0x2860];
	_ =	sdelay $0x1  }
0x8c: {  	v2 =	vld [tilespmem:s4+$0x2C60];
	_ =	sdelay $0x4  }
0x8d: {  	v3 =	vld [tilespmem:s4+$0x3060]  }
0x8e: {  	v1 =	vld.idx.msk [tilespmem:v1+s17+$0x0], $0xffff;
	_ =	sdelay $0x1  }
0x8f: {  	v2 =	vld.idx.msk [tilespmem:v2+s17+$0x0], $0xffff;
	_ =	sdelay $0x2  }
0x90: {  	v1 =	vmul.f32 v1, v3;
	_ =	sdelay $0x1  }
0x91: {  	v1 =	vmul.f32 v2, v1;
	_ =	sdelay $0x1  }
0x92: {  	v1 =	vsub.f32 $0.0e+00, v1;
	_ =	sdelay $0x1  }
0x93: {  	[tilespmem:$0x7460] =	vst v1  }
0x94: {  	v1 =	vld [tilespmem:s4+$0x2870];
	_ =	sdelay $0x1  }
0x95: {  	v2 =	vld [tilespmem:s4+$0x2C70];
	_ =	sdelay $0x4  }
0x96: {  	v3 =	vld [tilespmem:s4+$0x3070]  }
0x97: {  	v1 =	vld.idx.msk [tilespmem:v1+s17+$0x0], $0xffff;
	_ =	sdelay $0x1  }
0x98: {  	v2 =	vld.idx.msk [tilespmem:v2+s17+$0x0], $0xffff;
	_ =	sdelay $0x2  }
0x99: {  	v1 =	vmul.f32 v1, v3;
	_ =	sdelay $0x1  }
0x9a: {  	v1 =	vmul.f32 v2, v1;
	_ =	sdelay $0x1  }
0x9b: {  	v1 =	vsub.f32 $0.0e+00, v1;
	_ =	sdelay $0x1  }
0x9c: {  	[tilespmem:$0x7470] =	vst v1  }
0x9d: {  	_ =	swait.ge [sflag:s28], $0x4000  }
0x9e: {  	v1 =	vmov s17;
	[sflag:s28] =	ssyncset.done $0x0  }
0x9f: {  	s6 =	simm.s32 $0x3440;
	[sflag:s28] =	ssyncadd.s32 $0xFFFFC000  }
0xa0: {  	v5 =	vld [tilespmem:s6+$0x30]  }
0xa1: {  	v8 =	vld [tilespmem:s6+$0x10]  }
0xa2: {  	v6 =	vld [tilespmem:s6+$0xFFFFFFC0]  }
0xa3: {  	v2 =	vld.idx.msk [tilespmem:v1+s29+$0x0], $0xffff  }
0xa4: {  	v10 =	vld [tilespmem:s6+$0xFFFFFFE0]  }
0xa5: {  	v3 =	vld [tilespmem:s6+$0x20]  }
0xa6: {  	v4 =	vld [tilespmem:s6+$0xFFFFFFD0]  }
0xa7: {  	v1 =	vld [tilespmem:s6+$0xFFFFFFF0]  }
0xa8: {  	v9 =	vmul.f32 v5, v2;
	v5 =	vld [tilespmem:s6+$0x0]  }
0xa9: {  	v7 =	vmul.f32 v6, v2  }
0xaa: {  	s15 =	simm.s32 $0x1;
	s16 =	simm.s32 $0x3440;
	s4 =	sadd.s32 $0x2C00, s4;
	v6 =	vmul.f32 v10, v2;
	v8 =	vmul.f32 v8, v2  }
.LBB2_6:
0xab: {  	p0 =	sne.s32 s15, $0x7F  }
0xac: {  	v4 =	vmul.f32 v4, v2;
	v3 =	vmul.f32 v3, v2;
	[tilespmem:s6+$0x30] =	vst v9;
	s16 =	sadd.s32 $0x80, s16;
	s17 =	smov.u32 s15;
	s15 =	sadd.s32 $0x1, s15  }
0xad: {  	[tilespmem:s6+$0xFFFFFFC0] =	vst v7;
	v7 =	vmul.f32 v1, v2;
	v2 =	vmul.f32 v5, v2  }
0xae: {  	[tilespmem:s6+$0x10] =	vst v8  }
0xaf: {  	v5 =	vmov s17;
	[tilespmem:s6+$0xFFFFFFE0] =	vst v6  }
0xb0: {  	v1 =	vld [tilespmem:s16+$0xFFFFFFF0];
	[tilespmem:s6+$0xFFFFFFF0] =	vst v7  }
0xb1: {  	v6 =	vld [tilespmem:s16+$0x30];
	[tilespmem:s6+$0x0] =	vst v2  }
0xb2: {  	v8 =	vld [tilespmem:s16+$0x10];
	[tilespmem:s6+$0x20] =	vst v3  }
0xb3: {  	v7 =	vld [tilespmem:s16+$0xFFFFFFC0];
	[tilespmem:s6+$0xFFFFFFD0] =	vst v4;
	s6 =	smov.u32 s16  }
0xb4: {  	v2 =	vld.idx.msk [tilespmem:v5+s29+$0x0], $0xffff  }
0xb5: {  	v10 =	vld [tilespmem:s16+$0xFFFFFFE0]  }
0xb6: {  	v3 =	vld [tilespmem:s16+$0x20]  }
.Ltmp1:
0xb7: {  	v4 =	vld [tilespmem:s16+$0xFFFFFFD0];
	(pc) =	sbr.rel @p0 .LBB2_6-.Ltmp1, $3  }
0xb8: {  	v5 =	vld [tilespmem:s16+$0x0];
	_ =	sdelay $0x1  }
0xb9: {  	v7 =	vmul.f32 v7, v2;
	v9 =	vmul.f32 v6, v2  }
0xba: {  	v8 =	vmul.f32 v8, v2;
	v6 =	vmul.f32 v10, v2  }
0xbb: {  	[tilespmem:s6+$0x30] =	vst v9  }
0xbc: {  	[tilespmem:s6+$0xFFFFFFC0] =	vst v7  }
0xbd: {  	v1 =	vmul.f32 v1, v2;
	[tilespmem:s6+$0x10] =	vst v8  }
0xbe: {  	v3 =	vmul.f32 v3, v2;
	[tilespmem:s6+$0xFFFFFFE0] =	vst v6  }
0xbf: {  	v5 =	vmul.f32 v5, v2;
	[tilespmem:s6+$0xFFFFFFF0] =	vst v1  }
0xc0: {  	s3 =	sadd.s32 $0x1, s3;
	v1 =	vmul.f32 v4, v2;
	[tilespmem:s6+$0x20] =	vst v3  }
0xc1: {  	p0 =	sne.s32 s3, $0x8;
	[tilespmem:s6+$0x0] =	vst v5  }
.Ltmp2:
0xc2: {  	[tilespmem:s6+$0xFFFFFFD0] =	vst v1;
	(pc) =	sbr.rel @p0 .LBB2_5-.Ltmp2, $4  }
0xc3: {  	[spmem:s2] =	stream.indirect.scatter.add.f32 [tilespmem:s22], [sflag:$0x2], $0x80, s4, s26, $0xb8;
	[tilespmem:$0x1B480] =	vst v63  }
0xc4: {  	_ =	swait.ge [sflag:s21], $0x4000  }
0xc5: {  	[sflag:s21] =	ssyncset.done $0x0  }
0xc6: {  	[sflag:s21] =	ssyncadd.s32 $0xFFFFC000  }
0xc7: {  	s0 =	sadd.s32 $0x1, s0  }
0xc8: {  	p0 =	sne.s32 s0, $0xA  }
.Ltmp3:
0xc9: {  	_ = 	snop;
	(pc) =	sbr.rel @p0 .LBB2_4-.Ltmp3, $1  }
0xca: {  	_ =	sdelay $0x3  }
0xcb: {  	s0 =	stileid.u32  }
0xcc: {  	[bflag:$0x0] =	sbarrier.arrive $0xFFFF;
	s0 =	sshll.u32 s0, $0x6  }
0xcd: {  	s3 =	sshrl.u32 s9, $0x3;
	s4 =	rddreg [dreg:$0x5];
	s0 =	sor.u32 $0x1C02, s0  }
0xce: {  	[hbm:s4], [sflag:s0] =	dma.local [spmem:s3], $0x800  }
0xcf: {  	_ =	swait.ge [sflag:s21], $0x800  }
0xd0: {  	[sflag:s21] =	ssyncset.done $0x0  }
0xd1: {  	s16 =	sshrl.u32 s10, $0x3;
	s17 =	rddreg [dreg:$0x6];
	[sflag:s21] =	ssyncadd.s32 $0xFFFFF800  }
0xd2: {  	[hbm:s17], [sflag:s0] =	dma.local [spmem:s16], $0x800  }
0xd3: {  	_ =	swait.ge [sflag:s21], $0x800  }
0xd4: {  	[sflag:s21] =	ssyncset.done $0x0  }
0xd5: {  	s6 =	sshrl.u32 s11, $0x3;
	s15 =	rddreg [dreg:$0x7];
	[sflag:s21] =	ssyncadd.s32 $0xFFFFF800  }
0xd6: {  	[hbm:s15], [sflag:s0] =	dma.local [spmem:s6], $0x800  }
0xd7: {  	_ =	swait.ge [sflag:s21], $0x800  }
0xd8: {  	[sflag:s21] =	ssyncset.done $0x0  }
0xd9: {  	s16 =	sshrl.u32 s12, $0x3;
	[sflag:s21] =	ssyncadd.s32 $0xFFFFF800  }
0xda: {  	[hbm:s18], [sflag:s0] =	dma.local [spmem:s16], $0x800  }
0xdb: {  	s30 =	sadd.s32 $0x1, s30;
	_ =	swait.ge [sflag:s21], $0x800  }
0xdc: {  	p0 =	sne.s32 s30, s20;
	[sflag:s21] =	ssyncset.done $0x0  }
.Ltmp4:
0xdd: {  	s17 =	sshrl.u32 s13, $0x3;
	[sflag:s21] =	ssyncadd.s32 $0xFFFFF800;
	(pc) =	sbr.rel @p0 .LBB2_1-.Ltmp4, $4  }
0xde: {  	[hbm:s19], [sflag:s0] =	dma.local [spmem:s17], $0x800  }
0xdf: {  	_ =	swait.ge [sflag:s21], $0x800  }
0xe0: {  	[sflag:s21] =	ssyncset.done $0x0  }
0xe1: {  	[sflag:s21] =	ssyncadd.s32 $0xFFFFF800  }
0xe2: {  	_ =	sfence.sel $0x180000  }
0xe3: {  	[bflag:$0x0] =	sbarrier.arrive $0xFFFF  }
0xe4: {  	_ =	strace $0x9000004D  }
0xe5: {  	s0 =	stileid.u32;
	[bflag:$0x2] =	sbarrier.arrive $0xFFFF  }
0xe6: {  	p0 =	sne.s32 s0, $0x0;
	s0 =	rddreg [dreg:$0x3]  }
0xe7: {  	s0 =	sadd.s32 @!p0 $0x100000, s0  }
0xe8: {  	[sflag:s0] =	ssyncadd.tile.s32 @!p0 $0x1;
	_ =	shalt  }
.Lfunc_end2:
_tile_overlayer_lowered:
.L_overlay_start_2:
0xe9: {  	(tag) =	ssettag $0x2  }
0xea: {  	s0 =	rddreg [dreg:$0x0];
	s2 =	stileid.u32  }
0xeb: {  	s1 =	rddreg [dreg:$0x1];
	p0 =	sne.s32 s2, $0x0  }
0xec: {  	s3 =	rddreg [dreg:$0x2];
	[bflag:$0x3] =	sbarrier.arrive $0xFFFF;
	s2 =	simm.s32 @!p0 $0x1C02  }
0xed: {  	[timem:s3], [sflag:s2] =	dma.local @!p0 [hbm:s0], s1  }
0xee: {  	s0 =	simm.s32 @!p0 $0x2  }
0xef: {  	_ =	swait.ge @!p0 [sflag:s0], s1  }
0xf0: {  	s1 =	ssub.s32 @!p0 $0x0, s1;
	[sflag:s0] =	ssyncset.done @!p0 $0x0  }
0xf1: {  	[sflag:s0] =	ssyncadd.s32 @!p0 s1  }
0xf2: {  	[bflag:$0x3] =	sbarrier.arrive $0xFFFF  }
0xf3: {  	_ =	shalt  }

// kernel: kernel.8.cloned.1.call-start
scs
__scs_entry_jumppad:
0x0: {  	(pc) =	sbr.rel $0x88, $3  }
0x1: {  	(tag) =	ssettag $0x0;
	lr =	simm.s32 $0x1  }
0x2: {  	[smem:$0x3F9C] =	sst lr;
	_ =	strace $0xD0000000  }
0x3: {  	_ = 	snop  }
0x4: {  	_ = 	snop  }
0x5: {  	_ = 	snop  }
0x6: {  	_ = 	snop  }
0x7: {  	_ = 	snop  }
__scs_overlays_trampoline_lowered:
0x8: {  	[smem:$0x3FAB] =	sst s0  }
0x9: {  	[smem:$0x3FAC] =	sst s1  }
0xa: {  	[smem:$0x3FAD] =	sst s2  }
0xb: {  	[smem:$0x3FAE] =	sst s3  }
0xc: {  	[smem:$0x3FAF] =	sst s4  }
0xd: {  	[smem:$0x3FB0] =	sst s5  }
0xe: {  	[smem:$0x3FB1] =	sst s6  }
0xf: {  	[smem:$0x3FB2] =	sst s7  }
0x10: {  	[smem:$0x3FB3] =	sst s8  }
0x11: {  	[smem:$0x3FB4] =	sst s9;
	s0 =	simm.s32 @!p0 $0x0  }
0x12: {  	s1 =	sld [smem:$0x3F9A];
	s0 =	simm.s32 @p0 $0x1  }
0x13: {  	[smem:$0x3FB5] =	sst s0;
	s0 =	simm.s32 @!p1 $0x0  }
0x14: {  	s2 =	sld [smem:$0x3F99];
	s0 =	simm.s32 @p1 $0x1  }
0x15: {  	[smem:$0x3FB6] =	sst s0;
	s0 =	simm.s32 @!p2 $0x0  }
0x16: {  	s3 =	sld [smem:$0x3FDB];
	s0 =	simm.s32 @p2 $0x1  }
0x17: {  	s4 =	simm.s32 $0x1BF5;
	[smem:$0x3FB8] =	sst s0  }
0x18: {  	s0 =	sld [smem:$0x3F9B];
	_ =	swait.ge [sflag:s4], $0x0  }
0x19: {  	s7 =	sld [smem:$0x3F9C]  }
0x1a: {  	s8 =	sadd.s32 $0xFFFFE003, lr  }
0x1b: {  	s9 =	sadd.s32 $0xFFFFFEF7, lr;
	s5 =	simm.s32 $0xFFFFFFFF;
	p2 =	slt.u32 s8, $0xFFFFF086  }
0x1c: {  	p1 =	slt.u32 s9, $0xF7A;
	s5 =	simm.s32 @!p2 $0x0  }
0x1d: {  	s5 =	simm.s32 @p1 $0x1;
	p0 =	seq.s32 s7, s2  }
0x1e: {  	s7 =	smul.u32 @!p0 $0xF7A, s2;
	p2 =	seq.s32 @!p0 s5, $0x0  }
0x1f: {  	s9 =	smul.u32 $0xF7A, s1;
	s8 =	simm.s32 @!p0 $0x1BF5;
	p2 =	por !p2, p0  }
0x20: {  	[sflag:s8] =	ssyncset.s32 @!p0 $0xFFFFF086;
	s6 =	sadd.s32 @!p0 s3, s7;
	s7 =	simm.s32 @!p0 $0x108  }
0x21: {  	s3 =	sadd.s32 s3, s9;
	s6 =	sadd.s32 @!p0 $0x88, s6;
	s7 =	simm.s32 @p2 $0x1082  }
0x22: {  	[simem:s7], [sflag:s8] =	dma.local @!p0 [hbm:s6], $0xF7A  }
0x23: {  	s9 =	sor.u32 $0xD0000000, s2;
	s6 =	simm.s32 $0x108;
	_ =	swait.ge @!p0 [sflag:s8], $0x0  }
0x24: {  	s3 =	sadd.s32 $0x88, s3;
	s6 =	simm.s32 @!p1 $0x1082;
	[sflag:s4] =	ssyncset.s32 $0xFFFFF086  }
0x25: {  	[simem:s6], [sflag:s4] =	dma.local [hbm:s3], $0xF7A  }
0x26: {  	[smem:$0x3F9C] =	sst s1;
	(tag) =	ssettag s2;
	_ =	strace s9  }
0x27: {  	s1 =	sld [smem:$0x3FAC]  }
0x28: {  	s2 =	sld [smem:$0x3FAD]  }
0x29: {  	s4 =	sld [smem:$0x3FAF]  }
0x2a: {  	p0 =	seq.s32 s5, $0x0;
	s5 =	sld [smem:$0x3FB0]  }
0x2b: {  	s6 =	sld [smem:$0x3FB1]  }
0x2c: {  	s7 =	sld [smem:$0x3FB2]  }
0x2d: {  	s3 =	simm.s32 $0x108;
	s8 =	sld [smem:$0x3FB3]  }
0x2e: {  	s3 =	simm.s32 @!p0 $0x1082;
	s9 =	sld [smem:$0x3FB4]  }
0x2f: {  	lr =	sadd.s32 s0, s3;
	s0 =	sld [smem:$0x3FAB]  }
0x30: {  	s3 =	sld [smem:$0x3FAE]  }
0x31: {  	[smem:$0x3FB7] =	sst s10  }
0x32: {  	s10 =	sld [smem:$0x3FB5];
	_ =	sdelay $0x3  }
0x33: {  	p0 =	seq.s32 s10, $0x1;
	s10 =	sld [smem:$0x3FB7];
	_ =	sdelay $0x3  }
0x34: {  	[smem:$0x3FB7] =	sst s10  }
0x35: {  	s10 =	sld [smem:$0x3FB6];
	_ =	sdelay $0x3  }
0x36: {  	p1 =	seq.s32 s10, $0x1;
	s10 =	sld [smem:$0x3FB7];
	_ =	sdelay $0x3  }
0x37: {  	[smem:$0x3FB7] =	sst s10  }
0x38: {  	s10 =	sld [smem:$0x3FB8]  }
0x39: {  	_ = 	snop;
	(pc) =	sbr.ind lr, $3  }
0x3a: {  	_ = 	snop  }
0x3b: {  	_ = 	snop  }
0x3c: {  	p2 =	seq.s32 s10, $0x1;
	s10 =	sld [smem:$0x3FB7]  }
0x3d: {  	_ =	shalt  }
0x3e: {  	_ =	shalt  }
0x3f: {  	_ =	shalt  }
0x40: {  	_ =	shalt  }
0x41: {  	_ =	shalt  }
0x42: {  	_ =	shalt  }
0x43: {  	_ =	shalt  }
0x44: {  	_ =	shalt  }
0x45: {  	_ =	shalt  }
0x46: {  	_ =	shalt  }
0x47: {  	_ =	shalt  }
0x48: {  	_ =	shalt  }
0x49: {  	_ =	shalt  }
0x4a: {  	_ =	shalt  }
0x4b: {  	_ =	shalt  }
0x4c: {  	_ =	shalt  }
0x4d: {  	_ =	shalt  }
0x4e: {  	_ =	shalt  }
0x4f: {  	_ =	shalt  }
0x50: {  	_ =	shalt  }
0x51: {  	_ =	shalt  }
0x52: {  	_ =	shalt  }
0x53: {  	_ =	shalt  }
0x54: {  	_ =	shalt  }
0x55: {  	_ =	shalt  }
0x56: {  	_ =	shalt  }
0x57: {  	_ =	shalt  }
0x58: {  	_ =	shalt  }
0x59: {  	_ =	shalt  }
0x5a: {  	_ =	shalt  }
0x5b: {  	_ =	shalt  }
0x5c: {  	_ =	shalt  }
0x5d: {  	_ =	shalt  }
0x5e: {  	_ =	shalt  }
0x5f: {  	_ =	shalt  }
0x60: {  	_ =	shalt  }
0x61: {  	_ =	shalt  }
0x62: {  	_ =	shalt  }
0x63: {  	_ =	shalt  }
0x64: {  	_ =	shalt  }
0x65: {  	_ =	shalt  }
0x66: {  	_ =	shalt  }
0x67: {  	_ =	shalt  }
0x68: {  	_ =	shalt  }
0x69: {  	_ =	shalt  }
0x6a: {  	_ =	shalt  }
0x6b: {  	_ =	shalt  }
0x6c: {  	_ =	shalt  }
0x6d: {  	_ =	shalt  }
0x6e: {  	_ =	shalt  }
0x6f: {  	_ =	shalt  }
0x70: {  	_ =	shalt  }
0x71: {  	_ =	shalt  }
0x72: {  	_ =	shalt  }
0x73: {  	_ =	shalt  }
0x74: {  	_ =	shalt  }
0x75: {  	_ =	shalt  }
0x76: {  	_ =	shalt  }
0x77: {  	_ =	shalt  }
0x78: {  	_ =	shalt  }
0x79: {  	_ =	shalt  }
0x7a: {  	_ =	shalt  }
0x7b: {  	_ =	shalt  }
0x7c: {  	_ =	shalt  }
0x7d: {  	_ =	shalt  }
0x7e: {  	_ =	shalt  }
0x7f: {  	_ =	shalt  }
0x80: {  	_ =	shalt  }
0x81: {  	_ =	shalt  }
0x82: {  	_ =	shalt  }
0x83: {  	_ =	shalt  }
0x84: {  	_ =	shalt  }
0x85: {  	_ =	shalt  }
0x86: {  	_ =	shalt  }
0x87: {  	_ =	shalt  }
.Lfunc_end0:
.L_simem_size_0:
called_computation_lowered:
.L_overlay_start_0:
0x88: {  	s2 =	sld [smem:$0x3FD9]  }
0x89: {  	s3 =	sld [smem:$0x3FFE];
	_ =	sdelay $0x1  }
0x8a: {  	s1 =	srdreg.scid  }
0x8b: {  	s0 =	sand.u32 $0x1, s1  }
0x8c: {  	s17 =	sshll.u32 s0, $0xA;
	s2 =	sadd.s32 s3, s2  }
0x8d: {  	s2 =	sadd.s32 s2, s17  }
0x8e: {  	[smem:$0x3FC3] =	sst s2  }
0x8f: {  	_ = 	snop  }
0x90: {  	s2 =	sld [smem:$0x3FD0];
	(tm) =	ssettm $0x1  }
0x91: {  	s18 =	sld [smem:$0x3FFB];
	_ =	sdelay $0x3  }
0x92: {  	_ =	strace s18  }
0x93: {  	s3 =	sld [smem:$0x3FFC];
	_ =	sdelay $0x3  }
0x94: {  	_ =	strace s3  }
0x95: {  	s3 =	sld [smem:$0x3FFD];
	_ =	sdelay $0x3  }
0x96: {  	_ =	strace s3  }
0x97: {  	_ =	strace $0x8FFFFFFF  }
0x98: {  	s19 =	sld [smem:$0x3FDB];
	_ =	sdelay $0x1  }
0x99: {  	s4 =	simm.s32 $_scs_section_size  }
0x9a: {  	s5 =	simm.s32 $_size__tile_overlayer_lowered;
	s6 =	simm.s32 $_tile_overlayer_lowered  }
0x9b: {  	s22 =	simm.s32 $0x1BFF;
	s21 =	sshll.u32 s6, $0x1;
	s3 =	sadd.s32 s4, s19  }
0x9c: {  	s7 =	simm.s32 $0x0;
	s20 =	sshll.u32 s5, $0x1;
	s5 =	sadd.s32 s21, s3  }
0x9d: {  	[timem:s7], [sflag:s22] =	dma.local [hbm:s5], s20  }
0x9e: {  	_ =	swait.ge [sflag:s22], s20  }
0x9f: {  	s4 =	ssub.s32 $0x0, s20;
	[sflag:s22] =	ssyncset.done $0x0  }
0xa0: {  	[sflag:s22] =	ssyncadd.s32 s4;
	_ =	sdelay $0x1  }
0xa1: {  	s23 =	simm.s32 $0x1B8B  }
0xa2: {  	_ =	swait.ge [sflag:s23], $0x1  }
0xa3: {  	[sflag:s23] =	ssyncset.done $0x0  }
0xa4: {  	s25 =	simm.s32 $0x1B8E;
	s24 =	sld [smem:$0x3FFE];
	[sflag:s23] =	ssyncadd.s32 $0xFFFFFFFF  }
0xa5: {  	s26 =	simm.s32 $execute0_lowered;
	[smem:$0x3FD2] =	sst s25  }
0xa6: {  	s5 =	sshll.u32 s26, $0x1;
	_ =	strace $0x80000046;
	[dreg:$0x1] =	wrdreg $0xFFFFFFFF  }
0xa7: {  	s28 =	simm.s32 $_size_execute0_lowered;
	s3 =	sadd.s32 s3, s5;
	[dreg:$0x0] =	wrdreg $0x0  }
0xa8: {  	s5 =	sshll.u32 s28, $0x1;
	[dreg:$0x2] =	wrdreg s3  }
0xa9: {  	[dreg:$0x3] =	wrdreg s5  }
0xaa: {  	[dreg:$0x4] =	wrdreg $0xC0  }
0xab: {  	_ =	task [dreg:s7], $0x5FFFF  }
0xac: {  	[dreg:$0x1] =	wrdreg $0xFFFFFFFF  }
0xad: {  	[dreg:$0x0] =	wrdreg $0x60  }
0xae: {  	[dreg:$0x2] =	wrdreg s2  }
0xaf: {  	[dreg:$0x3] =	wrdreg s24  }
0xb0: {  	[dreg:$0x4] =	wrdreg $0x52800  }
0xb1: {  	[dreg:$0x5] =	wrdreg $0x9  }
0xb2: {  	_ =	task.clear_ibuf [dreg:s7], $0x6FFFF;
	_ =	strace $0x90000046  }
0xb3: {  	s29 =	simm.s32 $0x9;
	_ =	strace $0x80000048  }
0xb4: {  	_ =	swait.ge [sflag:s29], $0x1  }
0xb5: {  	[sflag:s29] =	ssyncadd.s32 $0xFFFFFFFF  }
0xb6: {  	_ =	strace $0x90000048  }
0xb7: {  	_ =	sfence  }
0xb8: {  	s30 =	sld [smem:$0x0];
	_ =	sdelay $0x2  }
0xb9: {  	s31 =	sshll.u32 s1, $0xD;
	s1 =	sshrl.u32 s1, $0x2  }
0xba: {  	s3 =	sand.u32 $0x4000, s31;
	s1 =	sadd.s32 s1, s30  }
0xbb: {  	s0 =	sor.u32 s3, s0;
	s1 =	sshll.u32 s1, $0x11  }
0xbc: {  	s0 =	sor.u32 s1, s0  }
0xbd: {  	s0 =	sadd.s32 $0x8F2B, s0  }
0xbe: {  	[sflag:s0] =	ssyncadd.remote.s32 $0x1  }
0xbf: {  	_ =	sfence.sel $0xFFFF  }
0xc0: {  	[dreg:$0x0] =	wrdreg $0xFFFFFFFF;
	(pc) =	sbr.abs _section_cstart, $3  }
0xc1: {  	[dreg:$0x1] =	wrdreg $0xFFFFFFFF  }
0xc2: {  	_ =	task.clear_ibuf [dreg:s7], $0x2FFFF;
	_ =	strace $0x9FFFFFFF  }
0xc3: {  	(tm) =	ssettm $0x7FFFFFFF  }
tec
execute0_lowered:
.L_overlay_start_1:
0x0: {  	(tag) =	ssettag $0x1  }
0x1: {  	s4 =	rddreg [dreg:$0x0]  }
0x2: {  	s5 =	rddreg [dreg:$0x1]  }
0x3: {  	s1 =	rddreg [dreg:$0x2]  }
0x4: {  	s2 =	srdreg.scid;
	s0 =	rddreg [dreg:$0x3];
	s3 =	simm.s32 $0x0  }
0x5: {  	s12 =	simm.s32 $0x80;
	s15 =	simm.s32 $0x20;
	s16 =	simm.s32 $0x10  }
0x6: {  	s17 =	simm.s32 $0x0;
	s6 =	sand.u32 $0x1, s2;
	s2 =	stileid.u32  }
0x7: {  	[smem:$0x7FF] =	sst s3;
	s7 =	sshll.u32 s6, $0x4;
	s8 =	smul.u32 $0x500, s2  }
0x8: {  	_ =	strace $0x80000047;
	s9 =	sshll.u32 s6, $0x7;
	s6 =	ssub.s32 $0x2, s6  }
0x9: {  	s30 =	smul.u32 $0xA00, s2;
	s13 =	sshll.u32 s2, $0x6;
	s7 =	sor.u32 s2, s7  }
0xa: {  	s11 =	sshrl.u32 s6, $0x1;
	s13 =	sor.u32 $0x1C01, s13;
	s7 =	smul.u32 $0x500, s7  }
0xb: {  	s8 =	sor.u32 s9, s8;
	s11 =	ssub.s32 s6, s11;
	s31 =	sshrl.u32 s30, $0x2  }
0xc: {  	s9 =	simm.s32 $0x1;
	s8 =	sshrl.u32 s8, $0x3;
	s6 =	sadd.s32 s31, s1  }
0xd: {  	s10 =	sadd.s32 s7, s5;
	s8 =	sadd.s32 s8, s5;
	s4 =	sadd.s32 s4, s7  }
0xe: {  	s14 =	sshrl.u32 s6, $0x3;
	s5 =	sadd.s32 $0x2400, s10;
	s7 =	sadd.s32 $0xC400, s8  }
0xf: {  	v0 =	vimm.f32 $0.0e+00;
	s8 =	smax.u32 s11, $0x1;
	s10 =	simm.s32 $0x2800;
	s11 =	simm.s32 $0x5000  }
.LBB2_1:
0x10: {  	[tilespmem:s3], [sflag:$0x1] =	stream.linear.gather [hbm4b:s4+s3], $0x2800, $0x38;
	[tilespmem:$0x5500] =	vst v63  }
0x11: {  	_ =	swait.ge [sflag:s9], $0x2800  }
0x12: {  	[sflag:s9] =	ssyncset.done $0x0  }
0x13: {  	[sflag:s9] =	ssyncadd.s32 $0xFFFFD800  }
0x14: {  	[tilespmem:s10], [sflag:$0x1] =	stream.linear.gather [hbm4b:s5+s3], $0x2800, $0x38;
	[tilespmem:$0x5500] =	vst v63  }
0x15: {  	_ =	swait.ge [sflag:s9], $0x2800  }
0x16: {  	[sflag:s9] =	ssyncset.done $0x0  }
0x17: {  	[sflag:s9] =	ssyncadd.s32 $0xFFFFD800  }
0x18: {  	[tilespmem:$0x5000] =	vst v0  }
0x19: {  	[tilespmem:$0x5010] =	vst v0  }
0x1a: {  	[tilespmem:$0x5020] =	vst v0  }
0x1b: {  	[tilespmem:$0x5030] =	vst v0  }
0x1c: {  	[tilespmem:$0x5040] =	vst v0  }
0x1d: {  	[tilespmem:$0x5050] =	vst v0  }
0x1e: {  	[tilespmem:$0x5060] =	vst v0  }
0x1f: {  	[tilespmem:$0x5070] =	vst v0  }
0x20: {  	[tilespmem:$0x5080] =	vst v0  }
0x21: {  	[tilespmem:$0x5090] =	vst v0  }
0x22: {  	[tilespmem:$0x50A0] =	vst v0  }
0x23: {  	[tilespmem:$0x50B0] =	vst v0  }
0x24: {  	[tilespmem:$0x50C0] =	vst v0  }
0x25: {  	[tilespmem:$0x50D0] =	vst v0  }
0x26: {  	[tilespmem:$0x50E0] =	vst v0  }
0x27: {  	[tilespmem:$0x50F0] =	vst v0  }
0x28: {  	[tilespmem:$0x5100] =	vst v0  }
0x29: {  	[tilespmem:$0x5110] =	vst v0  }
0x2a: {  	[tilespmem:$0x5120] =	vst v0  }
0x2b: {  	[tilespmem:$0x5130] =	vst v0  }
0x2c: {  	[tilespmem:$0x5140] =	vst v0  }
0x2d: {  	[tilespmem:$0x5150] =	vst v0  }
0x2e: {  	[tilespmem:$0x5160] =	vst v0  }
0x2f: {  	[tilespmem:$0x5170] =	vst v0  }
0x30: {  	[tilespmem:$0x5180] =	vst v0  }
0x31: {  	[tilespmem:$0x5190] =	vst v0  }
0x32: {  	[tilespmem:$0x51A0] =	vst v0  }
0x33: {  	[tilespmem:$0x51B0] =	vst v0  }
0x34: {  	[tilespmem:$0x51C0] =	vst v0  }
0x35: {  	[tilespmem:$0x51D0] =	vst v0  }
0x36: {  	[tilespmem:$0x51E0] =	vst v0  }
0x37: {  	[tilespmem:$0x51F0] =	vst v0  }
0x38: {  	[tilespmem:$0x5200] =	vst v0  }
0x39: {  	[tilespmem:$0x5210] =	vst v0  }
0x3a: {  	[tilespmem:$0x5220] =	vst v0  }
0x3b: {  	[tilespmem:$0x5230] =	vst v0  }
0x3c: {  	[tilespmem:$0x5240] =	vst v0  }
0x3d: {  	[tilespmem:$0x5250] =	vst v0  }
0x3e: {  	[tilespmem:$0x5260] =	vst v0  }
0x3f: {  	[tilespmem:$0x5270] =	vst v0  }
0x40: {  	[spmem:s6] =	stream.linear.scatter [tilespmem:s11], [sflag:$0x1], $0x280, $0x38;
	[tilespmem:$0x5500] =	vst v63  }
0x41: {  	_ =	swait.ge [sflag:s9], $0x280  }
0x42: {  	[sflag:s9] =	ssyncset.done $0x0  }
0x43: {  	[sflag:s9] =	ssyncadd.s32 $0xFFFFFD80  }
0x44: {  	s18 =	simm.s32 $0x0;
	s19 =	simm.s32 $0x2800;
	[bflag:$0x0] =	sbarrier.arrive $0xFFFF  }
0x45: {  	[spmem:s1] =	stream.indirect.scatter.add.f32 [tilespmem:s19], [sflag:$0x1], $0x1, s18, s12, $0xb8;
	[tilespmem:$0x5500] =	vst v63  }
0x46: {  	s18 =	simm.s32 $0x200;
	_ =	swait.ge [sflag:s9], $0x80  }
.LBB2_2:
0x47: {  	s19 =	sshra.s32 s18, $0x2;
	[sflag:s9] =	ssyncset.done $0x0;
	p0 =	sne.s32 s18, $0x9E00  }
.Ltmp0:
0x48: {  	s20 =	sadd.s32 $0x2800, s19;
	[sflag:s9] =	ssyncadd.s32 $0xFFFFFF80;
	(pc) =	sbr.rel @p0 .LBB2_2-.Ltmp0, $3  }
0x49: {  	[spmem:s1] =	stream.indirect.scatter.add.f32 [tilespmem:s20], [sflag:$0x1], $0x1, s19, s12, $0xb8;
	[tilespmem:$0x5500] =	vst v63  }
0x4a: {  	s18 =	sadd.s32 $0x200, s18;
	_ =	sdelay $0x1  }
0x4b: {  	_ =	swait.ge [sflag:s9], $0x80  }
0x4c: {  	[sflag:s9] =	ssyncset.done $0x0;
	s17 =	sadd.s32 $0x1, s17  }
0x4d: {  	[sflag:s9] =	ssyncadd.s32 $0xFFFFFF80;
	p0 =	sne.s32 s17, s8  }
.Ltmp1:
0x4e: {  	[bflag:$0x0] =	sbarrier.arrive $0xFFFF;
	(pc) =	sbr.rel @p0 .LBB2_1-.Ltmp1, $4  }
0x4f: {  	[hbm:s7@s15], [sflag:s13] =	dma.strided [spmem:s14@s16], $0x50, s9, $0x10   }
0x50: {  	_ =	swait.ge [sflag:s9], $0x50  }
0x51: {  	[sflag:s9] =	ssyncset.done $0x0  }
0x52: {  	[sflag:s9] =	ssyncadd.s32 $0xFFFFFFB0  }
0x53: {  	_ =	sfence.sel $0x180000  }
0x54: {  	[bflag:$0x0] =	sbarrier.arrive $0xFFFF  }
0x55: {  	p0 =	sne.s32 s2, $0x0;
	_ =	strace $0x90000047  }
0x56: {  	s0 =	sadd.s32 @!p0 $0x100000, s0;
	[bflag:$0x2] =	sbarrier.arrive $0xFFFF  }
0x57: {  	[sflag:s0] =	ssyncadd.tile.s32 @!p0 $0x1;
	_ =	shalt  }
.Lfunc_end2:
_tile_overlayer_lowered:
.L_overlay_start_2:
0x58: {  	(tag) =	ssettag $0x2  }
0x59: {  	s0 =	rddreg [dreg:$0x0];
	s2 =	stileid.u32  }
0x5a: {  	s1 =	rddreg [dreg:$0x1];
	p0 =	sne.s32 s2, $0x0  }
0x5b: {  	s3 =	rddreg [dreg:$0x2];
	[bflag:$0x3] =	sbarrier.arrive $0xFFFF;
	s2 =	simm.s32 @!p0 $0x1C01  }
0x5c: {  	[timem:s3], [sflag:s2] =	dma.local @!p0 [hbm:s0], s1  }
0x5d: {  	s0 =	simm.s32 @!p0 $0x1  }
0x5e: {  	_ =	swait.ge @!p0 [sflag:s0], s1  }
0x5f: {  	s1 =	ssub.s32 @!p0 $0x0, s1;
	[sflag:s0] =	ssyncset.done @!p0 $0x0  }
0x60: {  	[sflag:s0] =	ssyncadd.s32 @!p0 s1  }
0x61: {  	[bflag:$0x3] =	sbarrier.arrive $0xFFFF  }
0x62: {  	_ =	shalt  }

</sc_bundles>
